<compile_context>
chip_gen: v7x
topology: tpu7x:2x2x1
jax: 0.10.2.dev20260603
libtpu: 0.0.44.dev20260713+nightly
codegen_flags: <defaults>
</compile_context>

<pallas_src>
import functools

import jax
import jax.numpy as jnp
from jax import lax
from jax.experimental import pallas as pl
from jax.experimental.pallas import tpu as pltpu
import jax.experimental.pallas.tpu_sc as plsc

_B, _L = 4096, 200
_N = _B * _L
_D = 64
_DA = 128
_M = 128
_V = 100000
_NP = 512
_NW = 32
_SPW = _B // _NW
_LP = 208


def _prep_body(t_ref, pw_ref, aug_ref, posT_ref, pst_ref):
    t = t_ref[...]
    s = jnp.sum(t, axis=-1, keepdims=True)
    q = jnp.sum(t * t, axis=-1, keepdims=True)
    pad = jnp.zeros((t.shape[0], _DA - _D - 2), jnp.float32)
    aug_ref[...] = jnp.concatenate([t, s, q, pad], axis=-1)

    @pl.when(pl.program_id(0) == 0)
    def _():
        p = pw_ref[...].T[:_L]
        posT_ref[...] = p
        sp = jnp.sum(p, axis=-1, keepdims=True)
        qp = jnp.sum(p * p, axis=-1, keepdims=True)
        ppad = jnp.zeros((_L, 14), jnp.float32)
        pst_ref[...] = jnp.concatenate([sp, qp, ppad], axis=-1)


def _tc_prep(table, pos_weight):
    R = 10000
    return pl.pallas_call(
        _prep_body,
        grid=(_V // R,),
        in_specs=[pl.BlockSpec((R, _D), lambda i: (i, 0)),
                  pl.BlockSpec((_D, _NP), lambda i: (0, 0))],
        out_specs=[pl.BlockSpec((R, _DA), lambda i: (i, 0)),
                   pl.BlockSpec((_L, _D), lambda i: (0, 0)),
                   pl.BlockSpec((_L, 16), lambda i: (0, 0))],
        out_shape=[jax.ShapeDtypeStruct((_V, _DA), jnp.float32),
                   jax.ShapeDtypeStruct((_L, _D), jnp.float32),
                   jax.ShapeDtypeStruct((_L, 16), jnp.float32)],
    )(table, pos_weight)


def _fused(x, aug_tab, posT, pst, gamma, beta):
    mesh = plsc.VectorSubcoreMesh(core_axis_name="c", subcore_axis_name="s")

    @functools.partial(
        pl.kernel,
        out_type=jax.ShapeDtypeStruct((_B, _L, _M), jnp.float32),
        mesh=mesh,
        scratch_types=[
            pltpu.VMEM((_SPW, _L), jnp.int32),
            pltpu.VMEM((_L, _D), jnp.float32),
            pltpu.VMEM((_M,), jnp.float32),
            pltpu.VMEM((_M,), jnp.float32),
            pltpu.VMEM((_LP, 16), jnp.float32),
            pltpu.VMEM((_LP, _DA), jnp.float32),
            pltpu.VMEM((_LP, _DA), jnp.float32),
            pltpu.VMEM((_LP, _DA), jnp.float32),
            pltpu.SemaphoreType.DMA,
            pltpu.SemaphoreType.DMA,
            pltpu.SemaphoreType.DMA,
            pltpu.SemaphoreType.DMA,
            pltpu.SemaphoreType.DMA,
            pltpu.SemaphoreType.DMA,
        ],
        compiler_params=pltpu.CompilerParams(
            use_tc_tiling_on_sc=False, needs_layout_passes=False),
    )
    def k(x_hbm, tab_hbm, pos_hbm, pst_hbm, g_hbm, b_hbm, out_hbm,
          idx_all, P_v, g_v, b_v, PST_v, buf0, buf1, buf2,
          gsem0, gsem1, gsem2, wsem0, wsem1, wsem2):
        wid = lax.axis_index("s") * 2 + lax.axis_index("c")
        sbase = pl.multiple_of(wid * _SPW, 8)

        pltpu.sync_copy(x_hbm.at[pl.ds(sbase, _SPW)], idx_all)
        pltpu.sync_copy(pos_hbm, P_v)
        pltpu.sync_copy(pst_hbm, PST_v.at[pl.ds(0, _L)])
        pltpu.sync_copy(g_hbm, g_v)
        pltpu.sync_copy(b_hbm, b_v)

        iota16 = lax.iota(jnp.int32, 16)
        c64 = jnp.full((16,), _D, jnp.int32)
        c65 = jnp.full((16,), _D + 1, jnp.int32)
        c0 = jnp.zeros((16,), jnp.int32)
        c1 = jnp.ones((16,), jnp.int32)
        cmagic = jnp.full((16,), 0x5F3759DF, jnp.int32)

        gv = [g_v[pl.ds(t * 16, 16)] for t in range(8)]
        bv = [b_v[pl.ds(t * 16, 16)] for t in range(8)]

        bufs = (buf0, buf1, buf2)
        gsems = (gsem0, gsem1, gsem2)
        wsems = (wsem0, wsem1, wsem2)

        def start_gather(i, c):
            pltpu.async_copy(tab_hbm.at[idx_all.at[i, pl.ds(0, 128)]],
                             bufs[c].at[pl.ds(0, 128)], gsems[c])
            pltpu.async_copy(tab_hbm.at[idx_all.at[i, pl.ds(128, 72)]],
                             bufs[c].at[pl.ds(128, 72)], gsems[c])

        def wait_gather(c):
            pltpu.make_async_copy(
                tab_hbm.at[idx_all.at[0, pl.ds(0, 128)]],
                bufs[c].at[pl.ds(0, 128)], gsems[c]).wait()
            pltpu.make_async_copy(
                tab_hbm.at[idx_all.at[0, pl.ds(128, 72)]],
                bufs[c].at[pl.ds(128, 72)], gsems[c]).wait()

        def start_write(i, c):
            pltpu.async_copy(bufs[c].at[pl.ds(0, _L)],
                             out_hbm.at[sbase + i], wsems[c])

        def wait_write(c):
            pltpu.make_async_copy(bufs[c].at[pl.ds(0, _L)],
                                  out_hbm.at[0], wsems[c]).wait()

        def compute(c):
            r_ref = bufs[c]

            def do_group(r0, nrow):
                lvec = r0 + iota16
                S = plsc.load_gather(r_ref, [lvec, c64])
                Q = plsc.load_gather(r_ref, [lvec, c65])
                Sp = plsc.load_gather(PST_v, [lvec, c0])
                Qp = plsc.load_gather(PST_v, [lvec, c1])
                mu = (S + Sp) * (1.0 / _M)
                var = (Q + Qp) * (1.0 / _M) - mu * mu + 1e-5
                seed = cmagic - lax.shift_right_logical(
                    plsc.bitcast(var, jnp.int32), 1)
                y = plsc.bitcast(seed, jnp.float32)
                hx = 0.5 * var
                y = y * (1.5 - hx * y * y)
                y = y * (1.5 - hx * y * y)
                t1 = mu * y

                @plsc.parallel_loop(0, nrow, 1, unroll=4,
                                    carry=jnp.zeros((16,), jnp.int32))
                def rowp(j, jv):
                    jj = r0 + j
                    e = [r_ref[jj, pl.ds(t * 16, 16)] for t in range(4)]
                    p = [P_v[jj, pl.ds(t * 16, 16)] for t in range(4)]
                    ybc = y.at[jv].get(mode="promise_in_bounds")
                    tbc = t1.at[jv].get(mode="promise_in_bounds")
                    for t in range(4):
                        r_ref[jj, pl.ds(t * 16, 16)] = (
                            (e[t] * ybc - tbc) * gv[t] + bv[t])
                    for t in range(4):
                        r_ref[jj, pl.ds(_D + t * 16, 16)] = (
                            (p[t] * ybc - tbc) * gv[4 + t] + bv[4 + t])
                    return jv + 1

            def group(g, carry):
                do_group(g * 16, 16)
                return carry

            lax.fori_loop(0, _L // 16, group, 0)
            do_group(192, _L - 16 * (_L // 16))

        start_gather(0, 0)
        start_gather(1, 1)
        start_gather(2, 2)

        def step(ii, carry):
            for sub in range(3):
                i = ii * 3 + sub
                c = sub
                b = (sub + 2) % 3

                @pl.when(i < _SPW)
                def _():
                    wait_gather(c)
                    compute(c)
                    start_write(i, c)

                    @pl.when(jnp.logical_and(i >= 1, i + 2 < _SPW))
                    def _():
                        wait_write(b)
                        start_gather(i + 2, b)

            return carry

        lax.fori_loop(0, (_SPW + 2) // 3, step, 0)
        wait_write(0)
        wait_write(1)
        wait_write(2)

    return k(x, aug_tab, posT, pst, gamma, beta)


def kernel(x, table, pos_weight, ln_gamma, ln_beta):
    aug, posT, pst = _tc_prep(table, pos_weight)
    return _fused(x.astype(jnp.int32), aug, posT, pst, ln_gamma, ln_beta)

# --- scband reference (transcript-rebuilt; emitter-appended) ---
"""Pipeline reference for scband-meta-dec-head-68135361183957 (READ-ONLY COPY).

The authoritative reference and input builder live on the scoring server;
editing this copy changes nothing except your own understanding.
"""

import jax, jax.numpy as jnp
import numpy as np

VOCAB = 100000
WDIM = 64
NUM_P = 512
P_DIM = 64
M_DIM = 128  # WDIM + P_DIM, so fc0 is None in the original module
PAD_IDX = 0
B, L = 4096, 200


def setup_inputs(seed: int = 0) -> dict:
    key = jax.random.key(seed)
    k_x, k_tab, k_pos, k_g, k_b = jax.random.split(key, 5)
    x = jax.random.randint(k_x, (B, L), 0, VOCAB, dtype=jnp.int64) if jax.config.jax_enable_x64 else jax.random.randint(k_x, (B, L), 0, VOCAB, dtype=jnp.int32)
    table = jax.random.normal(k_tab, (VOCAB, WDIM), dtype=jnp.float32)
    # padding_idx row is zero, as in nn.Embedding(padding_idx=PAD_IDX)
    table = table.at[PAD_IDX].set(0.0)
    # nn.Linear(num_p, p_dim, bias=False).weight has shape [p_dim, num_p]
    pos_weight = jax.random.normal(k_pos, (P_DIM, NUM_P), dtype=jnp.float32) * 0.02
    ln_gamma = jnp.ones((M_DIM,), dtype=jnp.float32)
    ln_beta = jnp.zeros((M_DIM,), dtype=jnp.float32)
    return {"x": x, "table": table, "pos_weight": pos_weight, "ln_gamma": ln_gamma, "ln_beta": ln_beta}


def _layer_norm(h, gamma, beta, eps=1e-5):
    mu = jnp.mean(h, axis=-1, keepdims=True)
    var = jnp.mean(jnp.square(h - mu), axis=-1, keepdims=True)
    return (h - mu) / jnp.sqrt(var + eps) * gamma + beta


def reference(x, table, pos_weight, ln_gamma, ln_beta):
    # token embedding lookup (gather)
    emb = jnp.take(table, x, axis=0)                      # [B, L, WDIM]
    # learned positional embedding: weight[:, :L].T -> [L, P_DIM]
    Lcur = emb.shape[1]
    positions = jnp.transpose(pos_weight[:, :Lcur], (1, 0))  # [L, P_DIM]
    positions = jnp.broadcast_to(positions[None, :, :], (emb.shape[0], Lcur, positions.shape[-1]))
    # cat_p = True -> concatenate along feature dim
    h = jnp.concatenate([emb, positions], axis=-1)        # [B, L, M_DIM]
    # fc0 is None because input_channels == m_dim; only LayerNorm applies
    out = _layer_norm(h, ln_gamma, ln_beta)
    return out

if __name__ == "__main__":
    import jax
    _d = setup_inputs()
    print(jax.jit(kernel)(*tuple(_d.values())))

</pallas_src>

<mosaic_0001>
#map = affine_map<(d0, d1) -> (0, 0)>
#map1 = affine_map<(d0, d1) -> (0)>
#map2 = affine_map<(d0, d1) -> (0, 0, 0)>
module attributes {stable_mosaic.version = 14 : i64} {
  func.func @k(%arg0: i32, %arg1: i32, %arg2: memref<4096x200xi32, #tpu.memory_space<hbm>>, %arg3: memref<100000x128xf32, #tpu.memory_space<hbm>>, %arg4: memref<200x64xf32, #tpu.memory_space<hbm>>, %arg5: memref<200x16xf32, #tpu.memory_space<hbm>>, %arg6: memref<128xf32, #tpu.memory_space<hbm>>, %arg7: memref<128xf32, #tpu.memory_space<hbm>>, %arg8: memref<4096x200x128xf32, #tpu.memory_space<hbm>>, %arg9: memref<128x200xi32, #tpu.memory_space<vmem>>, %arg10: memref<200x64xf32, #tpu.memory_space<vmem>>, %arg11: memref<128xf32, #tpu.memory_space<vmem>>, %arg12: memref<128xf32, #tpu.memory_space<vmem>>, %arg13: memref<208x16xf32, #tpu.memory_space<vmem>>, %arg14: memref<208x128xf32, #tpu.memory_space<vmem>>, %arg15: memref<208x128xf32, #tpu.memory_space<vmem>>, %arg16: memref<208x128xf32, #tpu.memory_space<vmem>>, %arg17: memref<!tpu.dma_semaphore, #tpu.memory_space<semaphore_mem>>, %arg18: memref<!tpu.dma_semaphore, #tpu.memory_space<semaphore_mem>>, %arg19: memref<!tpu.dma_semaphore, #tpu.memory_space<semaphore_mem>>, %arg20: memref<!tpu.dma_semaphore, #tpu.memory_space<semaphore_mem>>, %arg21: memref<!tpu.dma_semaphore, #tpu.memory_space<semaphore_mem>>, %arg22: memref<!tpu.dma_semaphore, #tpu.memory_space<semaphore_mem>>) attributes {dimension_semantics = [#tpu.dimension_semantics<core_parallel>, #tpu.dimension_semantics<subcore_parallel>], iteration_bounds = array<i64: 2, 16>, scalar_prefetch = 0 : i64, scratch_operands = 14 : i64, tpu.core_type = #tpu.core_type<sc_vector_subcore>, window_params = [{transform_indices = #map}, {transform_indices = #map}, {transform_indices = #map}, {transform_indices = #map}, {transform_indices = #map1}, {transform_indices = #map1}, {transform_indices = #map2}]} {
    %mul3A = arith.constant 2 : i32
    %mul3A_0 = arith.muli %arg1, %mul3A : i32
    %add3A = arith.addi %mul3A_0, %arg0 : i32
    %mul3A_1 = arith.constant 128 : i32
    %mul3A_2 = arith.muli %add3A, %mul3A_1 : i32
    %multiple_of3A = tpu.assume_multiple %mul3A_2, 8 : i32
    "tpu.region"() ({
      %run_scoped3A = tpu.sem_alloc : memref<!tpu.dma_semaphore, #tpu.memory_space<semaphore_mem>>
      %dma_start3A_151 = arith.constant 0 : i32
      %dma_start3A_152 = tpu.memref_slice %arg2[%multiple_of3A, %dma_start3A_151] : memref<4096x200xi32, #tpu.memory_space<hbm>> -> memref<128x200xi32, #tpu.memory_space<hbm>>
      %dma_start3A_153 = arith.constant 0 : i32
      %dma_start3A_154 = tpu.memref_slice %arg2[%multiple_of3A, %dma_start3A_153] : memref<4096x200xi32, #tpu.memory_space<hbm>> -> memref<128x200xi32, #tpu.memory_space<hbm>>
      tpu.enqueue_dma source(%dma_start3A_154 : memref<128x200xi32, #tpu.memory_space<hbm>>) target(%arg9 : memref<128x200xi32, #tpu.memory_space<vmem>>) target_semaphore(%run_scoped3A : memref<!tpu.dma_semaphore, #tpu.memory_space<semaphore_mem>>)
      %dma_wait3A_155 = arith.constant 0 : i32
      %dma_wait3A_156 = tpu.memref_slice %arg2[%multiple_of3A, %dma_wait3A_155] : memref<4096x200xi32, #tpu.memory_space<hbm>> -> memref<128x200xi32, #tpu.memory_space<hbm>>
      %dma_wait3A_157 = arith.constant 0 : i32
      %dma_wait3A_158 = tpu.memref_slice %arg2[%multiple_of3A, %dma_wait3A_157] : memref<4096x200xi32, #tpu.memory_space<hbm>> -> memref<128x200xi32, #tpu.memory_space<hbm>>
      tpu.wait_dma2 semaphore(%run_scoped3A : memref<!tpu.dma_semaphore, #tpu.memory_space<semaphore_mem>>) src(%dma_wait3A_158 : memref<128x200xi32, #tpu.memory_space<hbm>>) dst(%arg9 : memref<128x200xi32, #tpu.memory_space<vmem>>)
      tpu.yield
    }) : () -> ()
    "tpu.region"() ({
      %run_scoped3A = tpu.sem_alloc : memref<!tpu.dma_semaphore, #tpu.memory_space<semaphore_mem>>
      tpu.enqueue_dma source(%arg4 : memref<200x64xf32, #tpu.memory_space<hbm>>) target(%arg10 : memref<200x64xf32, #tpu.memory_space<vmem>>) target_semaphore(%run_scoped3A : memref<!tpu.dma_semaphore, #tpu.memory_space<semaphore_mem>>)
      tpu.wait_dma2 semaphore(%run_scoped3A : memref<!tpu.dma_semaphore, #tpu.memory_space<semaphore_mem>>) src(%arg4 : memref<200x64xf32, #tpu.memory_space<hbm>>) dst(%arg10 : memref<200x64xf32, #tpu.memory_space<vmem>>)
      tpu.yield
    }) : () -> ()
    "tpu.region"() ({
      %run_scoped3A = tpu.sem_alloc : memref<!tpu.dma_semaphore, #tpu.memory_space<semaphore_mem>>
      %dma_start3A_151 = arith.constant 0 : i32
      %dma_start3A_152 = arith.constant 0 : i32
      %dma_start3A_153 = tpu.memref_slice %arg13[%dma_start3A_151, %dma_start3A_152] : memref<208x16xf32, #tpu.memory_space<vmem>> -> memref<200x16xf32, #tpu.memory_space<vmem>>
      %dma_start3A_154 = arith.constant 0 : i32
      %dma_start3A_155 = arith.constant 0 : i32
      %dma_start3A_156 = tpu.memref_slice %arg13[%dma_start3A_154, %dma_start3A_155] : memref<208x16xf32, #tpu.memory_space<vmem>> -> memref<200x16xf32, #tpu.memory_space<vmem>>
      tpu.enqueue_dma source(%arg5 : memref<200x16xf32, #tpu.memory_space<hbm>>) target(%dma_start3A_156 : memref<200x16xf32, #tpu.memory_space<vmem>>) target_semaphore(%run_scoped3A : memref<!tpu.dma_semaphore, #tpu.memory_space<semaphore_mem>>)
      %dma_wait3A_157 = arith.constant 0 : i32
      %dma_wait3A_158 = arith.constant 0 : i32
      %dma_wait3A_159 = tpu.memref_slice %arg13[%dma_wait3A_157, %dma_wait3A_158] : memref<208x16xf32, #tpu.memory_space<vmem>> -> memref<200x16xf32, #tpu.memory_space<vmem>>
      %dma_wait3A_160 = arith.constant 0 : i32
      %dma_wait3A_161 = arith.constant 0 : i32
      %dma_wait3A_162 = tpu.memref_slice %arg13[%dma_wait3A_160, %dma_wait3A_161] : memref<208x16xf32, #tpu.memory_space<vmem>> -> memref<200x16xf32, #tpu.memory_space<vmem>>
      tpu.wait_dma2 semaphore(%run_scoped3A : memref<!tpu.dma_semaphore, #tpu.memory_space<semaphore_mem>>) src(%arg5 : memref<200x16xf32, #tpu.memory_space<hbm>>) dst(%dma_wait3A_162 : memref<200x16xf32, #tpu.memory_space<vmem>>)
      tpu.yield
    }) : () -> ()
    "tpu.region"() ({
      %run_scoped3A = tpu.sem_alloc : memref<!tpu.dma_semaphore, #tpu.memory_space<semaphore_mem>>
      tpu.enqueue_dma source(%arg6 : memref<128xf32, #tpu.memory_space<hbm>>) target(%arg11 : memref<128xf32, #tpu.memory_space<vmem>>) target_semaphore(%run_scoped3A : memref<!tpu.dma_semaphore, #tpu.memory_space<semaphore_mem>>)
      tpu.wait_dma2 semaphore(%run_scoped3A : memref<!tpu.dma_semaphore, #tpu.memory_space<semaphore_mem>>) src(%arg6 : memref<128xf32, #tpu.memory_space<hbm>>) dst(%arg11 : memref<128xf32, #tpu.memory_space<vmem>>)
      tpu.yield
    }) : () -> ()
    "tpu.region"() ({
      %run_scoped3A = tpu.sem_alloc : memref<!tpu.dma_semaphore, #tpu.memory_space<semaphore_mem>>
      tpu.enqueue_dma source(%arg7 : memref<128xf32, #tpu.memory_space<hbm>>) target(%arg12 : memref<128xf32, #tpu.memory_space<vmem>>) target_semaphore(%run_scoped3A : memref<!tpu.dma_semaphore, #tpu.memory_space<semaphore_mem>>)
      tpu.wait_dma2 semaphore(%run_scoped3A : memref<!tpu.dma_semaphore, #tpu.memory_space<semaphore_mem>>) src(%arg7 : memref<128xf32, #tpu.memory_space<hbm>>) dst(%arg12 : memref<128xf32, #tpu.memory_space<vmem>>)
      tpu.yield
    }) : () -> ()
    %iota3A = tpu.iota {dimensions = array<i32: 0>} : vector<16xi32>
    %broadcast_in_dim3A = arith.constant 64 : i32
    %broadcast_in_dim3A_3 = vector.broadcast %broadcast_in_dim3A : i32 to vector<16xi32>
    %broadcast_in_dim3A_4 = arith.constant 65 : i32
    %broadcast_in_dim3A_5 = vector.broadcast %broadcast_in_dim3A_4 : i32 to vector<16xi32>
    %broadcast_in_dim3A_6 = arith.constant 0 : i32
    %broadcast_in_dim3A_7 = vector.broadcast %broadcast_in_dim3A_6 : i32 to vector<16xi32>
    %broadcast_in_dim3A_8 = arith.constant 1 : i32
    %broadcast_in_dim3A_9 = vector.broadcast %broadcast_in_dim3A_8 : i32 to vector<16xi32>
    %broadcast_in_dim3A_10 = arith.constant 1597463007 : i32
    %broadcast_in_dim3A_11 = vector.broadcast %broadcast_in_dim3A_10 : i32 to vector<16xi32>
    %get3A = arith.constant 0 : index
    %get3A_12 = tpu.vector_load %arg11[%get3A] {strides = array<i32>} : memref<128xf32, #tpu.memory_space<vmem>>, vector<16xf32>,
    %get3A_13 = arith.constant 16 : index
    %get3A_14 = tpu.vector_load %arg11[%get3A_13] {strides = array<i32>} : memref<128xf32, #tpu.memory_space<vmem>>, vector<16xf32>,
    %get3A_15 = arith.constant 32 : index
    %get3A_16 = tpu.vector_load %arg11[%get3A_15] {strides = array<i32>} : memref<128xf32, #tpu.memory_space<vmem>>, vector<16xf32>,
    %get3A_17 = arith.constant 48 : index
    %get3A_18 = tpu.vector_load %arg11[%get3A_17] {strides = array<i32>} : memref<128xf32, #tpu.memory_space<vmem>>, vector<16xf32>,
    %get3A_19 = arith.constant 64 : index
    %get3A_20 = tpu.vector_load %arg11[%get3A_19] {strides = array<i32>} : memref<128xf32, #tpu.memory_space<vmem>>, vector<16xf32>,
    %get3A_21 = arith.constant 80 : index
    %get3A_22 = tpu.vector_load %arg11[%get3A_21] {strides = array<i32>} : memref<128xf32, #tpu.memory_space<vmem>>, vector<16xf32>,
    %get3A_23 = arith.constant 96 : index
    %get3A_24 = tpu.vector_load %arg11[%get3A_23] {strides = array<i32>} : memref<128xf32, #tpu.memory_space<vmem>>, vector<16xf32>,
    %get3A_25 = arith.constant 112 : index
    %get3A_26 = tpu.vector_load %arg11[%get3A_25] {strides = array<i32>} : memref<128xf32, #tpu.memory_space<vmem>>, vector<16xf32>,
    %get3A_27 = arith.constant 0 : index
    %get3A_28 = tpu.vector_load %arg12[%get3A_27] {strides = array<i32>} : memref<128xf32, #tpu.memory_space<vmem>>, vector<16xf32>,
    %get3A_29 = arith.constant 16 : index
    %get3A_30 = tpu.vector_load %arg12[%get3A_29] {strides = array<i32>} : memref<128xf32, #tpu.memory_space<vmem>>, vector<16xf32>,
    %get3A_31 = arith.constant 32 : index
    %get3A_32 = tpu.vector_load %arg12[%get3A_31] {strides = array<i32>} : memref<128xf32, #tpu.memory_space<vmem>>, vector<16xf32>,
    %get3A_33 = arith.constant 48 : index
    %get3A_34 = tpu.vector_load %arg12[%get3A_33] {strides = array<i32>} : memref<128xf32, #tpu.memory_space<vmem>>, vector<16xf32>,
    %get3A_35 = arith.constant 64 : index
    %get3A_36 = tpu.vector_load %arg12[%get3A_35] {strides = array<i32>} : memref<128xf32, #tpu.memory_space<vmem>>, vector<16xf32>,
    %get3A_37 = arith.constant 80 : index
    %get3A_38 = tpu.vector_load %arg12[%get3A_37] {strides = array<i32>} : memref<128xf32, #tpu.memory_space<vmem>>, vector<16xf32>,
    %get3A_39 = arith.constant 96 : index
    %get3A_40 = tpu.vector_load %arg12[%get3A_39] {strides = array<i32>} : memref<128xf32, #tpu.memory_space<vmem>>, vector<16xf32>,
    %get3A_41 = arith.constant 112 : index
    %get3A_42 = tpu.vector_load %arg12[%get3A_41] {strides = array<i32>} : memref<128xf32, #tpu.memory_space<vmem>>, vector<16xf32>,
    %dma_start3A = arith.constant 0 : i32
    %dma_start3A_43 = arith.constant 0 : i32
    %dma_start3A_44 = arith.constant 0 : i32
    %dma_start3A_45 = tpu.memref_slice %arg14[%dma_start3A_43, %dma_start3A_44] : memref<208x128xf32, #tpu.memory_space<vmem>> -> memref<128x128xf32, #tpu.memory_space<vmem>>
    %dma_start3A_46 = arith.constant 0 : i32
    %dma_start3A_47 = tpu.memref_slice %arg9[%dma_start3A, %dma_start3A_46] : memref<128x200xi32, #tpu.memory_space<vmem>> -> memref<1x128xi32, #tpu.memory_space<vmem>>
    %dma_start3A_48 = tpu.memref_squeeze %dma_start3A_47 : memref<1x128xi32, #tpu.memory_space<vmem>> -> memref<128xi32, #tpu.memory_space<vmem>>
    %dma_start3A_49 = arith.constant 0 : i32
    %dma_start3A_50 = arith.constant 0 : i32
    %dma_start3A_51 = tpu.memref_slice %arg3[%dma_start3A_49, %dma_start3A_50] : memref<100000x128xf32, #tpu.memory_space<hbm>> -> memref<100000x128xf32, #tpu.memory_space<hbm>>
    tpu.enqueue_indirect_dma source(%dma_start3A_51 : memref<100000x128xf32, #tpu.memory_space<hbm>>) target(%dma_start3A_45 : memref<128x128xf32, #tpu.memory_space<vmem>>) offsets(%dma_start3A_48 : memref<128xi32, #tpu.memory_space<vmem>>) semaphore(%arg17 : memref<!tpu.dma_semaphore, #tpu.memory_space<semaphore_mem>>)
    %dma_start3A_52 = arith.constant 0 : i32
    %dma_start3A_53 = arith.constant 128 : i32
    %dma_start3A_54 = arith.constant 0 : i32
    %dma_start3A_55 = tpu.memref_slice %arg14[%dma_start3A_53, %dma_start3A_54] : memref<208x128xf32, #tpu.memory_space<vmem>> -> memref<72x128xf32, #tpu.memory_space<vmem>>
    %dma_start3A_56 = arith.constant 128 : i32
    %dma_start3A_57 = tpu.memref_slice %arg9[%dma_start3A_52, %dma_start3A_56] : memref<128x200xi32, #tpu.memory_space<vmem>> -> memref<1x72xi32, #tpu.memory_space<vmem>>
    %dma_start3A_58 = tpu.memref_squeeze %dma_start3A_57 : memref<1x72xi32, #tpu.memory_space<vmem>> -> memref<72xi32, #tpu.memory_space<vmem>>
    %dma_start3A_59 = arith.constant 0 : i32
    %dma_start3A_60 = arith.constant 0 : i32
    %dma_start3A_61 = tpu.memref_slice %arg3[%dma_start3A_59, %dma_start3A_60] : memref<100000x128xf32, #tpu.memory_space<hbm>> -> memref<100000x128xf32, #tpu.memory_space<hbm>>
    tpu.enqueue_indirect_dma source(%dma_start3A_61 : memref<100000x128xf32, #tpu.memory_space<hbm>>) target(%dma_start3A_55 : memref<72x128xf32, #tpu.memory_space<vmem>>) offsets(%dma_start3A_58 : memref<72xi32, #tpu.memory_space<vmem>>) semaphore(%arg17 : memref<!tpu.dma_semaphore, #tpu.memory_space<semaphore_mem>>)
    %dma_start3A_62 = arith.constant 1 : i32
    %dma_start3A_63 = arith.constant 0 : i32
    %dma_start3A_64 = arith.constant 0 : i32
    %dma_start3A_65 = tpu.memref_slice %arg15[%dma_start3A_63, %dma_start3A_64] : memref<208x128xf32, #tpu.memory_space<vmem>> -> memref<128x128xf32, #tpu.memory_space<vmem>>
    %dma_start3A_66 = arith.constant 0 : i32
    %dma_start3A_67 = tpu.memref_slice %arg9[%dma_start3A_62, %dma_start3A_66] : memref<128x200xi32, #tpu.memory_space<vmem>> -> memref<1x128xi32, #tpu.memory_space<vmem>>
    %dma_start3A_68 = tpu.memref_squeeze %dma_start3A_67 : memref<1x128xi32, #tpu.memory_space<vmem>> -> memref<128xi32, #tpu.memory_space<vmem>>
    %dma_start3A_69 = arith.constant 0 : i32
    %dma_start3A_70 = arith.constant 0 : i32
    %dma_start3A_71 = tpu.memref_slice %arg3[%dma_start3A_69, %dma_start3A_70] : memref<100000x128xf32, #tpu.memory_space<hbm>> -> memref<100000x128xf32, #tpu.memory_space<hbm>>
    tpu.enqueue_indirect_dma source(%dma_start3A_71 : memref<100000x128xf32, #tpu.memory_space<hbm>>) target(%dma_start3A_65 : memref<128x128xf32, #tpu.memory_space<vmem>>) offsets(%dma_start3A_68 : memref<128xi32, #tpu.memory_space<vmem>>) semaphore(%arg18 : memref<!tpu.dma_semaphore, #tpu.memory_space<semaphore_mem>>)
    %dma_start3A_72 = arith.constant 1 : i32
    %dma_start3A_73 = arith.constant 128 : i32
    %dma_start3A_74 = arith.constant 0 : i32
    %dma_start3A_75 = tpu.memref_slice %arg15[%dma_start3A_73, %dma_start3A_74] : memref<208x128xf32, #tpu.memory_space<vmem>> -> memref<72x128xf32, #tpu.memory_space<vmem>>
    %dma_start3A_76 = arith.constant 128 : i32
    %dma_start3A_77 = tpu.memref_slice %arg9[%dma_start3A_72, %dma_start3A_76] : memref<128x200xi32, #tpu.memory_space<vmem>> -> memref<1x72xi32, #tpu.memory_space<vmem>>
    %dma_start3A_78 = tpu.memref_squeeze %dma_start3A_77 : memref<1x72xi32, #tpu.memory_space<vmem>> -> memref<72xi32, #tpu.memory_space<vmem>>
    %dma_start3A_79 = arith.constant 0 : i32
    %dma_start3A_80 = arith.constant 0 : i32
    %dma_start3A_81 = tpu.memref_slice %arg3[%dma_start3A_79, %dma_start3A_80] : memref<100000x128xf32, #tpu.memory_space<hbm>> -> memref<100000x128xf32, #tpu.memory_space<hbm>>
    tpu.enqueue_indirect_dma source(%dma_start3A_81 : memref<100000x128xf32, #tpu.memory_space<hbm>>) target(%dma_start3A_75 : memref<72x128xf32, #tpu.memory_space<vmem>>) offsets(%dma_start3A_78 : memref<72xi32, #tpu.memory_space<vmem>>) semaphore(%arg18 : memref<!tpu.dma_semaphore, #tpu.memory_space<semaphore_mem>>)
    %dma_start3A_82 = arith.constant 2 : i32
    %dma_start3A_83 = arith.constant 0 : i32
    %dma_start3A_84 = arith.constant 0 : i32
    %dma_start3A_85 = tpu.memref_slice %arg16[%dma_start3A_83, %dma_start3A_84] : memref<208x128xf32, #tpu.memory_space<vmem>> -> memref<128x128xf32, #tpu.memory_space<vmem>>
    %dma_start3A_86 = arith.constant 0 : i32
    %dma_start3A_87 = tpu.memref_slice %arg9[%dma_start3A_82, %dma_start3A_86] : memref<128x200xi32, #tpu.memory_space<vmem>> -> memref<1x128xi32, #tpu.memory_space<vmem>>
    %dma_start3A_88 = tpu.memref_squeeze %dma_start3A_87 : memref<1x128xi32, #tpu.memory_space<vmem>> -> memref<128xi32, #tpu.memory_space<vmem>>
    %dma_start3A_89 = arith.constant 0 : i32
    %dma_start3A_90 = arith.constant 0 : i32
    %dma_start3A_91 = tpu.memref_slice %arg3[%dma_start3A_89, %dma_start3A_90] : memref<100000x128xf32, #tpu.memory_space<hbm>> -> memref<100000x128xf32, #tpu.memory_space<hbm>>
    tpu.enqueue_indirect_dma source(%dma_start3A_91 : memref<100000x128xf32, #tpu.memory_space<hbm>>) target(%dma_start3A_85 : memref<128x128xf32, #tpu.memory_space<vmem>>) offsets(%dma_start3A_88 : memref<128xi32, #tpu.memory_space<vmem>>) semaphore(%arg19 : memref<!tpu.dma_semaphore, #tpu.memory_space<semaphore_mem>>)
    %dma_start3A_92 = arith.constant 2 : i32
    %dma_start3A_93 = arith.constant 128 : i32
    %dma_start3A_94 = arith.constant 0 : i32
    %dma_start3A_95 = tpu.memref_slice %arg16[%dma_start3A_93, %dma_start3A_94] : memref<208x128xf32, #tpu.memory_space<vmem>> -> memref<72x128xf32, #tpu.memory_space<vmem>>
    %dma_start3A_96 = arith.constant 128 : i32
    %dma_start3A_97 = tpu.memref_slice %arg9[%dma_start3A_92, %dma_start3A_96] : memref<128x200xi32, #tpu.memory_space<vmem>> -> memref<1x72xi32, #tpu.memory_space<vmem>>
    %dma_start3A_98 = tpu.memref_squeeze %dma_start3A_97 : memref<1x72xi32, #tpu.memory_space<vmem>> -> memref<72xi32, #tpu.memory_space<vmem>>
    %dma_start3A_99 = arith.constant 0 : i32
    %dma_start3A_100 = arith.constant 0 : i32
    %dma_start3A_101 = tpu.memref_slice %arg3[%dma_start3A_99, %dma_start3A_100] : memref<100000x128xf32, #tpu.memory_space<hbm>> -> memref<100000x128xf32, #tpu.memory_space<hbm>>
    tpu.enqueue_indirect_dma source(%dma_start3A_101 : memref<100000x128xf32, #tpu.memory_space<hbm>>) target(%dma_start3A_95 : memref<72x128xf32, #tpu.memory_space<vmem>>) offsets(%dma_start3A_98 : memref<72xi32, #tpu.memory_space<vmem>>) semaphore(%arg19 : memref<!tpu.dma_semaphore, #tpu.memory_space<semaphore_mem>>)
    %scan3A = arith.constant 0 : i32
    %scan3A_102 = arith.constant 0 : i32
    %scan3A_103 = arith.constant 43 : i32
    %scan3A_104 = arith.addi %scan3A_102, %scan3A_103 : i32
    %scan3A_105 = arith.constant 1 : i32
    scf.for %scan3A_151 = %scan3A_102 to %scan3A_104 step %scan3A_105  : i32 {
      %mul3A_152 = arith.constant 3 : i32
      %mul3A_153 = arith.muli %scan3A_151, %mul3A_152 : i32
      %add3A_154 = arith.constant 0 : i32
      %add3A_155 = arith.addi %mul3A_153, %add3A_154 : i32
      %lt3A = arith.constant 128 : i32
      %lt3A_156 = arith.cmpi slt, %add3A_155, %lt3A : i32
      %convert_element_type3A = arith.extui %lt3A_156 : i1 to i32
      %cond3A = arith.constant 0 : i32
      %cond3A_157 = arith.cmpi ne, %convert_element_type3A, %cond3A : i32
      scf.if %cond3A_157 {
        %dma_wait3A_176 = arith.constant 0 : i32
        %dma_wait3A_177 = arith.constant 0 : i32
        %dma_wait3A_178 = arith.constant 0 : i32
        %dma_wait3A_179 = tpu.memref_slice %arg14[%dma_wait3A_177, %dma_wait3A_178] : memref<208x128xf32, #tpu.memory_space<vmem>> -> memref<128x128xf32, #tpu.memory_space<vmem>>
        %dma_wait3A_180 = arith.constant 0 : i32
        %dma_wait3A_181 = tpu.memref_slice %arg9[%dma_wait3A_176, %dma_wait3A_180] : memref<128x200xi32, #tpu.memory_space<vmem>> -> memref<1x128xi32, #tpu.memory_space<vmem>>
        %dma_wait3A_182 = tpu.memref_squeeze %dma_wait3A_181 : memref<1x128xi32, #tpu.memory_space<vmem>> -> memref<128xi32, #tpu.memory_space<vmem>>
        %dma_wait3A_183 = arith.constant 0 : i32
        %dma_wait3A_184 = arith.constant 0 : i32
        %dma_wait3A_185 = tpu.memref_slice %arg3[%dma_wait3A_183, %dma_wait3A_184] : memref<100000x128xf32, #tpu.memory_space<hbm>> -> memref<100000x128xf32, #tpu.memory_space<hbm>>
        tpu.wait_indirect_dma semaphore(%arg17 : memref<!tpu.dma_semaphore, #tpu.memory_space<semaphore_mem>>) src(%dma_wait3A_185 : memref<100000x128xf32, #tpu.memory_space<hbm>>) dst(%dma_wait3A_179 : memref<128x128xf32, #tpu.memory_space<vmem>>)
        %dma_wait3A_186 = arith.constant 0 : i32
        %dma_wait3A_187 = arith.constant 128 : i32
        %dma_wait3A_188 = arith.constant 0 : i32
        %dma_wait3A_189 = tpu.memref_slice %arg14[%dma_wait3A_187, %dma_wait3A_188] : memref<208x128xf32, #tpu.memory_space<vmem>> -> memref<72x128xf32, #tpu.memory_space<vmem>>
        %dma_wait3A_190 = arith.constant 128 : i32
        %dma_wait3A_191 = tpu.memref_slice %arg9[%dma_wait3A_186, %dma_wait3A_190] : memref<128x200xi32, #tpu.memory_space<vmem>> -> memref<1x72xi32, #tpu.memory_space<vmem>>
        %dma_wait3A_192 = tpu.memref_squeeze %dma_wait3A_191 : memref<1x72xi32, #tpu.memory_space<vmem>> -> memref<72xi32, #tpu.memory_space<vmem>>
        %dma_wait3A_193 = arith.constant 0 : i32
        %dma_wait3A_194 = arith.constant 0 : i32
        %dma_wait3A_195 = tpu.memref_slice %arg3[%dma_wait3A_193, %dma_wait3A_194] : memref<100000x128xf32, #tpu.memory_space<hbm>> -> memref<100000x128xf32, #tpu.memory_space<hbm>>
        tpu.wait_indirect_dma semaphore(%arg17 : memref<!tpu.dma_semaphore, #tpu.memory_space<semaphore_mem>>) src(%dma_wait3A_195 : memref<100000x128xf32, #tpu.memory_space<hbm>>) dst(%dma_wait3A_189 : memref<72x128xf32, #tpu.memory_space<vmem>>)
        %scan3A_196 = arith.constant 0 : i32
        %scan3A_197 = arith.constant 0 : i32
        %scan3A_198 = arith.constant 12 : i32
        %scan3A_199 = arith.addi %scan3A_197, %scan3A_198 : i32
        %scan3A_200 = arith.constant 1 : i32
        scf.for %scan3A_268 = %scan3A_197 to %scan3A_199 step %scan3A_200  : i32 {
          %mul3A_269 = arith.constant 16 : i32
          %mul3A_270 = arith.muli %scan3A_268, %mul3A_269 : i32
          %add3A_271 = vector.broadcast %mul3A_270 : i32 to vector<16xi32>
          %add3A_272 = arith.addi %add3A_271, %iota3A : vector<16xi32>
          %gather3A_273 = tpu.vector_load_idx %arg14[%add3A_272, %broadcast_in_dim3A_3] : memref<208x128xf32, #tpu.memory_space<vmem>>[vector<16xi32>, vector<16xi32>], vector<16xf32>,
          %gather3A_274 = tpu.vector_load_idx %arg14[%add3A_272, %broadcast_in_dim3A_5] : memref<208x128xf32, #tpu.memory_space<vmem>>[vector<16xi32>, vector<16xi32>], vector<16xf32>,
          %gather3A_275 = tpu.vector_load_idx %arg13[%add3A_272, %broadcast_in_dim3A_7] : memref<208x16xf32, #tpu.memory_space<vmem>>[vector<16xi32>, vector<16xi32>], vector<16xf32>,
          %gather3A_276 = tpu.vector_load_idx %arg13[%add3A_272, %broadcast_in_dim3A_9] : memref<208x16xf32, #tpu.memory_space<vmem>>[vector<16xi32>, vector<16xi32>], vector<16xf32>,
          %add3A_277 = arith.addf %gather3A_273, %gather3A_275 : vector<16xf32>
          %mul3A_278 = arith.constant 7.812500e-03 : f32
          %mul3A_279 = vector.broadcast %mul3A_278 : f32 to vector<16xf32>
          %mul3A_280 = arith.mulf %add3A_277, %mul3A_279 : vector<16xf32>
          %add3A_281 = arith.addf %gather3A_274, %gather3A_276 : vector<16xf32>
          %mul3A_282 = arith.constant 7.812500e-03 : f32
          %mul3A_283 = vector.broadcast %mul3A_282 : f32 to vector<16xf32>
          %mul3A_284 = arith.mulf %add3A_281, %mul3A_283 : vector<16xf32>
          %mul3A_285 = arith.mulf %mul3A_280, %mul3A_280 : vector<16xf32>
          %sub3A_286 = arith.subf %mul3A_284, %mul3A_285 : vector<16xf32>
          %add3A_287 = arith.constant 9.99999974E-6 : f32
          %add3A_288 = vector.broadcast %add3A_287 : f32 to vector<16xf32>
          %add3A_289 = arith.addf %sub3A_286, %add3A_288 : vector<16xf32>
          %bitcast3A_290 = vector.bitcast %add3A_289 : vector<16xf32> to vector<16xi32>
          %shift_right_logical3A_291 = arith.constant 1 : i32
          %shift_right_logical3A_292 = vector.broadcast %shift_right_logical3A_291 : i32 to vector<16xi32>
          %shift_right_logical3A_293 = arith.shrui %bitcast3A_290, %shift_right_logical3A_292 : vector<16xi32>
          %sub3A_294 = arith.subi %broadcast_in_dim3A_11, %shift_right_logical3A_293 : vector<16xi32>
          %bitcast3A_295 = vector.bitcast %sub3A_294 : vector<16xi32> to vector<16xf32>
          %mul3A_296 = arith.constant 5.000000e-01 : f32
          %mul3A_297 = vector.broadcast %mul3A_296 : f32 to vector<16xf32>
          %mul3A_298 = arith.mulf %mul3A_297, %add3A_289 : vector<16xf32>
          %mul3A_299 = arith.mulf %mul3A_298, %bitcast3A_295 : vector<16xf32>
          %mul3A_300 = arith.mulf %mul3A_299, %bitcast3A_295 : vector<16xf32>
          %sub3A_301 = arith.constant 1.500000e+00 : f32
          %sub3A_302 = vector.broadcast %sub3A_301 : f32 to vector<16xf32>
          %sub3A_303 = arith.subf %sub3A_302, %mul3A_300 : vector<16xf32>
          %mul3A_304 = arith.mulf %bitcast3A_295, %sub3A_303 : vector<16xf32>
          %mul3A_305 = arith.mulf %mul3A_298, %mul3A_304 : vector<16xf32>
          %mul3A_306 = arith.mulf %mul3A_305, %mul3A_304 : vector<16xf32>
          %sub3A_307 = arith.constant 1.500000e+00 : f32
          %sub3A_308 = vector.broadcast %sub3A_307 : f32 to vector<16xf32>
          %sub3A_309 = arith.subf %sub3A_308, %mul3A_306 : vector<16xf32>
          %mul3A_310 = arith.mulf %mul3A_304, %sub3A_309 : vector<16xf32>
          %mul3A_311 = arith.mulf %mul3A_280, %mul3A_310 : vector<16xf32>
          %broadcast_in_dim3A_312 = arith.constant 0 : i32
          %broadcast_in_dim3A_313 = vector.broadcast %broadcast_in_dim3A_312 : i32 to vector<16xi32>
          %parallel_loop3A_314 = arith.constant 0 : i32
          %parallel_loop3A_315 = arith.constant 16 : i32
          %parallel_loop3A_316 = arith.constant 1 : i32
          %parallel_loop3A_317 = scf.for %parallel_loop3A_318 = %parallel_loop3A_314 to %parallel_loop3A_315 step %parallel_loop3A_316 iter_args(%parallel_loop3A_319 = %broadcast_in_dim3A_313) -> (vector<16xi32>)  : i32 {
            %parallel_loop3A_320 = arith.addi %mul3A_270, %parallel_loop3A_318 : i32
            %parallel_loop3A_321 = arith.index_cast %parallel_loop3A_320 : i32 to index
            %parallel_loop3A_322 = arith.constant 0 : index
            %parallel_loop3A_323 = tpu.vector_load %arg14[%parallel_loop3A_321, %parallel_loop3A_322] {strides = array<i32>} : memref<208x128xf32, #tpu.memory_space<vmem>>, vector<16xf32>,
            %parallel_loop3A_324 = arith.index_cast %parallel_loop3A_320 : i32 to index
            %parallel_loop3A_325 = arith.constant 16 : index
            %parallel_loop3A_326 = tpu.vector_load %arg14[%parallel_loop3A_324, %parallel_loop3A_325] {strides = array<i32>} : memref<208x128xf32, #tpu.memory_space<vmem>>, vector<16xf32>,
            %parallel_loop3A_327 = arith.index_cast %parallel_loop3A_320 : i32 to index
            %parallel_loop3A_328 = arith.constant 32 : index
            %parallel_loop3A_329 = tpu.vector_load %arg14[%parallel_loop3A_327, %parallel_loop3A_328] {strides = array<i32>} : memref<208x128xf32, #tpu.memory_space<vmem>>, vector<16xf32>,
            %parallel_loop3A_330 = arith.index_cast %parallel_loop3A_320 : i32 to index
            %parallel_loop3A_331 = arith.constant 48 : index
            %parallel_loop3A_332 = tpu.vector_load %arg14[%parallel_loop3A_330, %parallel_loop3A_331] {strides = array<i32>} : memref<208x128xf32, #tpu.memory_space<vmem>>, vector<16xf32>,
            %parallel_loop3A_333 = arith.index_cast %parallel_loop3A_320 : i32 to index
            %parallel_loop3A_334 = arith.constant 0 : index
            %parallel_loop3A_335 = tpu.vector_load %arg10[%parallel_loop3A_333, %parallel_loop3A_334] {strides = array<i32>} : memref<200x64xf32, #tpu.memory_space<vmem>>, vector<16xf32>,
            %parallel_loop3A_336 = arith.index_cast %parallel_loop3A_320 : i32 to index
            %parallel_loop3A_337 = arith.constant 16 : index
            %parallel_loop3A_338 = tpu.vector_load %arg10[%parallel_loop3A_336, %parallel_loop3A_337] {strides = array<i32>} : memref<200x64xf32, #tpu.memory_space<vmem>>, vector<16xf32>,
            %parallel_loop3A_339 = arith.index_cast %parallel_loop3A_320 : i32 to index
            %parallel_loop3A_340 = arith.constant 32 : index
            %parallel_loop3A_341 = tpu.vector_load %arg10[%parallel_loop3A_339, %parallel_loop3A_340] {strides = array<i32>} : memref<200x64xf32, #tpu.memory_space<vmem>>, vector<16xf32>,
            %parallel_loop3A_342 = arith.index_cast %parallel_loop3A_320 : i32 to index
            %parallel_loop3A_343 = arith.constant 48 : index
            %parallel_loop3A_344 = tpu.vector_load %arg10[%parallel_loop3A_342, %parallel_loop3A_343] {strides = array<i32>} : memref<200x64xf32, #tpu.memory_space<vmem>>, vector<16xf32>,
            %parallel_loop3A_345 = arith.constant 0 : i32
            %parallel_loop3A_346 = vector.broadcast %parallel_loop3A_345 : i32 to vector<16xi32>
            %parallel_loop3A_347 = arith.cmpi slt, %parallel_loop3A_319, %parallel_loop3A_346 : vector<16xi32>
            %parallel_loop3A_348 = arith.constant 16 : i32
            %parallel_loop3A_349 = vector.broadcast %parallel_loop3A_348 : i32 to vector<16xi32>
            %parallel_loop3A_350 = arith.addi %parallel_loop3A_319, %parallel_loop3A_349 : vector<16xi32>
            %parallel_loop3A_351 = arith.select %parallel_loop3A_347, %parallel_loop3A_350, %parallel_loop3A_319 : vector<16xi1>, vector<16xi32>
            %parallel_loop3A_352 = vector.shape_cast %parallel_loop3A_351 : vector<16xi32> to vector<16x1xi32>
            %parallel_loop3A_353 = vector.shape_cast %parallel_loop3A_352 : vector<16x1xi32> to vector<16xi32>
            %parallel_loop3A_354 = tpu.dynamic_gather %mul3A_310[%parallel_loop3A_353] in [0] : vector<16xf32>, vector<16xi32> -> vector<16xf32>
            %parallel_loop3A_355 = arith.constant 0 : i32
            %parallel_loop3A_356 = vector.broadcast %parallel_loop3A_355 : i32 to vector<16xi32>
            %parallel_loop3A_357 = arith.cmpi slt, %parallel_loop3A_319, %parallel_loop3A_356 : vector<16xi32>
            %parallel_loop3A_358 = arith.constant 16 : i32
            %parallel_loop3A_359 = vector.broadcast %parallel_loop3A_358 : i32 to vector<16xi32>
            %parallel_loop3A_360 = arith.addi %parallel_loop3A_319, %parallel_loop3A_359 : vector<16xi32>
            %parallel_loop3A_361 = arith.select %parallel_loop3A_357, %parallel_loop3A_360, %parallel_loop3A_319 : vector<16xi1>, vector<16xi32>
            %parallel_loop3A_362 = vector.shape_cast %parallel_loop3A_361 : vector<16xi32> to vector<16x1xi32>
            %parallel_loop3A_363 = vector.shape_cast %parallel_loop3A_362 : vector<16x1xi32> to vector<16xi32>
            %parallel_loop3A_364 = tpu.dynamic_gather %mul3A_311[%parallel_loop3A_363] in [0] : vector<16xf32>, vector<16xi32> -> vector<16xf32>
            %parallel_loop3A_365 = arith.mulf %parallel_loop3A_323, %parallel_loop3A_354 : vector<16xf32>
            %parallel_loop3A_366 = arith.subf %parallel_loop3A_365, %parallel_loop3A_364 : vector<16xf32>
            %parallel_loop3A_367 = arith.mulf %parallel_loop3A_366, %get3A_12 : vector<16xf32>
            %parallel_loop3A_368 = arith.addf %parallel_loop3A_367, %get3A_28 : vector<16xf32>
            %parallel_loop3A_369 = arith.index_cast %parallel_loop3A_320 : i32 to index
            %parallel_loop3A_370 = arith.constant 0 : index
            %parallel_loop3A_371 = tpu.vector_load %arg14[%parallel_loop3A_369, %parallel_loop3A_370] {strides = array<i32>} : memref<208x128xf32, #tpu.memory_space<vmem>>, vector<16xf32>,
            tpu.vector_store %arg14[%parallel_loop3A_369, %parallel_loop3A_370], %parallel_loop3A_368 {strides = array<i32>} : memref<208x128xf32, #tpu.memory_space<vmem>>, vector<16xf32>,
            %parallel_loop3A_372 = arith.mulf %parallel_loop3A_326, %parallel_loop3A_354 : vector<16xf32>
            %parallel_loop3A_373 = arith.subf %parallel_loop3A_372, %parallel_loop3A_364 : vector<16xf32>
            %parallel_loop3A_374 = arith.mulf %parallel_loop3A_373, %get3A_14 : vector<16xf32>
            %parallel_loop3A_375 = arith.addf %parallel_loop3A_374, %get3A_30 : vector<16xf32>
            %parallel_loop3A_376 = arith.index_cast %parallel_loop3A_320 : i32 to index
            %parallel_loop3A_377 = arith.constant 16 : index
            %parallel_loop3A_378 = tpu.vector_load %arg14[%parallel_loop3A_376, %parallel_loop3A_377] {strides = array<i32>} : memref<208x128xf32, #tpu.memory_space<vmem>>, vector<16xf32>,
            tpu.vector_store %arg14[%parallel_loop3A_376, %parallel_loop3A_377], %parallel_loop3A_375 {strides = array<i32>} : memref<208x128xf32, #tpu.memory_space<vmem>>, vector<16xf32>,
            %parallel_loop3A_379 = arith.mulf %parallel_loop3A_329, %parallel_loop3A_354 : vector<16xf32>
            %parallel_loop3A_380 = arith.subf %parallel_loop3A_379, %parallel_loop3A_364 : vector<16xf32>
            %parallel_loop3A_381 = arith.mulf %parallel_loop3A_380, %get3A_16 : vector<16xf32>
            %parallel_loop3A_382 = arith.addf %parallel_loop3A_381, %get3A_32 : vector<16xf32>
            %parallel_loop3A_383 = arith.index_cast %parallel_loop3A_320 : i32 to index
            %parallel_loop3A_384 = arith.constant 32 : index
            %parallel_loop3A_385 = tpu.vector_load %arg14[%parallel_loop3A_383, %parallel_loop3A_384] {strides = array<i32>} : memref<208x128xf32, #tpu.memory_space<vmem>>, vector<16xf32>,
            tpu.vector_store %arg14[%parallel_loop3A_383, %parallel_loop3A_384], %parallel_loop3A_382 {strides = array<i32>} : memref<208x128xf32, #tpu.memory_space<vmem>>, vector<16xf32>,
            %parallel_loop3A_386 = arith.mulf %parallel_loop3A_332, %parallel_loop3A_354 : vector<16xf32>
            %parallel_loop3A_387 = arith.subf %parallel_loop3A_386, %parallel_loop3A_364 : vector<16xf32>
            %parallel_loop3A_388 = arith.mulf %parallel_loop3A_387, %get3A_18 : vector<16xf32>
            %parallel_loop3A_389 = arith.addf %parallel_loop3A_388, %get3A_34 : vector<16xf32>
            %parallel_loop3A_390 = arith.index_cast %parallel_loop3A_320 : i32 to index
            %parallel_loop3A_391 = arith.constant 48 : index
            %parallel_loop3A_392 = tpu.vector_load %arg14[%parallel_loop3A_390, %parallel_loop3A_391] {strides = array<i32>} : memref<208x128xf32, #tpu.memory_space<vmem>>, vector<16xf32>,
            tpu.vector_store %arg14[%parallel_loop3A_390, %parallel_loop3A_391], %parallel_loop3A_389 {strides = array<i32>} : memref<208x128xf32, #tpu.memory_space<vmem>>, vector<16xf32>,
            %parallel_loop3A_393 = arith.mulf %parallel_loop3A_335, %parallel_loop3A_354 : vector<16xf32>
            %parallel_loop3A_394 = arith.subf %parallel_loop3A_393, %parallel_loop3A_364 : vector<16xf32>
            %parallel_loop3A_395 = arith.mulf %parallel_loop3A_394, %get3A_20 : vector<16xf32>
            %parallel_loop3A_396 = arith.addf %parallel_loop3A_395, %get3A_36 : vector<16xf32>
            %parallel_loop3A_397 = arith.index_cast %parallel_loop3A_320 : i32 to index
            %parallel_loop3A_398 = arith.constant 64 : index
            %parallel_loop3A_399 = tpu.vector_load %arg14[%parallel_loop3A_397, %parallel_loop3A_398] {strides = array<i32>} : memref<208x128xf32, #tpu.memory_space<vmem>>, vector<16xf32>,
            tpu.vector_store %arg14[%parallel_loop3A_397, %parallel_loop3A_398], %parallel_loop3A_396 {strides = array<i32>} : memref<208x128xf32, #tpu.memory_space<vmem>>, vector<16xf32>,
            %parallel_loop3A_400 = arith.mulf %parallel_loop3A_338, %parallel_loop3A_354 : vector<16xf32>
            %parallel_loop3A_401 = arith.subf %parallel_loop3A_400, %parallel_loop3A_364 : vector<16xf32>
            %parallel_loop3A_402 = arith.mulf %parallel_loop3A_401, %get3A_22 : vector<16xf32>
            %parallel_loop3A_403 = arith.addf %parallel_loop3A_402, %get3A_38 : vector<16xf32>
            %parallel_loop3A_404 = arith.index_cast %parallel_loop3A_320 : i32 to index
            %parallel_loop3A_405 = arith.constant 80 : index
            %parallel_loop3A_406 = tpu.vector_load %arg14[%parallel_loop3A_404, %parallel_loop3A_405] {strides = array<i32>} : memref<208x128xf32, #tpu.memory_space<vmem>>, vector<16xf32>,
            tpu.vector_store %arg14[%parallel_loop3A_404, %parallel_loop3A_405], %parallel_loop3A_403 {strides = array<i32>} : memref<208x128xf32, #tpu.memory_space<vmem>>, vector<16xf32>,
            %parallel_loop3A_407 = arith.mulf %parallel_loop3A_341, %parallel_loop3A_354 : vector<16xf32>
            %parallel_loop3A_408 = arith.subf %parallel_loop3A_407, %parallel_loop3A_364 : vector<16xf32>
            %parallel_loop3A_409 = arith.mulf %parallel_loop3A_408, %get3A_24 : vector<16xf32>
            %parallel_loop3A_410 = arith.addf %parallel_loop3A_409, %get3A_40 : vector<16xf32>
            %parallel_loop3A_411 = arith.index_cast %parallel_loop3A_320 : i32 to index
            %parallel_loop3A_412 = arith.constant 96 : index
            %parallel_loop3A_413 = tpu.vector_load %arg14[%parallel_loop3A_411, %parallel_loop3A_412] {strides = array<i32>} : memref<208x128xf32, #tpu.memory_space<vmem>>, vector<16xf32>,
            tpu.vector_store %arg14[%parallel_loop3A_411, %parallel_loop3A_412], %parallel_loop3A_410 {strides = array<i32>} : memref<208x128xf32, #tpu.memory_space<vmem>>, vector<16xf32>,
            %parallel_loop3A_414 = arith.mulf %parallel_loop3A_344, %parallel_loop3A_354 : vector<16xf32>
            %parallel_loop3A_415 = arith.subf %parallel_loop3A_414, %parallel_loop3A_364 : vector<16xf32>
            %parallel_loop3A_416 = arith.mulf %parallel_loop3A_415, %get3A_26 : vector<16xf32>
            %parallel_loop3A_417 = arith.addf %parallel_loop3A_416, %get3A_42 : vector<16xf32>
            %parallel_loop3A_418 = arith.index_cast %parallel_loop3A_320 : i32 to index
            %parallel_loop3A_419 = arith.constant 112 : index
            %parallel_loop3A_420 = tpu.vector_load %arg14[%parallel_loop3A_418, %parallel_loop3A_419] {strides = array<i32>} : memref<208x128xf32, #tpu.memory_space<vmem>>, vector<16xf32>,
            tpu.vector_store %arg14[%parallel_loop3A_418, %parallel_loop3A_419], %parallel_loop3A_417 {strides = array<i32>} : memref<208x128xf32, #tpu.memory_space<vmem>>, vector<16xf32>,
            %parallel_loop3A_421 = arith.constant 1 : i32
            %parallel_loop3A_422 = vector.broadcast %parallel_loop3A_421 : i32 to vector<16xi32>
            %parallel_loop3A_423 = arith.addi %parallel_loop3A_319, %parallel_loop3A_422 : vector<16xi32>
            scf.yield %parallel_loop3A_423 : vector<16xi32>
          } {sc.loop_unroll_factor = 4 : i64, sc.parallel_access}
        }
        %scan3A_201 = arith.constant 12 : i32
        %add3A_202 = arith.constant 192 : i32
        %add3A_203 = vector.broadcast %add3A_202 : i32 to vector<16xi32>
        %add3A_204 = arith.addi %add3A_203, %iota3A : vector<16xi32>
        %gather3A = tpu.vector_load_idx %arg14[%add3A_204, %broadcast_in_dim3A_3] : memref<208x128xf32, #tpu.memory_space<vmem>>[vector<16xi32>, vector<16xi32>], vector<16xf32>,
        %gather3A_205 = tpu.vector_load_idx %arg14[%add3A_204, %broadcast_in_dim3A_5] : memref<208x128xf32, #tpu.memory_space<vmem>>[vector<16xi32>, vector<16xi32>], vector<16xf32>,
        %gather3A_206 = tpu.vector_load_idx %arg13[%add3A_204, %broadcast_in_dim3A_7] : memref<208x16xf32, #tpu.memory_space<vmem>>[vector<16xi32>, vector<16xi32>], vector<16xf32>,
        %gather3A_207 = tpu.vector_load_idx %arg13[%add3A_204, %broadcast_in_dim3A_9] : memref<208x16xf32, #tpu.memory_space<vmem>>[vector<16xi32>, vector<16xi32>], vector<16xf32>,
        %add3A_208 = arith.addf %gather3A, %gather3A_206 : vector<16xf32>
        %mul3A_209 = arith.constant 7.812500e-03 : f32
        %mul3A_210 = vector.broadcast %mul3A_209 : f32 to vector<16xf32>
        %mul3A_211 = arith.mulf %add3A_208, %mul3A_210 : vector<16xf32>
        %add3A_212 = arith.addf %gather3A_205, %gather3A_207 : vector<16xf32>
        %mul3A_213 = arith.constant 7.812500e-03 : f32
        %mul3A_214 = vector.broadcast %mul3A_213 : f32 to vector<16xf32>
        %mul3A_215 = arith.mulf %add3A_212, %mul3A_214 : vector<16xf32>
        %mul3A_216 = arith.mulf %mul3A_211, %mul3A_211 : vector<16xf32>
        %sub3A = arith.subf %mul3A_215, %mul3A_216 : vector<16xf32>
        %add3A_217 = arith.constant 9.99999974E-6 : f32
        %add3A_218 = vector.broadcast %add3A_217 : f32 to vector<16xf32>
        %add3A_219 = arith.addf %sub3A, %add3A_218 : vector<16xf32>
        %bitcast3A = vector.bitcast %add3A_219 : vector<16xf32> to vector<16xi32>
        %shift_right_logical3A = arith.constant 1 : i32
        %shift_right_logical3A_220 = vector.broadcast %shift_right_logical3A : i32 to vector<16xi32>
        %shift_right_logical3A_221 = arith.shrui %bitcast3A, %shift_right_logical3A_220 : vector<16xi32>
        %sub3A_222 = arith.subi %broadcast_in_dim3A_11, %shift_right_logical3A_221 : vector<16xi32>
        %bitcast3A_223 = vector.bitcast %sub3A_222 : vector<16xi32> to vector<16xf32>
        %mul3A_224 = arith.constant 5.000000e-01 : f32
        %mul3A_225 = vector.broadcast %mul3A_224 : f32 to vector<16xf32>
        %mul3A_226 = arith.mulf %mul3A_225, %add3A_219 : vector<16xf32>
        %mul3A_227 = arith.mulf %mul3A_226, %bitcast3A_223 : vector<16xf32>
        %mul3A_228 = arith.mulf %mul3A_227, %bitcast3A_223 : vector<16xf32>
        %sub3A_229 = arith.constant 1.500000e+00 : f32
        %sub3A_230 = vector.broadcast %sub3A_229 : f32 to vector<16xf32>
        %sub3A_231 = arith.subf %sub3A_230, %mul3A_228 : vector<16xf32>
        %mul3A_232 = arith.mulf %bitcast3A_223, %sub3A_231 : vector<16xf32>
        %mul3A_233 = arith.mulf %mul3A_226, %mul3A_232 : vector<16xf32>
        %mul3A_234 = arith.mulf %mul3A_233, %mul3A_232 : vector<16xf32>
        %sub3A_235 = arith.constant 1.500000e+00 : f32
        %sub3A_236 = vector.broadcast %sub3A_235 : f32 to vector<16xf32>
        %sub3A_237 = arith.subf %sub3A_236, %mul3A_234 : vector<16xf32>
        %mul3A_238 = arith.mulf %mul3A_232, %sub3A_237 : vector<16xf32>
        %mul3A_239 = arith.mulf %mul3A_211, %mul3A_238 : vector<16xf32>
        %broadcast_in_dim3A_240 = arith.constant 0 : i32
        %broadcast_in_dim3A_241 = vector.broadcast %broadcast_in_dim3A_240 : i32 to vector<16xi32>
        %parallel_loop3A = arith.constant 0 : i32
        %parallel_loop3A_242 = arith.constant 8 : i32
        %parallel_loop3A_243 = arith.constant 1 : i32
        %parallel_loop3A_244 = scf.for %parallel_loop3A_268 = %parallel_loop3A to %parallel_loop3A_242 step %parallel_loop3A_243 iter_args(%parallel_loop3A_269 = %broadcast_in_dim3A_241) -> (vector<16xi32>)  : i32 {
          %parallel_loop3A_270 = arith.constant 192 : i32
          %parallel_loop3A_271 = arith.addi %parallel_loop3A_270, %parallel_loop3A_268 : i32
          %parallel_loop3A_272 = arith.index_cast %parallel_loop3A_271 : i32 to index
          %parallel_loop3A_273 = arith.constant 0 : index
          %parallel_loop3A_274 = tpu.vector_load %arg14[%parallel_loop3A_272, %parallel_loop3A_273] {strides = array<i32>} : memref<208x128xf32, #tpu.memory_space<vmem>>, vector<16xf32>,
          %parallel_loop3A_275 = arith.index_cast %parallel_loop3A_271 : i32 to index
          %parallel_loop3A_276 = arith.constant 16 : index
          %parallel_loop3A_277 = tpu.vector_load %arg14[%parallel_loop3A_275, %parallel_loop3A_276] {strides = array<i32>} : memref<208x128xf32, #tpu.memory_space<vmem>>, vector<16xf32>,
          %parallel_loop3A_278 = arith.index_cast %parallel_loop3A_271 : i32 to index
          %parallel_loop3A_279 = arith.constant 32 : index
          %parallel_loop3A_280 = tpu.vector_load %arg14[%parallel_loop3A_278, %parallel_loop3A_279] {strides = array<i32>} : memref<208x128xf32, #tpu.memory_space<vmem>>, vector<16xf32>,
          %parallel_loop3A_281 = arith.index_cast %parallel_loop3A_271 : i32 to index
          %parallel_loop3A_282 = arith.constant 48 : index
          %parallel_loop3A_283 = tpu.vector_load %arg14[%parallel_loop3A_281, %parallel_loop3A_282] {strides = array<i32>} : memref<208x128xf32, #tpu.memory_space<vmem>>, vector<16xf32>,
          %parallel_loop3A_284 = arith.index_cast %parallel_loop3A_271 : i32 to index
          %parallel_loop3A_285 = arith.constant 0 : index
          %parallel_loop3A_286 = tpu.vector_load %arg10[%parallel_loop3A_284, %parallel_loop3A_285] {strides = array<i32>} : memref<200x64xf32, #tpu.memory_space<vmem>>, vector<16xf32>,
          %parallel_loop3A_287 = arith.index_cast %parallel_loop3A_271 : i32 to index
          %parallel_loop3A_288 = arith.constant 16 : index
          %parallel_loop3A_289 = tpu.vector_load %arg10[%parallel_loop3A_287, %parallel_loop3A_288] {strides = array<i32>} : memref<200x64xf32, #tpu.memory_space<vmem>>, vector<16xf32>,
          %parallel_loop3A_290 = arith.index_cast %parallel_loop3A_271 : i32 to index
          %parallel_loop3A_291 = arith.constant 32 : index
          %parallel_loop3A_292 = tpu.vector_load %arg10[%parallel_loop3A_290, %parallel_loop3A_291] {strides = array<i32>} : memref<200x64xf32, #tpu.memory_space<vmem>>, vector<16xf32>,
          %parallel_loop3A_293 = arith.index_cast %parallel_loop3A_271 : i32 to index
          %parallel_loop3A_294 = arith.constant 48 : index
          %parallel_loop3A_295 = tpu.vector_load %arg10[%parallel_loop3A_293, %parallel_loop3A_294] {strides = array<i32>} : memref<200x64xf32, #tpu.memory_space<vmem>>, vector<16xf32>,
          %parallel_loop3A_296 = arith.constant 0 : i32
          %parallel_loop3A_297 = vector.broadcast %parallel_loop3A_296 : i32 to vector<16xi32>
          %parallel_loop3A_298 = arith.cmpi slt, %parallel_loop3A_269, %parallel_loop3A_297 : vector<16xi32>
          %parallel_loop3A_299 = arith.constant 16 : i32
          %parallel_loop3A_300 = vector.broadcast %parallel_loop3A_299 : i32 to vector<16xi32>
          %parallel_loop3A_301 = arith.addi %parallel_loop3A_269, %parallel_loop3A_300 : vector<16xi32>
          %parallel_loop3A_302 = arith.select %parallel_loop3A_298, %parallel_loop3A_301, %parallel_loop3A_269 : vector<16xi1>, vector<16xi32>
          %parallel_loop3A_303 = vector.shape_cast %parallel_loop3A_302 : vector<16xi32> to vector<16x1xi32>
          %parallel_loop3A_304 = vector.shape_cast %parallel_loop3A_303 : vector<16x1xi32> to vector<16xi32>
          %parallel_loop3A_305 = tpu.dynamic_gather %mul3A_238[%parallel_loop3A_304] in [0] : vector<16xf32>, vector<16xi32> -> vector<16xf32>
          %parallel_loop3A_306 = arith.constant 0 : i32
          %parallel_loop3A_307 = vector.broadcast %parallel_loop3A_306 : i32 to vector<16xi32>
          %parallel_loop3A_308 = arith.cmpi slt, %parallel_loop3A_269, %parallel_loop3A_307 : vector<16xi32>
          %parallel_loop3A_309 = arith.constant 16 : i32
          %parallel_loop3A_310 = vector.broadcast %parallel_loop3A_309 : i32 to vector<16xi32>
          %parallel_loop3A_311 = arith.addi %parallel_loop3A_269, %parallel_loop3A_310 : vector<16xi32>
          %parallel_loop3A_312 = arith.select %parallel_loop3A_308, %parallel_loop3A_311, %parallel_loop3A_269 : vector<16xi1>, vector<16xi32>
          %parallel_loop3A_313 = vector.shape_cast %parallel_loop3A_312 : vector<16xi32> to vector<16x1xi32>
          %parallel_loop3A_314 = vector.shape_cast %parallel_loop3A_313 : vector<16x1xi32> to vector<16xi32>
          %parallel_loop3A_315 = tpu.dynamic_gather %mul3A_239[%parallel_loop3A_314] in [0] : vector<16xf32>, vector<16xi32> -> vector<16xf32>
          %parallel_loop3A_316 = arith.mulf %parallel_loop3A_274, %parallel_loop3A_305 : vector<16xf32>
          %parallel_loop3A_317 = arith.subf %parallel_loop3A_316, %parallel_loop3A_315 : vector<16xf32>
          %parallel_loop3A_318 = arith.mulf %parallel_loop3A_317, %get3A_12 : vector<16xf32>
          %parallel_loop3A_319 = arith.addf %parallel_loop3A_318, %get3A_28 : vector<16xf32>
          %parallel_loop3A_320 = arith.index_cast %parallel_loop3A_271 : i32 to index
          %parallel_loop3A_321 = arith.constant 0 : index
          %parallel_loop3A_322 = tpu.vector_load %arg14[%parallel_loop3A_320, %parallel_loop3A_321] {strides = array<i32>} : memref<208x128xf32, #tpu.memory_space<vmem>>, vector<16xf32>,
          tpu.vector_store %arg14[%parallel_loop3A_320, %parallel_loop3A_321], %parallel_loop3A_319 {strides = array<i32>} : memref<208x128xf32, #tpu.memory_space<vmem>>, vector<16xf32>,
          %parallel_loop3A_323 = arith.mulf %parallel_loop3A_277, %parallel_loop3A_305 : vector<16xf32>
          %parallel_loop3A_324 = arith.subf %parallel_loop3A_323, %parallel_loop3A_315 : vector<16xf32>
          %parallel_loop3A_325 = arith.mulf %parallel_loop3A_324, %get3A_14 : vector<16xf32>
          %parallel_loop3A_326 = arith.addf %parallel_loop3A_325, %get3A_30 : vector<16xf32>
          %parallel_loop3A_327 = arith.index_cast %parallel_loop3A_271 : i32 to index
          %parallel_loop3A_328 = arith.constant 16 : index
          %parallel_loop3A_329 = tpu.vector_load %arg14[%parallel_loop3A_327, %parallel_loop3A_328] {strides = array<i32>} : memref<208x128xf32, #tpu.memory_space<vmem>>, vector<16xf32>,
          tpu.vector_store %arg14[%parallel_loop3A_327, %parallel_loop3A_328], %parallel_loop3A_326 {strides = array<i32>} : memref<208x128xf32, #tpu.memory_space<vmem>>, vector<16xf32>,
          %parallel_loop3A_330 = arith.mulf %parallel_loop3A_280, %parallel_loop3A_305 : vector<16xf32>
          %parallel_loop3A_331 = arith.subf %parallel_loop3A_330, %parallel_loop3A_315 : vector<16xf32>
          %parallel_loop3A_332 = arith.mulf %parallel_loop3A_331, %get3A_16 : vector<16xf32>
          %parallel_loop3A_333 = arith.addf %parallel_loop3A_332, %get3A_32 : vector<16xf32>
          %parallel_loop3A_334 = arith.index_cast %parallel_loop3A_271 : i32 to index
          %parallel_loop3A_335 = arith.constant 32 : index
          %parallel_loop3A_336 = tpu.vector_load %arg14[%parallel_loop3A_334, %parallel_loop3A_335] {strides = array<i32>} : memref<208x128xf32, #tpu.memory_space<vmem>>, vector<16xf32>,
          tpu.vector_store %arg14[%parallel_loop3A_334, %parallel_loop3A_335], %parallel_loop3A_333 {strides = array<i32>} : memref<208x128xf32, #tpu.memory_space<vmem>>, vector<16xf32>,
          %parallel_loop3A_337 = arith.mulf %parallel_loop3A_283, %parallel_loop3A_305 : vector<16xf32>
          %parallel_loop3A_338 = arith.subf %parallel_loop3A_337, %parallel_loop3A_315 : vector<16xf32>
          %parallel_loop3A_339 = arith.mulf %parallel_loop3A_338, %get3A_18 : vector<16xf32>
          %parallel_loop3A_340 = arith.addf %parallel_loop3A_339, %get3A_34 : vector<16xf32>
          %parallel_loop3A_341 = arith.index_cast %parallel_loop3A_271 : i32 to index
          %parallel_loop3A_342 = arith.constant 48 : index
          %parallel_loop3A_343 = tpu.vector_load %arg14[%parallel_loop3A_341, %parallel_loop3A_342] {strides = array<i32>} : memref<208x128xf32, #tpu.memory_space<vmem>>, vector<16xf32>,
          tpu.vector_store %arg14[%parallel_loop3A_341, %parallel_loop3A_342], %parallel_loop3A_340 {strides = array<i32>} : memref<208x128xf32, #tpu.memory_space<vmem>>, vector<16xf32>,
          %parallel_loop3A_344 = arith.mulf %parallel_loop3A_286, %parallel_loop3A_305 : vector<16xf32>
          %parallel_loop3A_345 = arith.subf %parallel_loop3A_344, %parallel_loop3A_315 : vector<16xf32>
          %parallel_loop3A_346 = arith.mulf %parallel_loop3A_345, %get3A_20 : vector<16xf32>
          %parallel_loop3A_347 = arith.addf %parallel_loop3A_346, %get3A_36 : vector<16xf32>
          %parallel_loop3A_348 = arith.index_cast %parallel_loop3A_271 : i32 to index
          %parallel_loop3A_349 = arith.constant 64 : index
          %parallel_loop3A_350 = tpu.vector_load %arg14[%parallel_loop3A_348, %parallel_loop3A_349] {strides = array<i32>} : memref<208x128xf32, #tpu.memory_space<vmem>>, vector<16xf32>,
          tpu.vector_store %arg14[%parallel_loop3A_348, %parallel_loop3A_349], %parallel_loop3A_347 {strides = array<i32>} : memref<208x128xf32, #tpu.memory_space<vmem>>, vector<16xf32>,
          %parallel_loop3A_351 = arith.mulf %parallel_loop3A_289, %parallel_loop3A_305 : vector<16xf32>
          %parallel_loop3A_352 = arith.subf %parallel_loop3A_351, %parallel_loop3A_315 : vector<16xf32>
          %parallel_loop3A_353 = arith.mulf %parallel_loop3A_352, %get3A_22 : vector<16xf32>
          %parallel_loop3A_354 = arith.addf %parallel_loop3A_353, %get3A_38 : vector<16xf32>
          %parallel_loop3A_355 = arith.index_cast %parallel_loop3A_271 : i32 to index
          %parallel_loop3A_356 = arith.constant 80 : index
          %parallel_loop3A_357 = tpu.vector_load %arg14[%parallel_loop3A_355, %parallel_loop3A_356] {strides = array<i32>} : memref<208x128xf32, #tpu.memory_space<vmem>>, vector<16xf32>,
          tpu.vector_store %arg14[%parallel_loop3A_355, %parallel_loop3A_356], %parallel_loop3A_354 {strides = array<i32>} : memref<208x128xf32, #tpu.memory_space<vmem>>, vector<16xf32>,
          %parallel_loop3A_358 = arith.mulf %parallel_loop3A_292, %parallel_loop3A_305 : vector<16xf32>
          %parallel_loop3A_359 = arith.subf %parallel_loop3A_358, %parallel_loop3A_315 : vector<16xf32>
          %parallel_loop3A_360 = arith.mulf %parallel_loop3A_359, %get3A_24 : vector<16xf32>
          %parallel_loop3A_361 = arith.addf %parallel_loop3A_360, %get3A_40 : vector<16xf32>
          %parallel_loop3A_362 = arith.index_cast %parallel_loop3A_271 : i32 to index
          %parallel_loop3A_363 = arith.constant 96 : index
          %parallel_loop3A_364 = tpu.vector_load %arg14[%parallel_loop3A_362, %parallel_loop3A_363] {strides = array<i32>} : memref<208x128xf32, #tpu.memory_space<vmem>>, vector<16xf32>,
          tpu.vector_store %arg14[%parallel_loop3A_362, %parallel_loop3A_363], %parallel_loop3A_361 {strides = array<i32>} : memref<208x128xf32, #tpu.memory_space<vmem>>, vector<16xf32>,
          %parallel_loop3A_365 = arith.mulf %parallel_loop3A_295, %parallel_loop3A_305 : vector<16xf32>
          %parallel_loop3A_366 = arith.subf %parallel_loop3A_365, %parallel_loop3A_315 : vector<16xf32>
          %parallel_loop3A_367 = arith.mulf %parallel_loop3A_366, %get3A_26 : vector<16xf32>
          %parallel_loop3A_368 = arith.addf %parallel_loop3A_367, %get3A_42 : vector<16xf32>
          %parallel_loop3A_369 = arith.index_cast %parallel_loop3A_271 : i32 to index
          %parallel_loop3A_370 = arith.constant 112 : index
          %parallel_loop3A_371 = tpu.vector_load %arg14[%parallel_loop3A_369, %parallel_loop3A_370] {strides = array<i32>} : memref<208x128xf32, #tpu.memory_space<vmem>>, vector<16xf32>,
          tpu.vector_store %arg14[%parallel_loop3A_369, %parallel_loop3A_370], %parallel_loop3A_368 {strides = array<i32>} : memref<208x128xf32, #tpu.memory_space<vmem>>, vector<16xf32>,
          %parallel_loop3A_372 = arith.constant 1 : i32
          %parallel_loop3A_373 = vector.broadcast %parallel_loop3A_372 : i32 to vector<16xi32>
          %parallel_loop3A_374 = arith.addi %parallel_loop3A_269, %parallel_loop3A_373 : vector<16xi32>
          scf.yield %parallel_loop3A_374 : vector<16xi32>
        } {sc.loop_unroll_factor = 4 : i64, sc.parallel_access}
        %add3A_245 = arith.addi %multiple_of3A, %add3A_155 : i32
        %dma_start3A_246 = arith.constant 0 : i32
        %dma_start3A_247 = arith.constant 0 : i32
        %dma_start3A_248 = tpu.memref_slice %arg14[%dma_start3A_246, %dma_start3A_247] : memref<208x128xf32, #tpu.memory_space<vmem>> -> memref<200x128xf32, #tpu.memory_space<vmem>>
        %dma_start3A_249 = arith.constant 0 : i32
        %dma_start3A_250 = arith.constant 0 : i32
        %dma_start3A_251 = tpu.memref_slice %arg8[%add3A_245, %dma_start3A_249, %dma_start3A_250] : memref<4096x200x128xf32, #tpu.memory_space<hbm>> -> memref<1x200x128xf32, #tpu.memory_space<hbm>>
        %dma_start3A_252 = tpu.memref_squeeze %dma_start3A_251 : memref<1x200x128xf32, #tpu.memory_space<hbm>> -> memref<200x128xf32, #tpu.memory_space<hbm>>
        %dma_start3A_253 = arith.constant 0 : i32
        %dma_start3A_254 = arith.constant 0 : i32
        %dma_start3A_255 = tpu.memref_slice %arg8[%add3A_245, %dma_start3A_253, %dma_start3A_254] : memref<4096x200x128xf32, #tpu.memory_space<hbm>> -> memref<1x200x128xf32, #tpu.memory_space<hbm>>
        %dma_start3A_256 = tpu.memref_squeeze %dma_start3A_255 : memref<1x200x128xf32, #tpu.memory_space<hbm>> -> memref<200x128xf32, #tpu.memory_space<hbm>>
        %dma_start3A_257 = arith.constant 0 : i32
        %dma_start3A_258 = arith.constant 0 : i32
        %dma_start3A_259 = tpu.memref_slice %arg14[%dma_start3A_257, %dma_start3A_258] : memref<208x128xf32, #tpu.memory_space<vmem>> -> memref<200x128xf32, #tpu.memory_space<vmem>>
        tpu.enqueue_dma source(%dma_start3A_259 : memref<200x128xf32, #tpu.memory_space<vmem>>) target(%dma_start3A_256 : memref<200x128xf32, #tpu.memory_space<hbm>>) target_semaphore(%arg20 : memref<!tpu.dma_semaphore, #tpu.memory_space<semaphore_mem>>)
        %ge3A = arith.constant 1 : i32
        %ge3A_260 = arith.cmpi sge, %add3A_155, %ge3A : i32
        %add3A_261 = arith.constant 2 : i32
        %add3A_262 = arith.addi %add3A_155, %add3A_261 : i32
        %lt3A_263 = arith.constant 128 : i32
        %lt3A_264 = arith.cmpi slt, %add3A_262, %lt3A_263 : i32
        %and3A = arith.andi %ge3A_260, %lt3A_264 : i1
        %convert_element_type3A_265 = arith.extui %and3A : i1 to i32
        %cond3A_266 = arith.constant 0 : i32
        %cond3A_267 = arith.cmpi ne, %convert_element_type3A_265, %cond3A_266 : i32
        scf.if %cond3A_267 {
          %dma_wait3A_268 = arith.constant 0 : i32
          %dma_wait3A_269 = arith.constant 0 : i32
          %dma_wait3A_270 = arith.constant 0 : i32
          %dma_wait3A_271 = tpu.memref_slice %arg16[%dma_wait3A_269, %dma_wait3A_270] : memref<208x128xf32, #tpu.memory_space<vmem>> -> memref<200x128xf32, #tpu.memory_space<vmem>>
          %dma_wait3A_272 = arith.constant 0 : i32
          %dma_wait3A_273 = arith.constant 0 : i32
          %dma_wait3A_274 = tpu.memref_slice %arg8[%dma_wait3A_268, %dma_wait3A_272, %dma_wait3A_273] : memref<4096x200x128xf32, #tpu.memory_space<hbm>> -> memref<1x200x128xf32, #tpu.memory_space<hbm>>
          %dma_wait3A_275 = tpu.memref_squeeze %dma_wait3A_274 : memref<1x200x128xf32, #tpu.memory_space<hbm>> -> memref<200x128xf32, #tpu.memory_space<hbm>>
          %dma_wait3A_276 = arith.constant 0 : i32
          %dma_wait3A_277 = arith.constant 0 : i32
          %dma_wait3A_278 = tpu.memref_slice %arg8[%dma_wait3A_268, %dma_wait3A_276, %dma_wait3A_277] : memref<4096x200x128xf32, #tpu.memory_space<hbm>> -> memref<1x200x128xf32, #tpu.memory_space<hbm>>
          %dma_wait3A_279 = tpu.memref_squeeze %dma_wait3A_278 : memref<1x200x128xf32, #tpu.memory_space<hbm>> -> memref<200x128xf32, #tpu.memory_space<hbm>>
          %dma_wait3A_280 = arith.constant 0 : i32
          %dma_wait3A_281 = arith.constant 0 : i32
          %dma_wait3A_282 = tpu.memref_slice %arg16[%dma_wait3A_280, %dma_wait3A_281] : memref<208x128xf32, #tpu.memory_space<vmem>> -> memref<200x128xf32, #tpu.memory_space<vmem>>
          tpu.wait_dma2 semaphore(%arg22 : memref<!tpu.dma_semaphore, #tpu.memory_space<semaphore_mem>>) src(%dma_wait3A_282 : memref<200x128xf32, #tpu.memory_space<vmem>>) dst(%dma_wait3A_279 : memref<200x128xf32, #tpu.memory_space<hbm>>)
          %add3A_283 = arith.constant 2 : i32
          %add3A_284 = arith.addi %add3A_155, %add3A_283 : i32
          %dma_start3A_285 = arith.constant 0 : i32
          %dma_start3A_286 = arith.constant 0 : i32
          %dma_start3A_287 = tpu.memref_slice %arg16[%dma_start3A_285, %dma_start3A_286] : memref<208x128xf32, #tpu.memory_space<vmem>> -> memref<128x128xf32, #tpu.memory_space<vmem>>
          %dma_start3A_288 = arith.constant 0 : i32
          %dma_start3A_289 = tpu.memref_slice %arg9[%add3A_284, %dma_start3A_288] : memref<128x200xi32, #tpu.memory_space<vmem>> -> memref<1x128xi32, #tpu.memory_space<vmem>>
          %dma_start3A_290 = tpu.memref_squeeze %dma_start3A_289 : memref<1x128xi32, #tpu.memory_space<vmem>> -> memref<128xi32, #tpu.memory_space<vmem>>
          %dma_start3A_291 = arith.constant 0 : i32
          %dma_start3A_292 = arith.constant 0 : i32
          %dma_start3A_293 = tpu.memref_slice %arg3[%dma_start3A_291, %dma_start3A_292] : memref<100000x128xf32, #tpu.memory_space<hbm>> -> memref<100000x128xf32, #tpu.memory_space<hbm>>
          tpu.enqueue_indirect_dma source(%dma_start3A_293 : memref<100000x128xf32, #tpu.memory_space<hbm>>) target(%dma_start3A_287 : memref<128x128xf32, #tpu.memory_space<vmem>>) offsets(%dma_start3A_290 : memref<128xi32, #tpu.memory_space<vmem>>) semaphore(%arg19 : memref<!tpu.dma_semaphore, #tpu.memory_space<semaphore_mem>>)
          %dma_start3A_294 = arith.constant 128 : i32
          %dma_start3A_295 = arith.constant 0 : i32
          %dma_start3A_296 = tpu.memref_slice %arg16[%dma_start3A_294, %dma_start3A_295] : memref<208x128xf32, #tpu.memory_space<vmem>> -> memref<72x128xf32, #tpu.memory_space<vmem>>
          %dma_start3A_297 = arith.constant 128 : i32
          %dma_start3A_298 = tpu.memref_slice %arg9[%add3A_284, %dma_start3A_297] : memref<128x200xi32, #tpu.memory_space<vmem>> -> memref<1x72xi32, #tpu.memory_space<vmem>>
          %dma_start3A_299 = tpu.memref_squeeze %dma_start3A_298 : memref<1x72xi32, #tpu.memory_space<vmem>> -> memref<72xi32, #tpu.memory_space<vmem>>
          %dma_start3A_300 = arith.constant 0 : i32
          %dma_start3A_301 = arith.constant 0 : i32
          %dma_start3A_302 = tpu.memref_slice %arg3[%dma_start3A_300, %dma_start3A_301] : memref<100000x128xf32, #tpu.memory_space<hbm>> -> memref<100000x128xf32, #tpu.memory_space<hbm>>
          tpu.enqueue_indirect_dma source(%dma_start3A_302 : memref<100000x128xf32, #tpu.memory_space<hbm>>) target(%dma_start3A_296 : memref<72x128xf32, #tpu.memory_space<vmem>>) offsets(%dma_start3A_299 : memref<72xi32, #tpu.memory_space<vmem>>) semaphore(%arg19 : memref<!tpu.dma_semaphore, #tpu.memory_space<semaphore_mem>>)
        } else {
        }
      } else {
      }
      %mul3A_158 = arith.constant 3 : i32
      %mul3A_159 = arith.muli %scan3A_151, %mul3A_158 : i32
      %add3A_160 = arith.constant 1 : i32
      %add3A_161 = arith.addi %mul3A_159, %add3A_160 : i32
      %lt3A_162 = arith.constant 128 : i32
      %lt3A_163 = arith.cmpi slt, %add3A_161, %lt3A_162 : i32
      %convert_element_type3A_164 = arith.extui %lt3A_163 : i1 to i32
      %cond3A_165 = arith.constant 0 : i32
      %cond3A_166 = arith.cmpi ne, %convert_element_type3A_164, %cond3A_165 : i32
      scf.if %cond3A_166 {
        %dma_wait3A_176 = arith.constant 0 : i32
        %dma_wait3A_177 = arith.constant 0 : i32
        %dma_wait3A_178 = arith.constant 0 : i32
        %dma_wait3A_179 = tpu.memref_slice %arg15[%dma_wait3A_177, %dma_wait3A_178] : memref<208x128xf32, #tpu.memory_space<vmem>> -> memref<128x128xf32, #tpu.memory_space<vmem>>
        %dma_wait3A_180 = arith.constant 0 : i32
        %dma_wait3A_181 = tpu.memref_slice %arg9[%dma_wait3A_176, %dma_wait3A_180] : memref<128x200xi32, #tpu.memory_space<vmem>> -> memref<1x128xi32, #tpu.memory_space<vmem>>
        %dma_wait3A_182 = tpu.memref_squeeze %dma_wait3A_181 : memref<1x128xi32, #tpu.memory_space<vmem>> -> memref<128xi32, #tpu.memory_space<vmem>>
        %dma_wait3A_183 = arith.constant 0 : i32
        %dma_wait3A_184 = arith.constant 0 : i32
        %dma_wait3A_185 = tpu.memref_slice %arg3[%dma_wait3A_183, %dma_wait3A_184] : memref<100000x128xf32, #tpu.memory_space<hbm>> -> memref<100000x128xf32, #tpu.memory_space<hbm>>
        tpu.wait_indirect_dma semaphore(%arg18 : memref<!tpu.dma_semaphore, #tpu.memory_space<semaphore_mem>>) src(%dma_wait3A_185 : memref<100000x128xf32, #tpu.memory_space<hbm>>) dst(%dma_wait3A_179 : memref<128x128xf32, #tpu.memory_space<vmem>>)
        %dma_wait3A_186 = arith.constant 0 : i32
        %dma_wait3A_187 = arith.constant 128 : i32
        %dma_wait3A_188 = arith.constant 0 : i32
        %dma_wait3A_189 = tpu.memref_slice %arg15[%dma_wait3A_187, %dma_wait3A_188] : memref<208x128xf32, #tpu.memory_space<vmem>> -> memref<72x128xf32, #tpu.memory_space<vmem>>
        %dma_wait3A_190 = arith.constant 128 : i32
        %dma_wait3A_191 = tpu.memref_slice %arg9[%dma_wait3A_186, %dma_wait3A_190] : memref<128x200xi32, #tpu.memory_space<vmem>> -> memref<1x72xi32, #tpu.memory_space<vmem>>
        %dma_wait3A_192 = tpu.memref_squeeze %dma_wait3A_191 : memref<1x72xi32, #tpu.memory_space<vmem>> -> memref<72xi32, #tpu.memory_space<vmem>>
        %dma_wait3A_193 = arith.constant 0 : i32
        %dma_wait3A_194 = arith.constant 0 : i32
        %dma_wait3A_195 = tpu.memref_slice %arg3[%dma_wait3A_193, %dma_wait3A_194] : memref<100000x128xf32, #tpu.memory_space<hbm>> -> memref<100000x128xf32, #tpu.memory_space<hbm>>
        tpu.wait_indirect_dma semaphore(%arg18 : memref<!tpu.dma_semaphore, #tpu.memory_space<semaphore_mem>>) src(%dma_wait3A_195 : memref<100000x128xf32, #tpu.memory_space<hbm>>) dst(%dma_wait3A_189 : memref<72x128xf32, #tpu.memory_space<vmem>>)
        %scan3A_196 = arith.constant 0 : i32
        %scan3A_197 = arith.constant 0 : i32
        %scan3A_198 = arith.constant 12 : i32
        %scan3A_199 = arith.addi %scan3A_197, %scan3A_198 : i32
        %scan3A_200 = arith.constant 1 : i32
        scf.for %scan3A_268 = %scan3A_197 to %scan3A_199 step %scan3A_200  : i32 {
          %mul3A_269 = arith.constant 16 : i32
          %mul3A_270 = arith.muli %scan3A_268, %mul3A_269 : i32
          %add3A_271 = vector.broadcast %mul3A_270 : i32 to vector<16xi32>
          %add3A_272 = arith.addi %add3A_271, %iota3A : vector<16xi32>
          %gather3A_273 = tpu.vector_load_idx %arg15[%add3A_272, %broadcast_in_dim3A_3] : memref<208x128xf32, #tpu.memory_space<vmem>>[vector<16xi32>, vector<16xi32>], vector<16xf32>,
          %gather3A_274 = tpu.vector_load_idx %arg15[%add3A_272, %broadcast_in_dim3A_5] : memref<208x128xf32, #tpu.memory_space<vmem>>[vector<16xi32>, vector<16xi32>], vector<16xf32>,
          %gather3A_275 = tpu.vector_load_idx %arg13[%add3A_272, %broadcast_in_dim3A_7] : memref<208x16xf32, #tpu.memory_space<vmem>>[vector<16xi32>, vector<16xi32>], vector<16xf32>,
          %gather3A_276 = tpu.vector_load_idx %arg13[%add3A_272, %broadcast_in_dim3A_9] : memref<208x16xf32, #tpu.memory_space<vmem>>[vector<16xi32>, vector<16xi32>], vector<16xf32>,
          %add3A_277 = arith.addf %gather3A_273, %gather3A_275 : vector<16xf32>
          %mul3A_278 = arith.constant 7.812500e-03 : f32
          %mul3A_279 = vector.broadcast %mul3A_278 : f32 to vector<16xf32>
          %mul3A_280 = arith.mulf %add3A_277, %mul3A_279 : vector<16xf32>
          %add3A_281 = arith.addf %gather3A_274, %gather3A_276 : vector<16xf32>
          %mul3A_282 = arith.constant 7.812500e-03 : f32
          %mul3A_283 = vector.broadcast %mul3A_282 : f32 to vector<16xf32>
          %mul3A_284 = arith.mulf %add3A_281, %mul3A_283 : vector<16xf32>
          %mul3A_285 = arith.mulf %mul3A_280, %mul3A_280 : vector<16xf32>
          %sub3A_286 = arith.subf %mul3A_284, %mul3A_285 : vector<16xf32>
          %add3A_287 = arith.constant 9.99999974E-6 : f32
          %add3A_288 = vector.broadcast %add3A_287 : f32 to vector<16xf32>
          %add3A_289 = arith.addf %sub3A_286, %add3A_288 : vector<16xf32>
          %bitcast3A_290 = vector.bitcast %add3A_289 : vector<16xf32> to vector<16xi32>
          %shift_right_logical3A_291 = arith.constant 1 : i32
          %shift_right_logical3A_292 = vector.broadcast %shift_right_logical3A_291 : i32 to vector<16xi32>
          %shift_right_logical3A_293 = arith.shrui %bitcast3A_290, %shift_right_logical3A_292 : vector<16xi32>
          %sub3A_294 = arith.subi %broadcast_in_dim3A_11, %shift_right_logical3A_293 : vector<16xi32>
          %bitcast3A_295 = vector.bitcast %sub3A_294 : vector<16xi32> to vector<16xf32>
          %mul3A_296 = arith.constant 5.000000e-01 : f32
          %mul3A_297 = vector.broadcast %mul3A_296 : f32 to vector<16xf32>
          %mul3A_298 = arith.mulf %mul3A_297, %add3A_289 : vector<16xf32>
          %mul3A_299 = arith.mulf %mul3A_298, %bitcast3A_295 : vector<16xf32>
          %mul3A_300 = arith.mulf %mul3A_299, %bitcast3A_295 : vector<16xf32>
          %sub3A_301 = arith.constant 1.500000e+00 : f32
          %sub3A_302 = vector.broadcast %sub3A_301 : f32 to vector<16xf32>
          %sub3A_303 = arith.subf %sub3A_302, %mul3A_300 : vector<16xf32>
          %mul3A_304 = arith.mulf %bitcast3A_295, %sub3A_303 : vector<16xf32>
          %mul3A_305 = arith.mulf %mul3A_298, %mul3A_304 : vector<16xf32>
          %mul3A_306 = arith.mulf %mul3A_305, %mul3A_304 : vector<16xf32>
          %sub3A_307 = arith.constant 1.500000e+00 : f32
          %sub3A_308 = vector.broadcast %sub3A_307 : f32 to vector<16xf32>
          %sub3A_309 = arith.subf %sub3A_308, %mul3A_306 : vector<16xf32>
          %mul3A_310 = arith.mulf %mul3A_304, %sub3A_309 : vector<16xf32>
          %mul3A_311 = arith.mulf %mul3A_280, %mul3A_310 : vector<16xf32>
          %broadcast_in_dim3A_312 = arith.constant 0 : i32
          %broadcast_in_dim3A_313 = vector.broadcast %broadcast_in_dim3A_312 : i32 to vector<16xi32>
          %parallel_loop3A_314 = arith.constant 0 : i32
          %parallel_loop3A_315 = arith.constant 16 : i32
          %parallel_loop3A_316 = arith.constant 1 : i32
          %parallel_loop3A_317 = scf.for %parallel_loop3A_318 = %parallel_loop3A_314 to %parallel_loop3A_315 step %parallel_loop3A_316 iter_args(%parallel_loop3A_319 = %broadcast_in_dim3A_313) -> (vector<16xi32>)  : i32 {
            %parallel_loop3A_320 = arith.addi %mul3A_270, %parallel_loop3A_318 : i32
            %parallel_loop3A_321 = arith.index_cast %parallel_loop3A_320 : i32 to index
            %parallel_loop3A_322 = arith.constant 0 : index
            %parallel_loop3A_323 = tpu.vector_load %arg15[%parallel_loop3A_321, %parallel_loop3A_322] {strides = array<i32>} : memref<208x128xf32, #tpu.memory_space<vmem>>, vector<16xf32>,
            %parallel_loop3A_324 = arith.index_cast %parallel_loop3A_320 : i32 to index
            %parallel_loop3A_325 = arith.constant 16 : index
            %parallel_loop3A_326 = tpu.vector_load %arg15[%parallel_loop3A_324, %parallel_loop3A_325] {strides = array<i32>} : memref<208x128xf32, #tpu.memory_space<vmem>>, vector<16xf32>,
            %parallel_loop3A_327 = arith.index_cast %parallel_loop3A_320 : i32 to index
            %parallel_loop3A_328 = arith.constant 32 : index
            %parallel_loop3A_329 = tpu.vector_load %arg15[%parallel_loop3A_327, %parallel_loop3A_328] {strides = array<i32>} : memref<208x128xf32, #tpu.memory_space<vmem>>, vector<16xf32>,
            %parallel_loop3A_330 = arith.index_cast %parallel_loop3A_320 : i32 to index
            %parallel_loop3A_331 = arith.constant 48 : index
            %parallel_loop3A_332 = tpu.vector_load %arg15[%parallel_loop3A_330, %parallel_loop3A_331] {strides = array<i32>} : memref<208x128xf32, #tpu.memory_space<vmem>>, vector<16xf32>,
            %parallel_loop3A_333 = arith.index_cast %parallel_loop3A_320 : i32 to index
            %parallel_loop3A_334 = arith.constant 0 : index
            %parallel_loop3A_335 = tpu.vector_load %arg10[%parallel_loop3A_333, %parallel_loop3A_334] {strides = array<i32>} : memref<200x64xf32, #tpu.memory_space<vmem>>, vector<16xf32>,
            %parallel_loop3A_336 = arith.index_cast %parallel_loop3A_320 : i32 to index
            %parallel_loop3A_337 = arith.constant 16 : index
            %parallel_loop3A_338 = tpu.vector_load %arg10[%parallel_loop3A_336, %parallel_loop3A_337] {strides = array<i32>} : memref<200x64xf32, #tpu.memory_space<vmem>>, vector<16xf32>,
            %parallel_loop3A_339 = arith.index_cast %parallel_loop3A_320 : i32 to index
            %parallel_loop3A_340 = arith.constant 32 : index
            %parallel_loop3A_341 = tpu.vector_load %arg10[%parallel_loop3A_339, %parallel_loop3A_340] {strides = array<i32>} : memref<200x64xf32, #tpu.memory_space<vmem>>, vector<16xf32>,
            %parallel_loop3A_342 = arith.index_cast %parallel_loop3A_320 : i32 to index
            %parallel_loop3A_343 = arith.constant 48 : index
            %parallel_loop3A_344 = tpu.vector_load %arg10[%parallel_loop3A_342, %parallel_loop3A_343] {strides = array<i32>} : memref<200x64xf32, #tpu.memory_space<vmem>>, vector<16xf32>,
            %parallel_loop3A_345 = arith.constant 0 : i32
            %parallel_loop3A_346 = vector.broadcast %parallel_loop3A_345 : i32 to vector<16xi32>
            %parallel_loop3A_347 = arith.cmpi slt, %parallel_loop3A_319, %parallel_loop3A_346 : vector<16xi32>
            %parallel_loop3A_348 = arith.constant 16 : i32
            %parallel_loop3A_349 = vector.broadcast %parallel_loop3A_348 : i32 to vector<16xi32>
            %parallel_loop3A_350 = arith.addi %parallel_loop3A_319, %parallel_loop3A_349 : vector<16xi32>
            %parallel_loop3A_351 = arith.select %parallel_loop3A_347, %parallel_loop3A_350, %parallel_loop3A_319 : vector<16xi1>, vector<16xi32>
            %parallel_loop3A_352 = vector.shape_cast %parallel_loop3A_351 : vector<16xi32> to vector<16x1xi32>
            %parallel_loop3A_353 = vector.shape_cast %parallel_loop3A_352 : vector<16x1xi32> to vector<16xi32>
            %parallel_loop3A_354 = tpu.dynamic_gather %mul3A_310[%parallel_loop3A_353] in [0] : vector<16xf32>, vector<16xi32> -> vector<16xf32>
            %parallel_loop3A_355 = arith.constant 0 : i32
            %parallel_loop3A_356 = vector.broadcast %parallel_loop3A_355 : i32 to vector<16xi32>
            %parallel_loop3A_357 = arith.cmpi slt, %parallel_loop3A_319, %parallel_loop3A_356 : vector<16xi32>
            %parallel_loop3A_358 = arith.constant 16 : i32
            %parallel_loop3A_359 = vector.broadcast %parallel_loop3A_358 : i32 to vector<16xi32>
            %parallel_loop3A_360 = arith.addi %parallel_loop3A_319, %parallel_loop3A_359 : vector<16xi32>
            %parallel_loop3A_361 = arith.select %parallel_loop3A_357, %parallel_loop3A_360, %parallel_loop3A_319 : vector<16xi1>, vector<16xi32>
            %parallel_loop3A_362 = vector.shape_cast %parallel_loop3A_361 : vector<16xi32> to vector<16x1xi32>
            %parallel_loop3A_363 = vector.shape_cast %parallel_loop3A_362 : vector<16x1xi32> to vector<16xi32>
            %parallel_loop3A_364 = tpu.dynamic_gather %mul3A_311[%parallel_loop3A_363] in [0] : vector<16xf32>, vector<16xi32> -> vector<16xf32>
            %parallel_loop3A_365 = arith.mulf %parallel_loop3A_323, %parallel_loop3A_354 : vector<16xf32>
            %parallel_loop3A_366 = arith.subf %parallel_loop3A_365, %parallel_loop3A_364 : vector<16xf32>
            %parallel_loop3A_367 = arith.mulf %parallel_loop3A_366, %get3A_12 : vector<16xf32>
            %parallel_loop3A_368 = arith.addf %parallel_loop3A_367, %get3A_28 : vector<16xf32>
            %parallel_loop3A_369 = arith.index_cast %parallel_loop3A_320 : i32 to index
            %parallel_loop3A_370 = arith.constant 0 : index
            %parallel_loop3A_371 = tpu.vector_load %arg15[%parallel_loop3A_369, %parallel_loop3A_370] {strides = array<i32>} : memref<208x128xf32, #tpu.memory_space<vmem>>, vector<16xf32>,
            tpu.vector_store %arg15[%parallel_loop3A_369, %parallel_loop3A_370], %parallel_loop3A_368 {strides = array<i32>} : memref<208x128xf32, #tpu.memory_space<vmem>>, vector<16xf32>,
            %parallel_loop3A_372 = arith.mulf %parallel_loop3A_326, %parallel_loop3A_354 : vector<16xf32>
            %parallel_loop3A_373 = arith.subf %parallel_loop3A_372, %parallel_loop3A_364 : vector<16xf32>
            %parallel_loop3A_374 = arith.mulf %parallel_loop3A_373, %get3A_14 : vector<16xf32>
            %parallel_loop3A_375 = arith.addf %parallel_loop3A_374, %get3A_30 : vector<16xf32>
            %parallel_loop3A_376 = arith.index_cast %parallel_loop3A_320 : i32 to index
            %parallel_loop3A_377 = arith.constant 16 : index
            %parallel_loop3A_378 = tpu.vector_load %arg15[%parallel_loop3A_376, %parallel_loop3A_377] {strides = array<i32>} : memref<208x128xf32, #tpu.memory_space<vmem>>, vector<16xf32>,
            tpu.vector_store %arg15[%parallel_loop3A_376, %parallel_loop3A_377], %parallel_loop3A_375 {strides = array<i32>} : memref<208x128xf32, #tpu.memory_space<vmem>>, vector<16xf32>,
            %parallel_loop3A_379 = arith.mulf %parallel_loop3A_329, %parallel_loop3A_354 : vector<16xf32>
            %parallel_loop3A_380 = arith.subf %parallel_loop3A_379, %parallel_loop3A_364 : vector<16xf32>
            %parallel_loop3A_381 = arith.mulf %parallel_loop3A_380, %get3A_16 : vector<16xf32>
            %parallel_loop3A_382 = arith.addf %parallel_loop3A_381, %get3A_32 : vector<16xf32>
            %parallel_loop3A_383 = arith.index_cast %parallel_loop3A_320 : i32 to index
            %parallel_loop3A_384 = arith.constant 32 : index
            %parallel_loop3A_385 = tpu.vector_load %arg15[%parallel_loop3A_383, %parallel_loop3A_384] {strides = array<i32>} : memref<208x128xf32, #tpu.memory_space<vmem>>, vector<16xf32>,
            tpu.vector_store %arg15[%parallel_loop3A_383, %parallel_loop3A_384], %parallel_loop3A_382 {strides = array<i32>} : memref<208x128xf32, #tpu.memory_space<vmem>>, vector<16xf32>,
            %parallel_loop3A_386 = arith.mulf %parallel_loop3A_332, %parallel_loop3A_354 : vector<16xf32>
            %parallel_loop3A_387 = arith.subf %parallel_loop3A_386, %parallel_loop3A_364 : vector<16xf32>
            %parallel_loop3A_388 = arith.mulf %parallel_loop3A_387, %get3A_18 : vector<16xf32>
            %parallel_loop3A_389 = arith.addf %parallel_loop3A_388, %get3A_34 : vector<16xf32>
            %parallel_loop3A_390 = arith.index_cast %parallel_loop3A_320 : i32 to index
            %parallel_loop3A_391 = arith.constant 48 : index
            %parallel_loop3A_392 = tpu.vector_load %arg15[%parallel_loop3A_390, %parallel_loop3A_391] {strides = array<i32>} : memref<208x128xf32, #tpu.memory_space<vmem>>, vector<16xf32>,
            tpu.vector_store %arg15[%parallel_loop3A_390, %parallel_loop3A_391], %parallel_loop3A_389 {strides = array<i32>} : memref<208x128xf32, #tpu.memory_space<vmem>>, vector<16xf32>,
            %parallel_loop3A_393 = arith.mulf %parallel_loop3A_335, %parallel_loop3A_354 : vector<16xf32>
            %parallel_loop3A_394 = arith.subf %parallel_loop3A_393, %parallel_loop3A_364 : vector<16xf32>
            %parallel_loop3A_395 = arith.mulf %parallel_loop3A_394, %get3A_20 : vector<16xf32>
            %parallel_loop3A_396 = arith.addf %parallel_loop3A_395, %get3A_36 : vector<16xf32>
            %parallel_loop3A_397 = arith.index_cast %parallel_loop3A_320 : i32 to index
            %parallel_loop3A_398 = arith.constant 64 : index
            %parallel_loop3A_399 = tpu.vector_load %arg15[%parallel_loop3A_397, %parallel_loop3A_398] {strides = array<i32>} : memref<208x128xf32, #tpu.memory_space<vmem>>, vector<16xf32>,
            tpu.vector_store %arg15[%parallel_loop3A_397, %parallel_loop3A_398], %parallel_loop3A_396 {strides = array<i32>} : memref<208x128xf32, #tpu.memory_space<vmem>>, vector<16xf32>,
            %parallel_loop3A_400 = arith.mulf %parallel_loop3A_338, %parallel_loop3A_354 : vector<16xf32>
            %parallel_loop3A_401 = arith.subf %parallel_loop3A_400, %parallel_loop3A_364 : vector<16xf32>
            %parallel_loop3A_402 = arith.mulf %parallel_loop3A_401, %get3A_22 : vector<16xf32>
            %parallel_loop3A_403 = arith.addf %parallel_loop3A_402, %get3A_38 : vector<16xf32>
            %parallel_loop3A_404 = arith.index_cast %parallel_loop3A_320 : i32 to index
            %parallel_loop3A_405 = arith.constant 80 : index
            %parallel_loop3A_406 = tpu.vector_load %arg15[%parallel_loop3A_404, %parallel_loop3A_405] {strides = array<i32>} : memref<208x128xf32, #tpu.memory_space<vmem>>, vector<16xf32>,
            tpu.vector_store %arg15[%parallel_loop3A_404, %parallel_loop3A_405], %parallel_loop3A_403 {strides = array<i32>} : memref<208x128xf32, #tpu.memory_space<vmem>>, vector<16xf32>,
            %parallel_loop3A_407 = arith.mulf %parallel_loop3A_341, %parallel_loop3A_354 : vector<16xf32>
            %parallel_loop3A_408 = arith.subf %parallel_loop3A_407, %parallel_loop3A_364 : vector<16xf32>
            %parallel_loop3A_409 = arith.mulf %parallel_loop3A_408, %get3A_24 : vector<16xf32>
            %parallel_loop3A_410 = arith.addf %parallel_loop3A_409, %get3A_40 : vector<16xf32>
            %parallel_loop3A_411 = arith.index_cast %parallel_loop3A_320 : i32 to index
            %parallel_loop3A_412 = arith.constant 96 : index
            %parallel_loop3A_413 = tpu.vector_load %arg15[%parallel_loop3A_411, %parallel_loop3A_412] {strides = array<i32>} : memref<208x128xf32, #tpu.memory_space<vmem>>, vector<16xf32>,
            tpu.vector_store %arg15[%parallel_loop3A_411, %parallel_loop3A_412], %parallel_loop3A_410 {strides = array<i32>} : memref<208x128xf32, #tpu.memory_space<vmem>>, vector<16xf32>,
            %parallel_loop3A_414 = arith.mulf %parallel_loop3A_344, %parallel_loop3A_354 : vector<16xf32>
            %parallel_loop3A_415 = arith.subf %parallel_loop3A_414, %parallel_loop3A_364 : vector<16xf32>
            %parallel_loop3A_416 = arith.mulf %parallel_loop3A_415, %get3A_26 : vector<16xf32>
            %parallel_loop3A_417 = arith.addf %parallel_loop3A_416, %get3A_42 : vector<16xf32>
            %parallel_loop3A_418 = arith.index_cast %parallel_loop3A_320 : i32 to index
            %parallel_loop3A_419 = arith.constant 112 : index
            %parallel_loop3A_420 = tpu.vector_load %arg15[%parallel_loop3A_418, %parallel_loop3A_419] {strides = array<i32>} : memref<208x128xf32, #tpu.memory_space<vmem>>, vector<16xf32>,
            tpu.vector_store %arg15[%parallel_loop3A_418, %parallel_loop3A_419], %parallel_loop3A_417 {strides = array<i32>} : memref<208x128xf32, #tpu.memory_space<vmem>>, vector<16xf32>,
            %parallel_loop3A_421 = arith.constant 1 : i32
            %parallel_loop3A_422 = vector.broadcast %parallel_loop3A_421 : i32 to vector<16xi32>
            %parallel_loop3A_423 = arith.addi %parallel_loop3A_319, %parallel_loop3A_422 : vector<16xi32>
            scf.yield %parallel_loop3A_423 : vector<16xi32>
          } {sc.loop_unroll_factor = 4 : i64, sc.parallel_access}
        }
        %scan3A_201 = arith.constant 12 : i32
        %add3A_202 = arith.constant 192 : i32
        %add3A_203 = vector.broadcast %add3A_202 : i32 to vector<16xi32>
        %add3A_204 = arith.addi %add3A_203, %iota3A : vector<16xi32>
        %gather3A = tpu.vector_load_idx %arg15[%add3A_204, %broadcast_in_dim3A_3] : memref<208x128xf32, #tpu.memory_space<vmem>>[vector<16xi32>, vector<16xi32>], vector<16xf32>,
        %gather3A_205 = tpu.vector_load_idx %arg15[%add3A_204, %broadcast_in_dim3A_5] : memref<208x128xf32, #tpu.memory_space<vmem>>[vector<16xi32>, vector<16xi32>], vector<16xf32>,
        %gather3A_206 = tpu.vector_load_idx %arg13[%add3A_204, %broadcast_in_dim3A_7] : memref<208x16xf32, #tpu.memory_space<vmem>>[vector<16xi32>, vector<16xi32>], vector<16xf32>,
        %gather3A_207 = tpu.vector_load_idx %arg13[%add3A_204, %broadcast_in_dim3A_9] : memref<208x16xf32, #tpu.memory_space<vmem>>[vector<16xi32>, vector<16xi32>], vector<16xf32>,
        %add3A_208 = arith.addf %gather3A, %gather3A_206 : vector<16xf32>
        %mul3A_209 = arith.constant 7.812500e-03 : f32
        %mul3A_210 = vector.broadcast %mul3A_209 : f32 to vector<16xf32>
        %mul3A_211 = arith.mulf %add3A_208, %mul3A_210 : vector<16xf32>
        %add3A_212 = arith.addf %gather3A_205, %gather3A_207 : vector<16xf32>
        %mul3A_213 = arith.constant 7.812500e-03 : f32
        %mul3A_214 = vector.broadcast %mul3A_213 : f32 to vector<16xf32>
        %mul3A_215 = arith.mulf %add3A_212, %mul3A_214 : vector<16xf32>
        %mul3A_216 = arith.mulf %mul3A_211, %mul3A_211 : vector<16xf32>
        %sub3A = arith.subf %mul3A_215, %mul3A_216 : vector<16xf32>
        %add3A_217 = arith.constant 9.99999974E-6 : f32
        %add3A_218 = vector.broadcast %add3A_217 : f32 to vector<16xf32>
        %add3A_219 = arith.addf %sub3A, %add3A_218 : vector<16xf32>
        %bitcast3A = vector.bitcast %add3A_219 : vector<16xf32> to vector<16xi32>
        %shift_right_logical3A = arith.constant 1 : i32
        %shift_right_logical3A_220 = vector.broadcast %shift_right_logical3A : i32 to vector<16xi32>
        %shift_right_logical3A_221 = arith.shrui %bitcast3A, %shift_right_logical3A_220 : vector<16xi32>
        %sub3A_222 = arith.subi %broadcast_in_dim3A_11, %shift_right_logical3A_221 : vector<16xi32>
        %bitcast3A_223 = vector.bitcast %sub3A_222 : vector<16xi32> to vector<16xf32>
        %mul3A_224 = arith.constant 5.000000e-01 : f32
        %mul3A_225 = vector.broadcast %mul3A_224 : f32 to vector<16xf32>
        %mul3A_226 = arith.mulf %mul3A_225, %add3A_219 : vector<16xf32>
        %mul3A_227 = arith.mulf %mul3A_226, %bitcast3A_223 : vector<16xf32>
        %mul3A_228 = arith.mulf %mul3A_227, %bitcast3A_223 : vector<16xf32>
        %sub3A_229 = arith.constant 1.500000e+00 : f32
        %sub3A_230 = vector.broadcast %sub3A_229 : f32 to vector<16xf32>
        %sub3A_231 = arith.subf %sub3A_230, %mul3A_228 : vector<16xf32>
        %mul3A_232 = arith.mulf %bitcast3A_223, %sub3A_231 : vector<16xf32>
        %mul3A_233 = arith.mulf %mul3A_226, %mul3A_232 : vector<16xf32>
        %mul3A_234 = arith.mulf %mul3A_233, %mul3A_232 : vector<16xf32>
        %sub3A_235 = arith.constant 1.500000e+00 : f32
        %sub3A_236 = vector.broadcast %sub3A_235 : f32 to vector<16xf32>
        %sub3A_237 = arith.subf %sub3A_236, %mul3A_234 : vector<16xf32>
        %mul3A_238 = arith.mulf %mul3A_232, %sub3A_237 : vector<16xf32>
        %mul3A_239 = arith.mulf %mul3A_211, %mul3A_238 : vector<16xf32>
        %broadcast_in_dim3A_240 = arith.constant 0 : i32
        %broadcast_in_dim3A_241 = vector.broadcast %broadcast_in_dim3A_240 : i32 to vector<16xi32>
        %parallel_loop3A = arith.constant 0 : i32
        %parallel_loop3A_242 = arith.constant 8 : i32
        %parallel_loop3A_243 = arith.constant 1 : i32
        %parallel_loop3A_244 = scf.for %parallel_loop3A_268 = %parallel_loop3A to %parallel_loop3A_242 step %parallel_loop3A_243 iter_args(%parallel_loop3A_269 = %broadcast_in_dim3A_241) -> (vector<16xi32>)  : i32 {
          %parallel_loop3A_270 = arith.constant 192 : i32
          %parallel_loop3A_271 = arith.addi %parallel_loop3A_270, %parallel_loop3A_268 : i32
          %parallel_loop3A_272 = arith.index_cast %parallel_loop3A_271 : i32 to index
          %parallel_loop3A_273 = arith.constant 0 : index
          %parallel_loop3A_274 = tpu.vector_load %arg15[%parallel_loop3A_272, %parallel_loop3A_273] {strides = array<i32>} : memref<208x128xf32, #tpu.memory_space<vmem>>, vector<16xf32>,
          %parallel_loop3A_275 = arith.index_cast %parallel_loop3A_271 : i32 to index
          %parallel_loop3A_276 = arith.constant 16 : index
          %parallel_loop3A_277 = tpu.vector_load %arg15[%parallel_loop3A_275, %parallel_loop3A_276] {strides = array<i32>} : memref<208x128xf32, #tpu.memory_space<vmem>>, vector<16xf32>,
          %parallel_loop3A_278 = arith.index_cast %parallel_loop3A_271 : i32 to index
          %parallel_loop3A_279 = arith.constant 32 : index
          %parallel_loop3A_280 = tpu.vector_load %arg15[%parallel_loop3A_278, %parallel_loop3A_279] {strides = array<i32>} : memref<208x128xf32, #tpu.memory_space<vmem>>, vector<16xf32>,
          %parallel_loop3A_281 = arith.index_cast %parallel_loop3A_271 : i32 to index
          %parallel_loop3A_282 = arith.constant 48 : index
          %parallel_loop3A_283 = tpu.vector_load %arg15[%parallel_loop3A_281, %parallel_loop3A_282] {strides = array<i32>} : memref<208x128xf32, #tpu.memory_space<vmem>>, vector<16xf32>,
          %parallel_loop3A_284 = arith.index_cast %parallel_loop3A_271 : i32 to index
          %parallel_loop3A_285 = arith.constant 0 : index
          %parallel_loop3A_286 = tpu.vector_load %arg10[%parallel_loop3A_284, %parallel_loop3A_285] {strides = array<i32>} : memref<200x64xf32, #tpu.memory_space<vmem>>, vector<16xf32>,
          %parallel_loop3A_287 = arith.index_cast %parallel_loop3A_271 : i32 to index
          %parallel_loop3A_288 = arith.constant 16 : index
          %parallel_loop3A_289 = tpu.vector_load %arg10[%parallel_loop3A_287, %parallel_loop3A_288] {strides = array<i32>} : memref<200x64xf32, #tpu.memory_space<vmem>>, vector<16xf32>,
          %parallel_loop3A_290 = arith.index_cast %parallel_loop3A_271 : i32 to index
          %parallel_loop3A_291 = arith.constant 32 : index
          %parallel_loop3A_292 = tpu.vector_load %arg10[%parallel_loop3A_290, %parallel_loop3A_291] {strides = array<i32>} : memref<200x64xf32, #tpu.memory_space<vmem>>, vector<16xf32>,
          %parallel_loop3A_293 = arith.index_cast %parallel_loop3A_271 : i32 to index
          %parallel_loop3A_294 = arith.constant 48 : index
          %parallel_loop3A_295 = tpu.vector_load %arg10[%parallel_loop3A_293, %parallel_loop3A_294] {strides = array<i32>} : memref<200x64xf32, #tpu.memory_space<vmem>>, vector<16xf32>,
          %parallel_loop3A_296 = arith.constant 0 : i32
          %parallel_loop3A_297 = vector.broadcast %parallel_loop3A_296 : i32 to vector<16xi32>
          %parallel_loop3A_298 = arith.cmpi slt, %parallel_loop3A_269, %parallel_loop3A_297 : vector<16xi32>
          %parallel_loop3A_299 = arith.constant 16 : i32
          %parallel_loop3A_300 = vector.broadcast %parallel_loop3A_299 : i32 to vector<16xi32>
          %parallel_loop3A_301 = arith.addi %parallel_loop3A_269, %parallel_loop3A_300 : vector<16xi32>
          %parallel_loop3A_302 = arith.select %parallel_loop3A_298, %parallel_loop3A_301, %parallel_loop3A_269 : vector<16xi1>, vector<16xi32>
          %parallel_loop3A_303 = vector.shape_cast %parallel_loop3A_302 : vector<16xi32> to vector<16x1xi32>
          %parallel_loop3A_304 = vector.shape_cast %parallel_loop3A_303 : vector<16x1xi32> to vector<16xi32>
          %parallel_loop3A_305 = tpu.dynamic_gather %mul3A_238[%parallel_loop3A_304] in [0] : vector<16xf32>, vector<16xi32> -> vector<16xf32>
          %parallel_loop3A_306 = arith.constant 0 : i32
          %parallel_loop3A_307 = vector.broadcast %parallel_loop3A_306 : i32 to vector<16xi32>
          %parallel_loop3A_308 = arith.cmpi slt, %parallel_loop3A_269, %parallel_loop3A_307 : vector<16xi32>
          %parallel_loop3A_309 = arith.constant 16 : i32
          %parallel_loop3A_310 = vector.broadcast %parallel_loop3A_309 : i32 to vector<16xi32>
          %parallel_loop3A_311 = arith.addi %parallel_loop3A_269, %parallel_loop3A_310 : vector<16xi32>
          %parallel_loop3A_312 = arith.select %parallel_loop3A_308, %parallel_loop3A_311, %parallel_loop3A_269 : vector<16xi1>, vector<16xi32>
          %parallel_loop3A_313 = vector.shape_cast %parallel_loop3A_312 : vector<16xi32> to vector<16x1xi32>
          %parallel_loop3A_314 = vector.shape_cast %parallel_loop3A_313 : vector<16x1xi32> to vector<16xi32>
          %parallel_loop3A_315 = tpu.dynamic_gather %mul3A_239[%parallel_loop3A_314] in [0] : vector<16xf32>, vector<16xi32> -> vector<16xf32>
          %parallel_loop3A_316 = arith.mulf %parallel_loop3A_274, %parallel_loop3A_305 : vector<16xf32>
          %parallel_loop3A_317 = arith.subf %parallel_loop3A_316, %parallel_loop3A_315 : vector<16xf32>
          %parallel_loop3A_318 = arith.mulf %parallel_loop3A_317, %get3A_12 : vector<16xf32>
          %parallel_loop3A_319 = arith.addf %parallel_loop3A_318, %get3A_28 : vector<16xf32>
          %parallel_loop3A_320 = arith.index_cast %parallel_loop3A_271 : i32 to index
          %parallel_loop3A_321 = arith.constant 0 : index
          %parallel_loop3A_322 = tpu.vector_load %arg15[%parallel_loop3A_320, %parallel_loop3A_321] {strides = array<i32>} : memref<208x128xf32, #tpu.memory_space<vmem>>, vector<16xf32>,
          tpu.vector_store %arg15[%parallel_loop3A_320, %parallel_loop3A_321], %parallel_loop3A_319 {strides = array<i32>} : memref<208x128xf32, #tpu.memory_space<vmem>>, vector<16xf32>,
          %parallel_loop3A_323 = arith.mulf %parallel_loop3A_277, %parallel_loop3A_305 : vector<16xf32>
          %parallel_loop3A_324 = arith.subf %parallel_loop3A_323, %parallel_loop3A_315 : vector<16xf32>
          %parallel_loop3A_325 = arith.mulf %parallel_loop3A_324, %get3A_14 : vector<16xf32>
          %parallel_loop3A_326 = arith.addf %parallel_loop3A_325, %get3A_30 : vector<16xf32>
          %parallel_loop3A_327 = arith.index_cast %parallel_loop3A_271 : i32 to index
          %parallel_loop3A_328 = arith.constant 16 : index
          %parallel_loop3A_329 = tpu.vector_load %arg15[%parallel_loop3A_327, %parallel_loop3A_328] {strides = array<i32>} : memref<208x128xf32, #tpu.memory_space<vmem>>, vector<16xf32>,
          tpu.vector_store %arg15[%parallel_loop3A_327, %parallel_loop3A_328], %parallel_loop3A_326 {strides = array<i32>} : memref<208x128xf32, #tpu.memory_space<vmem>>, vector<16xf32>,
          %parallel_loop3A_330 = arith.mulf %parallel_loop3A_280, %parallel_loop3A_305 : vector<16xf32>
          %parallel_loop3A_331 = arith.subf %parallel_loop3A_330, %parallel_loop3A_315 : vector<16xf32>
          %parallel_loop3A_332 = arith.mulf %parallel_loop3A_331, %get3A_16 : vector<16xf32>
          %parallel_loop3A_333 = arith.addf %parallel_loop3A_332, %get3A_32 : vector<16xf32>
          %parallel_loop3A_334 = arith.index_cast %parallel_loop3A_271 : i32 to index
          %parallel_loop3A_335 = arith.constant 32 : index
          %parallel_loop3A_336 = tpu.vector_load %arg15[%parallel_loop3A_334, %parallel_loop3A_335] {strides = array<i32>} : memref<208x128xf32, #tpu.memory_space<vmem>>, vector<16xf32>,
          tpu.vector_store %arg15[%parallel_loop3A_334, %parallel_loop3A_335], %parallel_loop3A_333 {strides = array<i32>} : memref<208x128xf32, #tpu.memory_space<vmem>>, vector<16xf32>,
          %parallel_loop3A_337 = arith.mulf %parallel_loop3A_283, %parallel_loop3A_305 : vector<16xf32>
          %parallel_loop3A_338 = arith.subf %parallel_loop3A_337, %parallel_loop3A_315 : vector<16xf32>
          %parallel_loop3A_339 = arith.mulf %parallel_loop3A_338, %get3A_18 : vector<16xf32>
          %parallel_loop3A_340 = arith.addf %parallel_loop3A_339, %get3A_34 : vector<16xf32>
          %parallel_loop3A_341 = arith.index_cast %parallel_loop3A_271 : i32 to index
          %parallel_loop3A_342 = arith.constant 48 : index
          %parallel_loop3A_343 = tpu.vector_load %arg15[%parallel_loop3A_341, %parallel_loop3A_342] {strides = array<i32>} : memref<208x128xf32, #tpu.memory_space<vmem>>, vector<16xf32>,
          tpu.vector_store %arg15[%parallel_loop3A_341, %parallel_loop3A_342], %parallel_loop3A_340 {strides = array<i32>} : memref<208x128xf32, #tpu.memory_space<vmem>>, vector<16xf32>,
          %parallel_loop3A_344 = arith.mulf %parallel_loop3A_286, %parallel_loop3A_305 : vector<16xf32>
          %parallel_loop3A_345 = arith.subf %parallel_loop3A_344, %parallel_loop3A_315 : vector<16xf32>
          %parallel_loop3A_346 = arith.mulf %parallel_loop3A_345, %get3A_20 : vector<16xf32>
          %parallel_loop3A_347 = arith.addf %parallel_loop3A_346, %get3A_36 : vector<16xf32>
          %parallel_loop3A_348 = arith.index_cast %parallel_loop3A_271 : i32 to index
          %parallel_loop3A_349 = arith.constant 64 : index
          %parallel_loop3A_350 = tpu.vector_load %arg15[%parallel_loop3A_348, %parallel_loop3A_349] {strides = array<i32>} : memref<208x128xf32, #tpu.memory_space<vmem>>, vector<16xf32>,
          tpu.vector_store %arg15[%parallel_loop3A_348, %parallel_loop3A_349], %parallel_loop3A_347 {strides = array<i32>} : memref<208x128xf32, #tpu.memory_space<vmem>>, vector<16xf32>,
          %parallel_loop3A_351 = arith.mulf %parallel_loop3A_289, %parallel_loop3A_305 : vector<16xf32>
          %parallel_loop3A_352 = arith.subf %parallel_loop3A_351, %parallel_loop3A_315 : vector<16xf32>
          %parallel_loop3A_353 = arith.mulf %parallel_loop3A_352, %get3A_22 : vector<16xf32>
          %parallel_loop3A_354 = arith.addf %parallel_loop3A_353, %get3A_38 : vector<16xf32>
          %parallel_loop3A_355 = arith.index_cast %parallel_loop3A_271 : i32 to index
          %parallel_loop3A_356 = arith.constant 80 : index
          %parallel_loop3A_357 = tpu.vector_load %arg15[%parallel_loop3A_355, %parallel_loop3A_356] {strides = array<i32>} : memref<208x128xf32, #tpu.memory_space<vmem>>, vector<16xf32>,
          tpu.vector_store %arg15[%parallel_loop3A_355, %parallel_loop3A_356], %parallel_loop3A_354 {strides = array<i32>} : memref<208x128xf32, #tpu.memory_space<vmem>>, vector<16xf32>,
          %parallel_loop3A_358 = arith.mulf %parallel_loop3A_292, %parallel_loop3A_305 : vector<16xf32>
          %parallel_loop3A_359 = arith.subf %parallel_loop3A_358, %parallel_loop3A_315 : vector<16xf32>
          %parallel_loop3A_360 = arith.mulf %parallel_loop3A_359, %get3A_24 : vector<16xf32>
          %parallel_loop3A_361 = arith.addf %parallel_loop3A_360, %get3A_40 : vector<16xf32>
          %parallel_loop3A_362 = arith.index_cast %parallel_loop3A_271 : i32 to index
          %parallel_loop3A_363 = arith.constant 96 : index
          %parallel_loop3A_364 = tpu.vector_load %arg15[%parallel_loop3A_362, %parallel_loop3A_363] {strides = array<i32>} : memref<208x128xf32, #tpu.memory_space<vmem>>, vector<16xf32>,
          tpu.vector_store %arg15[%parallel_loop3A_362, %parallel_loop3A_363], %parallel_loop3A_361 {strides = array<i32>} : memref<208x128xf32, #tpu.memory_space<vmem>>, vector<16xf32>,
          %parallel_loop3A_365 = arith.mulf %parallel_loop3A_295, %parallel_loop3A_305 : vector<16xf32>
          %parallel_loop3A_366 = arith.subf %parallel_loop3A_365, %parallel_loop3A_315 : vector<16xf32>
          %parallel_loop3A_367 = arith.mulf %parallel_loop3A_366, %get3A_26 : vector<16xf32>
          %parallel_loop3A_368 = arith.addf %parallel_loop3A_367, %get3A_42 : vector<16xf32>
          %parallel_loop3A_369 = arith.index_cast %parallel_loop3A_271 : i32 to index
          %parallel_loop3A_370 = arith.constant 112 : index
          %parallel_loop3A_371 = tpu.vector_load %arg15[%parallel_loop3A_369, %parallel_loop3A_370] {strides = array<i32>} : memref<208x128xf32, #tpu.memory_space<vmem>>, vector<16xf32>,
          tpu.vector_store %arg15[%parallel_loop3A_369, %parallel_loop3A_370], %parallel_loop3A_368 {strides = array<i32>} : memref<208x128xf32, #tpu.memory_space<vmem>>, vector<16xf32>,
          %parallel_loop3A_372 = arith.constant 1 : i32
          %parallel_loop3A_373 = vector.broadcast %parallel_loop3A_372 : i32 to vector<16xi32>
          %parallel_loop3A_374 = arith.addi %parallel_loop3A_269, %parallel_loop3A_373 : vector<16xi32>
          scf.yield %parallel_loop3A_374 : vector<16xi32>
        } {sc.loop_unroll_factor = 4 : i64, sc.parallel_access}
        %add3A_245 = arith.addi %multiple_of3A, %add3A_161 : i32
        %dma_start3A_246 = arith.constant 0 : i32
        %dma_start3A_247 = arith.constant 0 : i32
        %dma_start3A_248 = tpu.memref_slice %arg15[%dma_start3A_246, %dma_start3A_247] : memref<208x128xf32, #tpu.memory_space<vmem>> -> memref<200x128xf32, #tpu.memory_space<vmem>>
        %dma_start3A_249 = arith.constant 0 : i32
        %dma_start3A_250 = arith.constant 0 : i32
        %dma_start3A_251 = tpu.memref_slice %arg8[%add3A_245, %dma_start3A_249, %dma_start3A_250] : memref<4096x200x128xf32, #tpu.memory_space<hbm>> -> memref<1x200x128xf32, #tpu.memory_space<hbm>>
        %dma_start3A_252 = tpu.memref_squeeze %dma_start3A_251 : memref<1x200x128xf32, #tpu.memory_space<hbm>> -> memref<200x128xf32, #tpu.memory_space<hbm>>
        %dma_start3A_253 = arith.constant 0 : i32
        %dma_start3A_254 = arith.constant 0 : i32
        %dma_start3A_255 = tpu.memref_slice %arg8[%add3A_245, %dma_start3A_253, %dma_start3A_254] : memref<4096x200x128xf32, #tpu.memory_space<hbm>> -> memref<1x200x128xf32, #tpu.memory_space<hbm>>
        %dma_start3A_256 = tpu.memref_squeeze %dma_start3A_255 : memref<1x200x128xf32, #tpu.memory_space<hbm>> -> memref<200x128xf32, #tpu.memory_space<hbm>>
        %dma_start3A_257 = arith.constant 0 : i32
        %dma_start3A_258 = arith.constant 0 : i32
        %dma_start3A_259 = tpu.memref_slice %arg15[%dma_start3A_257, %dma_start3A_258] : memref<208x128xf32, #tpu.memory_space<vmem>> -> memref<200x128xf32, #tpu.memory_space<vmem>>
        tpu.enqueue_dma source(%dma_start3A_259 : memref<200x128xf32, #tpu.memory_space<vmem>>) target(%dma_start3A_256 : memref<200x128xf32, #tpu.memory_space<hbm>>) target_semaphore(%arg21 : memref<!tpu.dma_semaphore, #tpu.memory_space<semaphore_mem>>)
        %ge3A = arith.constant 1 : i32
        %ge3A_260 = arith.cmpi sge, %add3A_161, %ge3A : i32
        %add3A_261 = arith.constant 2 : i32
        %add3A_262 = arith.addi %add3A_161, %add3A_261 : i32
        %lt3A_263 = arith.constant 128 : i32
        %lt3A_264 = arith.cmpi slt, %add3A_262, %lt3A_263 : i32
        %and3A = arith.andi %ge3A_260, %lt3A_264 : i1
        %convert_element_type3A_265 = arith.extui %and3A : i1 to i32
        %cond3A_266 = arith.constant 0 : i32
        %cond3A_267 = arith.cmpi ne, %convert_element_type3A_265, %cond3A_266 : i32
        scf.if %cond3A_267 {
          %dma_wait3A_268 = arith.constant 0 : i32
          %dma_wait3A_269 = arith.constant 0 : i32
          %dma_wait3A_270 = arith.constant 0 : i32
          %dma_wait3A_271 = tpu.memref_slice %arg14[%dma_wait3A_269, %dma_wait3A_270] : memref<208x128xf32, #tpu.memory_space<vmem>> -> memref<200x128xf32, #tpu.memory_space<vmem>>
          %dma_wait3A_272 = arith.constant 0 : i32
          %dma_wait3A_273 = arith.constant 0 : i32
          %dma_wait3A_274 = tpu.memref_slice %arg8[%dma_wait3A_268, %dma_wait3A_272, %dma_wait3A_273] : memref<4096x200x128xf32, #tpu.memory_space<hbm>> -> memref<1x200x128xf32, #tpu.memory_space<hbm>>
          %dma_wait3A_275 = tpu.memref_squeeze %dma_wait3A_274 : memref<1x200x128xf32, #tpu.memory_space<hbm>> -> memref<200x128xf32, #tpu.memory_space<hbm>>
          %dma_wait3A_276 = arith.constant 0 : i32
          %dma_wait3A_277 = arith.constant 0 : i32
          %dma_wait3A_278 = tpu.memref_slice %arg8[%dma_wait3A_268, %dma_wait3A_276, %dma_wait3A_277] : memref<4096x200x128xf32, #tpu.memory_space<hbm>> -> memref<1x200x128xf32, #tpu.memory_space<hbm>>
          %dma_wait3A_279 = tpu.memref_squeeze %dma_wait3A_278 : memref<1x200x128xf32, #tpu.memory_space<hbm>> -> memref<200x128xf32, #tpu.memory_space<hbm>>
          %dma_wait3A_280 = arith.constant 0 : i32
          %dma_wait3A_281 = arith.constant 0 : i32
          %dma_wait3A_282 = tpu.memref_slice %arg14[%dma_wait3A_280, %dma_wait3A_281] : memref<208x128xf32, #tpu.memory_space<vmem>> -> memref<200x128xf32, #tpu.memory_space<vmem>>
          tpu.wait_dma2 semaphore(%arg20 : memref<!tpu.dma_semaphore, #tpu.memory_space<semaphore_mem>>) src(%dma_wait3A_282 : memref<200x128xf32, #tpu.memory_space<vmem>>) dst(%dma_wait3A_279 : memref<200x128xf32, #tpu.memory_space<hbm>>)
          %add3A_283 = arith.constant 2 : i32
          %add3A_284 = arith.addi %add3A_161, %add3A_283 : i32
          %dma_start3A_285 = arith.constant 0 : i32
          %dma_start3A_286 = arith.constant 0 : i32
          %dma_start3A_287 = tpu.memref_slice %arg14[%dma_start3A_285, %dma_start3A_286] : memref<208x128xf32, #tpu.memory_space<vmem>> -> memref<128x128xf32, #tpu.memory_space<vmem>>
          %dma_start3A_288 = arith.constant 0 : i32
          %dma_start3A_289 = tpu.memref_slice %arg9[%add3A_284, %dma_start3A_288] : memref<128x200xi32, #tpu.memory_space<vmem>> -> memref<1x128xi32, #tpu.memory_space<vmem>>
          %dma_start3A_290 = tpu.memref_squeeze %dma_start3A_289 : memref<1x128xi32, #tpu.memory_space<vmem>> -> memref<128xi32, #tpu.memory_space<vmem>>
          %dma_start3A_291 = arith.constant 0 : i32
          %dma_start3A_292 = arith.constant 0 : i32
          %dma_start3A_293 = tpu.memref_slice %arg3[%dma_start3A_291, %dma_start3A_292] : memref<100000x128xf32, #tpu.memory_space<hbm>> -> memref<100000x128xf32, #tpu.memory_space<hbm>>
          tpu.enqueue_indirect_dma source(%dma_start3A_293 : memref<100000x128xf32, #tpu.memory_space<hbm>>) target(%dma_start3A_287 : memref<128x128xf32, #tpu.memory_space<vmem>>) offsets(%dma_start3A_290 : memref<128xi32, #tpu.memory_space<vmem>>) semaphore(%arg17 : memref<!tpu.dma_semaphore, #tpu.memory_space<semaphore_mem>>)
          %dma_start3A_294 = arith.constant 128 : i32
          %dma_start3A_295 = arith.constant 0 : i32
          %dma_start3A_296 = tpu.memref_slice %arg14[%dma_start3A_294, %dma_start3A_295] : memref<208x128xf32, #tpu.memory_space<vmem>> -> memref<72x128xf32, #tpu.memory_space<vmem>>
          %dma_start3A_297 = arith.constant 128 : i32
          %dma_start3A_298 = tpu.memref_slice %arg9[%add3A_284, %dma_start3A_297] : memref<128x200xi32, #tpu.memory_space<vmem>> -> memref<1x72xi32, #tpu.memory_space<vmem>>
          %dma_start3A_299 = tpu.memref_squeeze %dma_start3A_298 : memref<1x72xi32, #tpu.memory_space<vmem>> -> memref<72xi32, #tpu.memory_space<vmem>>
          %dma_start3A_300 = arith.constant 0 : i32
          %dma_start3A_301 = arith.constant 0 : i32
          %dma_start3A_302 = tpu.memref_slice %arg3[%dma_start3A_300, %dma_start3A_301] : memref<100000x128xf32, #tpu.memory_space<hbm>> -> memref<100000x128xf32, #tpu.memory_space<hbm>>
          tpu.enqueue_indirect_dma source(%dma_start3A_302 : memref<100000x128xf32, #tpu.memory_space<hbm>>) target(%dma_start3A_296 : memref<72x128xf32, #tpu.memory_space<vmem>>) offsets(%dma_start3A_299 : memref<72xi32, #tpu.memory_space<vmem>>) semaphore(%arg17 : memref<!tpu.dma_semaphore, #tpu.memory_space<semaphore_mem>>)
        } else {
        }
      } else {
      }
      %mul3A_167 = arith.constant 3 : i32
      %mul3A_168 = arith.muli %scan3A_151, %mul3A_167 : i32
      %add3A_169 = arith.constant 2 : i32
      %add3A_170 = arith.addi %mul3A_168, %add3A_169 : i32
      %lt3A_171 = arith.constant 128 : i32
      %lt3A_172 = arith.cmpi slt, %add3A_170, %lt3A_171 : i32
      %convert_element_type3A_173 = arith.extui %lt3A_172 : i1 to i32
      %cond3A_174 = arith.constant 0 : i32
      %cond3A_175 = arith.cmpi ne, %convert_element_type3A_173, %cond3A_174 : i32
      scf.if %cond3A_175 {
        %dma_wait3A_176 = arith.constant 0 : i32
        %dma_wait3A_177 = arith.constant 0 : i32
        %dma_wait3A_178 = arith.constant 0 : i32
        %dma_wait3A_179 = tpu.memref_slice %arg16[%dma_wait3A_177, %dma_wait3A_178] : memref<208x128xf32, #tpu.memory_space<vmem>> -> memref<128x128xf32, #tpu.memory_space<vmem>>
        %dma_wait3A_180 = arith.constant 0 : i32
        %dma_wait3A_181 = tpu.memref_slice %arg9[%dma_wait3A_176, %dma_wait3A_180] : memref<128x200xi32, #tpu.memory_space<vmem>> -> memref<1x128xi32, #tpu.memory_space<vmem>>
        %dma_wait3A_182 = tpu.memref_squeeze %dma_wait3A_181 : memref<1x128xi32, #tpu.memory_space<vmem>> -> memref<128xi32, #tpu.memory_space<vmem>>
        %dma_wait3A_183 = arith.constant 0 : i32
        %dma_wait3A_184 = arith.constant 0 : i32
        %dma_wait3A_185 = tpu.memref_slice %arg3[%dma_wait3A_183, %dma_wait3A_184] : memref<100000x128xf32, #tpu.memory_space<hbm>> -> memref<100000x128xf32, #tpu.memory_space<hbm>>
        tpu.wait_indirect_dma semaphore(%arg19 : memref<!tpu.dma_semaphore, #tpu.memory_space<semaphore_mem>>) src(%dma_wait3A_185 : memref<100000x128xf32, #tpu.memory_space<hbm>>) dst(%dma_wait3A_179 : memref<128x128xf32, #tpu.memory_space<vmem>>)
        %dma_wait3A_186 = arith.constant 0 : i32
        %dma_wait3A_187 = arith.constant 128 : i32
        %dma_wait3A_188 = arith.constant 0 : i32
        %dma_wait3A_189 = tpu.memref_slice %arg16[%dma_wait3A_187, %dma_wait3A_188] : memref<208x128xf32, #tpu.memory_space<vmem>> -> memref<72x128xf32, #tpu.memory_space<vmem>>
        %dma_wait3A_190 = arith.constant 128 : i32
        %dma_wait3A_191 = tpu.memref_slice %arg9[%dma_wait3A_186, %dma_wait3A_190] : memref<128x200xi32, #tpu.memory_space<vmem>> -> memref<1x72xi32, #tpu.memory_space<vmem>>
        %dma_wait3A_192 = tpu.memref_squeeze %dma_wait3A_191 : memref<1x72xi32, #tpu.memory_space<vmem>> -> memref<72xi32, #tpu.memory_space<vmem>>
        %dma_wait3A_193 = arith.constant 0 : i32
        %dma_wait3A_194 = arith.constant 0 : i32
        %dma_wait3A_195 = tpu.memref_slice %arg3[%dma_wait3A_193, %dma_wait3A_194] : memref<100000x128xf32, #tpu.memory_space<hbm>> -> memref<100000x128xf32, #tpu.memory_space<hbm>>
        tpu.wait_indirect_dma semaphore(%arg19 : memref<!tpu.dma_semaphore, #tpu.memory_space<semaphore_mem>>) src(%dma_wait3A_195 : memref<100000x128xf32, #tpu.memory_space<hbm>>) dst(%dma_wait3A_189 : memref<72x128xf32, #tpu.memory_space<vmem>>)
        %scan3A_196 = arith.constant 0 : i32
        %scan3A_197 = arith.constant 0 : i32
        %scan3A_198 = arith.constant 12 : i32
        %scan3A_199 = arith.addi %scan3A_197, %scan3A_198 : i32
        %scan3A_200 = arith.constant 1 : i32
        scf.for %scan3A_268 = %scan3A_197 to %scan3A_199 step %scan3A_200  : i32 {
          %mul3A_269 = arith.constant 16 : i32
          %mul3A_270 = arith.muli %scan3A_268, %mul3A_269 : i32
          %add3A_271 = vector.broadcast %mul3A_270 : i32 to vector<16xi32>
          %add3A_272 = arith.addi %add3A_271, %iota3A : vector<16xi32>
          %gather3A_273 = tpu.vector_load_idx %arg16[%add3A_272, %broadcast_in_dim3A_3] : memref<208x128xf32, #tpu.memory_space<vmem>>[vector<16xi32>, vector<16xi32>], vector<16xf32>,
          %gather3A_274 = tpu.vector_load_idx %arg16[%add3A_272, %broadcast_in_dim3A_5] : memref<208x128xf32, #tpu.memory_space<vmem>>[vector<16xi32>, vector<16xi32>], vector<16xf32>,
          %gather3A_275 = tpu.vector_load_idx %arg13[%add3A_272, %broadcast_in_dim3A_7] : memref<208x16xf32, #tpu.memory_space<vmem>>[vector<16xi32>, vector<16xi32>], vector<16xf32>,
          %gather3A_276 = tpu.vector_load_idx %arg13[%add3A_272, %broadcast_in_dim3A_9] : memref<208x16xf32, #tpu.memory_space<vmem>>[vector<16xi32>, vector<16xi32>], vector<16xf32>,
          %add3A_277 = arith.addf %gather3A_273, %gather3A_275 : vector<16xf32>
          %mul3A_278 = arith.constant 7.812500e-03 : f32
          %mul3A_279 = vector.broadcast %mul3A_278 : f32 to vector<16xf32>
          %mul3A_280 = arith.mulf %add3A_277, %mul3A_279 : vector<16xf32>
          %add3A_281 = arith.addf %gather3A_274, %gather3A_276 : vector<16xf32>
          %mul3A_282 = arith.constant 7.812500e-03 : f32
          %mul3A_283 = vector.broadcast %mul3A_282 : f32 to vector<16xf32>
          %mul3A_284 = arith.mulf %add3A_281, %mul3A_283 : vector<16xf32>
          %mul3A_285 = arith.mulf %mul3A_280, %mul3A_280 : vector<16xf32>
          %sub3A_286 = arith.subf %mul3A_284, %mul3A_285 : vector<16xf32>
          %add3A_287 = arith.constant 9.99999974E-6 : f32
          %add3A_288 = vector.broadcast %add3A_287 : f32 to vector<16xf32>
          %add3A_289 = arith.addf %sub3A_286, %add3A_288 : vector<16xf32>
          %bitcast3A_290 = vector.bitcast %add3A_289 : vector<16xf32> to vector<16xi32>
          %shift_right_logical3A_291 = arith.constant 1 : i32
          %shift_right_logical3A_292 = vector.broadcast %shift_right_logical3A_291 : i32 to vector<16xi32>
          %shift_right_logical3A_293 = arith.shrui %bitcast3A_290, %shift_right_logical3A_292 : vector<16xi32>
          %sub3A_294 = arith.subi %broadcast_in_dim3A_11, %shift_right_logical3A_293 : vector<16xi32>
          %bitcast3A_295 = vector.bitcast %sub3A_294 : vector<16xi32> to vector<16xf32>
          %mul3A_296 = arith.constant 5.000000e-01 : f32
          %mul3A_297 = vector.broadcast %mul3A_296 : f32 to vector<16xf32>
          %mul3A_298 = arith.mulf %mul3A_297, %add3A_289 : vector<16xf32>
          %mul3A_299 = arith.mulf %mul3A_298, %bitcast3A_295 : vector<16xf32>
          %mul3A_300 = arith.mulf %mul3A_299, %bitcast3A_295 : vector<16xf32>
          %sub3A_301 = arith.constant 1.500000e+00 : f32
          %sub3A_302 = vector.broadcast %sub3A_301 : f32 to vector<16xf32>
          %sub3A_303 = arith.subf %sub3A_302, %mul3A_300 : vector<16xf32>
          %mul3A_304 = arith.mulf %bitcast3A_295, %sub3A_303 : vector<16xf32>
          %mul3A_305 = arith.mulf %mul3A_298, %mul3A_304 : vector<16xf32>
          %mul3A_306 = arith.mulf %mul3A_305, %mul3A_304 : vector<16xf32>
          %sub3A_307 = arith.constant 1.500000e+00 : f32
          %sub3A_308 = vector.broadcast %sub3A_307 : f32 to vector<16xf32>
          %sub3A_309 = arith.subf %sub3A_308, %mul3A_306 : vector<16xf32>
          %mul3A_310 = arith.mulf %mul3A_304, %sub3A_309 : vector<16xf32>
          %mul3A_311 = arith.mulf %mul3A_280, %mul3A_310 : vector<16xf32>
          %broadcast_in_dim3A_312 = arith.constant 0 : i32
          %broadcast_in_dim3A_313 = vector.broadcast %broadcast_in_dim3A_312 : i32 to vector<16xi32>
          %parallel_loop3A_314 = arith.constant 0 : i32
          %parallel_loop3A_315 = arith.constant 16 : i32
          %parallel_loop3A_316 = arith.constant 1 : i32
          %parallel_loop3A_317 = scf.for %parallel_loop3A_318 = %parallel_loop3A_314 to %parallel_loop3A_315 step %parallel_loop3A_316 iter_args(%parallel_loop3A_319 = %broadcast_in_dim3A_313) -> (vector<16xi32>)  : i32 {
            %parallel_loop3A_320 = arith.addi %mul3A_270, %parallel_loop3A_318 : i32
            %parallel_loop3A_321 = arith.index_cast %parallel_loop3A_320 : i32 to index
            %parallel_loop3A_322 = arith.constant 0 : index
            %parallel_loop3A_323 = tpu.vector_load %arg16[%parallel_loop3A_321, %parallel_loop3A_322] {strides = array<i32>} : memref<208x128xf32, #tpu.memory_space<vmem>>, vector<16xf32>,
            %parallel_loop3A_324 = arith.index_cast %parallel_loop3A_320 : i32 to index
            %parallel_loop3A_325 = arith.constant 16 : index
            %parallel_loop3A_326 = tpu.vector_load %arg16[%parallel_loop3A_324, %parallel_loop3A_325] {strides = array<i32>} : memref<208x128xf32, #tpu.memory_space<vmem>>, vector<16xf32>,
            %parallel_loop3A_327 = arith.index_cast %parallel_loop3A_320 : i32 to index
            %parallel_loop3A_328 = arith.constant 32 : index
            %parallel_loop3A_329 = tpu.vector_load %arg16[%parallel_loop3A_327, %parallel_loop3A_328] {strides = array<i32>} : memref<208x128xf32, #tpu.memory_space<vmem>>, vector<16xf32>,
            %parallel_loop3A_330 = arith.index_cast %parallel_loop3A_320 : i32 to index
            %parallel_loop3A_331 = arith.constant 48 : index
            %parallel_loop3A_332 = tpu.vector_load %arg16[%parallel_loop3A_330, %parallel_loop3A_331] {strides = array<i32>} : memref<208x128xf32, #tpu.memory_space<vmem>>, vector<16xf32>,
            %parallel_loop3A_333 = arith.index_cast %parallel_loop3A_320 : i32 to index
            %parallel_loop3A_334 = arith.constant 0 : index
            %parallel_loop3A_335 = tpu.vector_load %arg10[%parallel_loop3A_333, %parallel_loop3A_334] {strides = array<i32>} : memref<200x64xf32, #tpu.memory_space<vmem>>, vector<16xf32>,
            %parallel_loop3A_336 = arith.index_cast %parallel_loop3A_320 : i32 to index
            %parallel_loop3A_337 = arith.constant 16 : index
            %parallel_loop3A_338 = tpu.vector_load %arg10[%parallel_loop3A_336, %parallel_loop3A_337] {strides = array<i32>} : memref<200x64xf32, #tpu.memory_space<vmem>>, vector<16xf32>,
            %parallel_loop3A_339 = arith.index_cast %parallel_loop3A_320 : i32 to index
            %parallel_loop3A_340 = arith.constant 32 : index
            %parallel_loop3A_341 = tpu.vector_load %arg10[%parallel_loop3A_339, %parallel_loop3A_340] {strides = array<i32>} : memref<200x64xf32, #tpu.memory_space<vmem>>, vector<16xf32>,
            %parallel_loop3A_342 = arith.index_cast %parallel_loop3A_320 : i32 to index
            %parallel_loop3A_343 = arith.constant 48 : index
            %parallel_loop3A_344 = tpu.vector_load %arg10[%parallel_loop3A_342, %parallel_loop3A_343] {strides = array<i32>} : memref<200x64xf32, #tpu.memory_space<vmem>>, vector<16xf32>,
            %parallel_loop3A_345 = arith.constant 0 : i32
            %parallel_loop3A_346 = vector.broadcast %parallel_loop3A_345 : i32 to vector<16xi32>
            %parallel_loop3A_347 = arith.cmpi slt, %parallel_loop3A_319, %parallel_loop3A_346 : vector<16xi32>
            %parallel_loop3A_348 = arith.constant 16 : i32
            %parallel_loop3A_349 = vector.broadcast %parallel_loop3A_348 : i32 to vector<16xi32>
            %parallel_loop3A_350 = arith.addi %parallel_loop3A_319, %parallel_loop3A_349 : vector<16xi32>
            %parallel_loop3A_351 = arith.select %parallel_loop3A_347, %parallel_loop3A_350, %parallel_loop3A_319 : vector<16xi1>, vector<16xi32>
            %parallel_loop3A_352 = vector.shape_cast %parallel_loop3A_351 : vector<16xi32> to vector<16x1xi32>
            %parallel_loop3A_353 = vector.shape_cast %parallel_loop3A_352 : vector<16x1xi32> to vector<16xi32>
            %parallel_loop3A_354 = tpu.dynamic_gather %mul3A_310[%parallel_loop3A_353] in [0] : vector<16xf32>, vector<16xi32> -> vector<16xf32>
            %parallel_loop3A_355 = arith.constant 0 : i32
            %parallel_loop3A_356 = vector.broadcast %parallel_loop3A_355 : i32 to vector<16xi32>
            %parallel_loop3A_357 = arith.cmpi slt, %parallel_loop3A_319, %parallel_loop3A_356 : vector<16xi32>
            %parallel_loop3A_358 = arith.constant 16 : i32
            %parallel_loop3A_359 = vector.broadcast %parallel_loop3A_358 : i32 to vector<16xi32>
            %parallel_loop3A_360 = arith.addi %parallel_loop3A_319, %parallel_loop3A_359 : vector<16xi32>
            %parallel_loop3A_361 = arith.select %parallel_loop3A_357, %parallel_loop3A_360, %parallel_loop3A_319 : vector<16xi1>, vector<16xi32>
            %parallel_loop3A_362 = vector.shape_cast %parallel_loop3A_361 : vector<16xi32> to vector<16x1xi32>
            %parallel_loop3A_363 = vector.shape_cast %parallel_loop3A_362 : vector<16x1xi32> to vector<16xi32>
            %parallel_loop3A_364 = tpu.dynamic_gather %mul3A_311[%parallel_loop3A_363] in [0] : vector<16xf32>, vector<16xi32> -> vector<16xf32>
            %parallel_loop3A_365 = arith.mulf %parallel_loop3A_323, %parallel_loop3A_354 : vector<16xf32>
            %parallel_loop3A_366 = arith.subf %parallel_loop3A_365, %parallel_loop3A_364 : vector<16xf32>
            %parallel_loop3A_367 = arith.mulf %parallel_loop3A_366, %get3A_12 : vector<16xf32>
            %parallel_loop3A_368 = arith.addf %parallel_loop3A_367, %get3A_28 : vector<16xf32>
            %parallel_loop3A_369 = arith.index_cast %parallel_loop3A_320 : i32 to index
            %parallel_loop3A_370 = arith.constant 0 : index
            %parallel_loop3A_371 = tpu.vector_load %arg16[%parallel_loop3A_369, %parallel_loop3A_370] {strides = array<i32>} : memref<208x128xf32, #tpu.memory_space<vmem>>, vector<16xf32>,
            tpu.vector_store %arg16[%parallel_loop3A_369, %parallel_loop3A_370], %parallel_loop3A_368 {strides = array<i32>} : memref<208x128xf32, #tpu.memory_space<vmem>>, vector<16xf32>,
            %parallel_loop3A_372 = arith.mulf %parallel_loop3A_326, %parallel_loop3A_354 : vector<16xf32>
            %parallel_loop3A_373 = arith.subf %parallel_loop3A_372, %parallel_loop3A_364 : vector<16xf32>
            %parallel_loop3A_374 = arith.mulf %parallel_loop3A_373, %get3A_14 : vector<16xf32>
            %parallel_loop3A_375 = arith.addf %parallel_loop3A_374, %get3A_30 : vector<16xf32>
            %parallel_loop3A_376 = arith.index_cast %parallel_loop3A_320 : i32 to index
            %parallel_loop3A_377 = arith.constant 16 : index
            %parallel_loop3A_378 = tpu.vector_load %arg16[%parallel_loop3A_376, %parallel_loop3A_377] {strides = array<i32>} : memref<208x128xf32, #tpu.memory_space<vmem>>, vector<16xf32>,
            tpu.vector_store %arg16[%parallel_loop3A_376, %parallel_loop3A_377], %parallel_loop3A_375 {strides = array<i32>} : memref<208x128xf32, #tpu.memory_space<vmem>>, vector<16xf32>,
            %parallel_loop3A_379 = arith.mulf %parallel_loop3A_329, %parallel_loop3A_354 : vector<16xf32>
            %parallel_loop3A_380 = arith.subf %parallel_loop3A_379, %parallel_loop3A_364 : vector<16xf32>
            %parallel_loop3A_381 = arith.mulf %parallel_loop3A_380, %get3A_16 : vector<16xf32>
            %parallel_loop3A_382 = arith.addf %parallel_loop3A_381, %get3A_32 : vector<16xf32>
            %parallel_loop3A_383 = arith.index_cast %parallel_loop3A_320 : i32 to index
            %parallel_loop3A_384 = arith.constant 32 : index
            %parallel_loop3A_385 = tpu.vector_load %arg16[%parallel_loop3A_383, %parallel_loop3A_384] {strides = array<i32>} : memref<208x128xf32, #tpu.memory_space<vmem>>, vector<16xf32>,
            tpu.vector_store %arg16[%parallel_loop3A_383, %parallel_loop3A_384], %parallel_loop3A_382 {strides = array<i32>} : memref<208x128xf32, #tpu.memory_space<vmem>>, vector<16xf32>,
            %parallel_loop3A_386 = arith.mulf %parallel_loop3A_332, %parallel_loop3A_354 : vector<16xf32>
            %parallel_loop3A_387 = arith.subf %parallel_loop3A_386, %parallel_loop3A_364 : vector<16xf32>
            %parallel_loop3A_388 = arith.mulf %parallel_loop3A_387, %get3A_18 : vector<16xf32>
            %parallel_loop3A_389 = arith.addf %parallel_loop3A_388, %get3A_34 : vector<16xf32>
            %parallel_loop3A_390 = arith.index_cast %parallel_loop3A_320 : i32 to index
            %parallel_loop3A_391 = arith.constant 48 : index
            %parallel_loop3A_392 = tpu.vector_load %arg16[%parallel_loop3A_390, %parallel_loop3A_391] {strides = array<i32>} : memref<208x128xf32, #tpu.memory_space<vmem>>, vector<16xf32>,
            tpu.vector_store %arg16[%parallel_loop3A_390, %parallel_loop3A_391], %parallel_loop3A_389 {strides = array<i32>} : memref<208x128xf32, #tpu.memory_space<vmem>>, vector<16xf32>,
            %parallel_loop3A_393 = arith.mulf %parallel_loop3A_335, %parallel_loop3A_354 : vector<16xf32>
            %parallel_loop3A_394 = arith.subf %parallel_loop3A_393, %parallel_loop3A_364 : vector<16xf32>
            %parallel_loop3A_395 = arith.mulf %parallel_loop3A_394, %get3A_20 : vector<16xf32>
            %parallel_loop3A_396 = arith.addf %parallel_loop3A_395, %get3A_36 : vector<16xf32>
            %parallel_loop3A_397 = arith.index_cast %parallel_loop3A_320 : i32 to index
            %parallel_loop3A_398 = arith.constant 64 : index
            %parallel_loop3A_399 = tpu.vector_load %arg16[%parallel_loop3A_397, %parallel_loop3A_398] {strides = array<i32>} : memref<208x128xf32, #tpu.memory_space<vmem>>, vector<16xf32>,
            tpu.vector_store %arg16[%parallel_loop3A_397, %parallel_loop3A_398], %parallel_loop3A_396 {strides = array<i32>} : memref<208x128xf32, #tpu.memory_space<vmem>>, vector<16xf32>,
            %parallel_loop3A_400 = arith.mulf %parallel_loop3A_338, %parallel_loop3A_354 : vector<16xf32>
            %parallel_loop3A_401 = arith.subf %parallel_loop3A_400, %parallel_loop3A_364 : vector<16xf32>
            %parallel_loop3A_402 = arith.mulf %parallel_loop3A_401, %get3A_22 : vector<16xf32>
            %parallel_loop3A_403 = arith.addf %parallel_loop3A_402, %get3A_38 : vector<16xf32>
            %parallel_loop3A_404 = arith.index_cast %parallel_loop3A_320 : i32 to index
            %parallel_loop3A_405 = arith.constant 80 : index
            %parallel_loop3A_406 = tpu.vector_load %arg16[%parallel_loop3A_404, %parallel_loop3A_405] {strides = array<i32>} : memref<208x128xf32, #tpu.memory_space<vmem>>, vector<16xf32>,
            tpu.vector_store %arg16[%parallel_loop3A_404, %parallel_loop3A_405], %parallel_loop3A_403 {strides = array<i32>} : memref<208x128xf32, #tpu.memory_space<vmem>>, vector<16xf32>,
            %parallel_loop3A_407 = arith.mulf %parallel_loop3A_341, %parallel_loop3A_354 : vector<16xf32>
            %parallel_loop3A_408 = arith.subf %parallel_loop3A_407, %parallel_loop3A_364 : vector<16xf32>
            %parallel_loop3A_409 = arith.mulf %parallel_loop3A_408, %get3A_24 : vector<16xf32>
            %parallel_loop3A_410 = arith.addf %parallel_loop3A_409, %get3A_40 : vector<16xf32>
            %parallel_loop3A_411 = arith.index_cast %parallel_loop3A_320 : i32 to index
            %parallel_loop3A_412 = arith.constant 96 : index
            %parallel_loop3A_413 = tpu.vector_load %arg16[%parallel_loop3A_411, %parallel_loop3A_412] {strides = array<i32>} : memref<208x128xf32, #tpu.memory_space<vmem>>, vector<16xf32>,
            tpu.vector_store %arg16[%parallel_loop3A_411, %parallel_loop3A_412], %parallel_loop3A_410 {strides = array<i32>} : memref<208x128xf32, #tpu.memory_space<vmem>>, vector<16xf32>,
            %parallel_loop3A_414 = arith.mulf %parallel_loop3A_344, %parallel_loop3A_354 : vector<16xf32>
            %parallel_loop3A_415 = arith.subf %parallel_loop3A_414, %parallel_loop3A_364 : vector<16xf32>
            %parallel_loop3A_416 = arith.mulf %parallel_loop3A_415, %get3A_26 : vector<16xf32>
            %parallel_loop3A_417 = arith.addf %parallel_loop3A_416, %get3A_42 : vector<16xf32>
            %parallel_loop3A_418 = arith.index_cast %parallel_loop3A_320 : i32 to index
            %parallel_loop3A_419 = arith.constant 112 : index
            %parallel_loop3A_420 = tpu.vector_load %arg16[%parallel_loop3A_418, %parallel_loop3A_419] {strides = array<i32>} : memref<208x128xf32, #tpu.memory_space<vmem>>, vector<16xf32>,
            tpu.vector_store %arg16[%parallel_loop3A_418, %parallel_loop3A_419], %parallel_loop3A_417 {strides = array<i32>} : memref<208x128xf32, #tpu.memory_space<vmem>>, vector<16xf32>,
            %parallel_loop3A_421 = arith.constant 1 : i32
            %parallel_loop3A_422 = vector.broadcast %parallel_loop3A_421 : i32 to vector<16xi32>
            %parallel_loop3A_423 = arith.addi %parallel_loop3A_319, %parallel_loop3A_422 : vector<16xi32>
            scf.yield %parallel_loop3A_423 : vector<16xi32>
          } {sc.loop_unroll_factor = 4 : i64, sc.parallel_access}
        }
        %scan3A_201 = arith.constant 12 : i32
        %add3A_202 = arith.constant 192 : i32
        %add3A_203 = vector.broadcast %add3A_202 : i32 to vector<16xi32>
        %add3A_204 = arith.addi %add3A_203, %iota3A : vector<16xi32>
        %gather3A = tpu.vector_load_idx %arg16[%add3A_204, %broadcast_in_dim3A_3] : memref<208x128xf32, #tpu.memory_space<vmem>>[vector<16xi32>, vector<16xi32>], vector<16xf32>,
        %gather3A_205 = tpu.vector_load_idx %arg16[%add3A_204, %broadcast_in_dim3A_5] : memref<208x128xf32, #tpu.memory_space<vmem>>[vector<16xi32>, vector<16xi32>], vector<16xf32>,
        %gather3A_206 = tpu.vector_load_idx %arg13[%add3A_204, %broadcast_in_dim3A_7] : memref<208x16xf32, #tpu.memory_space<vmem>>[vector<16xi32>, vector<16xi32>], vector<16xf32>,
        %gather3A_207 = tpu.vector_load_idx %arg13[%add3A_204, %broadcast_in_dim3A_9] : memref<208x16xf32, #tpu.memory_space<vmem>>[vector<16xi32>, vector<16xi32>], vector<16xf32>,
        %add3A_208 = arith.addf %gather3A, %gather3A_206 : vector<16xf32>
        %mul3A_209 = arith.constant 7.812500e-03 : f32
        %mul3A_210 = vector.broadcast %mul3A_209 : f32 to vector<16xf32>
        %mul3A_211 = arith.mulf %add3A_208, %mul3A_210 : vector<16xf32>
        %add3A_212 = arith.addf %gather3A_205, %gather3A_207 : vector<16xf32>
        %mul3A_213 = arith.constant 7.812500e-03 : f32
        %mul3A_214 = vector.broadcast %mul3A_213 : f32 to vector<16xf32>
        %mul3A_215 = arith.mulf %add3A_212, %mul3A_214 : vector<16xf32>
        %mul3A_216 = arith.mulf %mul3A_211, %mul3A_211 : vector<16xf32>
        %sub3A = arith.subf %mul3A_215, %mul3A_216 : vector<16xf32>
        %add3A_217 = arith.constant 9.99999974E-6 : f32
        %add3A_218 = vector.broadcast %add3A_217 : f32 to vector<16xf32>
        %add3A_219 = arith.addf %sub3A, %add3A_218 : vector<16xf32>
        %bitcast3A = vector.bitcast %add3A_219 : vector<16xf32> to vector<16xi32>
        %shift_right_logical3A = arith.constant 1 : i32
        %shift_right_logical3A_220 = vector.broadcast %shift_right_logical3A : i32 to vector<16xi32>
        %shift_right_logical3A_221 = arith.shrui %bitcast3A, %shift_right_logical3A_220 : vector<16xi32>
        %sub3A_222 = arith.subi %broadcast_in_dim3A_11, %shift_right_logical3A_221 : vector<16xi32>
        %bitcast3A_223 = vector.bitcast %sub3A_222 : vector<16xi32> to vector<16xf32>
        %mul3A_224 = arith.constant 5.000000e-01 : f32
        %mul3A_225 = vector.broadcast %mul3A_224 : f32 to vector<16xf32>
        %mul3A_226 = arith.mulf %mul3A_225, %add3A_219 : vector<16xf32>
        %mul3A_227 = arith.mulf %mul3A_226, %bitcast3A_223 : vector<16xf32>
        %mul3A_228 = arith.mulf %mul3A_227, %bitcast3A_223 : vector<16xf32>
        %sub3A_229 = arith.constant 1.500000e+00 : f32
        %sub3A_230 = vector.broadcast %sub3A_229 : f32 to vector<16xf32>
        %sub3A_231 = arith.subf %sub3A_230, %mul3A_228 : vector<16xf32>
        %mul3A_232 = arith.mulf %bitcast3A_223, %sub3A_231 : vector<16xf32>
        %mul3A_233 = arith.mulf %mul3A_226, %mul3A_232 : vector<16xf32>
        %mul3A_234 = arith.mulf %mul3A_233, %mul3A_232 : vector<16xf32>
        %sub3A_235 = arith.constant 1.500000e+00 : f32
        %sub3A_236 = vector.broadcast %sub3A_235 : f32 to vector<16xf32>
        %sub3A_237 = arith.subf %sub3A_236, %mul3A_234 : vector<16xf32>
        %mul3A_238 = arith.mulf %mul3A_232, %sub3A_237 : vector<16xf32>
        %mul3A_239 = arith.mulf %mul3A_211, %mul3A_238 : vector<16xf32>
        %broadcast_in_dim3A_240 = arith.constant 0 : i32
        %broadcast_in_dim3A_241 = vector.broadcast %broadcast_in_dim3A_240 : i32 to vector<16xi32>
        %parallel_loop3A = arith.constant 0 : i32
        %parallel_loop3A_242 = arith.constant 8 : i32
        %parallel_loop3A_243 = arith.constant 1 : i32
        %parallel_loop3A_244 = scf.for %parallel_loop3A_268 = %parallel_loop3A to %parallel_loop3A_242 step %parallel_loop3A_243 iter_args(%parallel_loop3A_269 = %broadcast_in_dim3A_241) -> (vector<16xi32>)  : i32 {
          %parallel_loop3A_270 = arith.constant 192 : i32
          %parallel_loop3A_271 = arith.addi %parallel_loop3A_270, %parallel_loop3A_268 : i32
          %parallel_loop3A_272 = arith.index_cast %parallel_loop3A_271 : i32 to index
          %parallel_loop3A_273 = arith.constant 0 : index
          %parallel_loop3A_274 = tpu.vector_load %arg16[%parallel_loop3A_272, %parallel_loop3A_273] {strides = array<i32>} : memref<208x128xf32, #tpu.memory_space<vmem>>, vector<16xf32>,
          %parallel_loop3A_275 = arith.index_cast %parallel_loop3A_271 : i32 to index
          %parallel_loop3A_276 = arith.constant 16 : index
          %parallel_loop3A_277 = tpu.vector_load %arg16[%parallel_loop3A_275, %parallel_loop3A_276] {strides = array<i32>} : memref<208x128xf32, #tpu.memory_space<vmem>>, vector<16xf32>,
          %parallel_loop3A_278 = arith.index_cast %parallel_loop3A_271 : i32 to index
          %parallel_loop3A_279 = arith.constant 32 : index
          %parallel_loop3A_280 = tpu.vector_load %arg16[%parallel_loop3A_278, %parallel_loop3A_279] {strides = array<i32>} : memref<208x128xf32, #tpu.memory_space<vmem>>, vector<16xf32>,
          %parallel_loop3A_281 = arith.index_cast %parallel_loop3A_271 : i32 to index
          %parallel_loop3A_282 = arith.constant 48 : index
          %parallel_loop3A_283 = tpu.vector_load %arg16[%parallel_loop3A_281, %parallel_loop3A_282] {strides = array<i32>} : memref<208x128xf32, #tpu.memory_space<vmem>>, vector<16xf32>,
          %parallel_loop3A_284 = arith.index_cast %parallel_loop3A_271 : i32 to index
          %parallel_loop3A_285 = arith.constant 0 : index
          %parallel_loop3A_286 = tpu.vector_load %arg10[%parallel_loop3A_284, %parallel_loop3A_285] {strides = array<i32>} : memref<200x64xf32, #tpu.memory_space<vmem>>, vector<16xf32>,
          %parallel_loop3A_287 = arith.index_cast %parallel_loop3A_271 : i32 to index
          %parallel_loop3A_288 = arith.constant 16 : index
          %parallel_loop3A_289 = tpu.vector_load %arg10[%parallel_loop3A_287, %parallel_loop3A_288] {strides = array<i32>} : memref<200x64xf32, #tpu.memory_space<vmem>>, vector<16xf32>,
          %parallel_loop3A_290 = arith.index_cast %parallel_loop3A_271 : i32 to index
          %parallel_loop3A_291 = arith.constant 32 : index
          %parallel_loop3A_292 = tpu.vector_load %arg10[%parallel_loop3A_290, %parallel_loop3A_291] {strides = array<i32>} : memref<200x64xf32, #tpu.memory_space<vmem>>, vector<16xf32>,
          %parallel_loop3A_293 = arith.index_cast %parallel_loop3A_271 : i32 to index
          %parallel_loop3A_294 = arith.constant 48 : index
          %parallel_loop3A_295 = tpu.vector_load %arg10[%parallel_loop3A_293, %parallel_loop3A_294] {strides = array<i32>} : memref<200x64xf32, #tpu.memory_space<vmem>>, vector<16xf32>,
          %parallel_loop3A_296 = arith.constant 0 : i32
          %parallel_loop3A_297 = vector.broadcast %parallel_loop3A_296 : i32 to vector<16xi32>
          %parallel_loop3A_298 = arith.cmpi slt, %parallel_loop3A_269, %parallel_loop3A_297 : vector<16xi32>
          %parallel_loop3A_299 = arith.constant 16 : i32
          %parallel_loop3A_300 = vector.broadcast %parallel_loop3A_299 : i32 to vector<16xi32>
          %parallel_loop3A_301 = arith.addi %parallel_loop3A_269, %parallel_loop3A_300 : vector<16xi32>
          %parallel_loop3A_302 = arith.select %parallel_loop3A_298, %parallel_loop3A_301, %parallel_loop3A_269 : vector<16xi1>, vector<16xi32>
          %parallel_loop3A_303 = vector.shape_cast %parallel_loop3A_302 : vector<16xi32> to vector<16x1xi32>
          %parallel_loop3A_304 = vector.shape_cast %parallel_loop3A_303 : vector<16x1xi32> to vector<16xi32>
          %parallel_loop3A_305 = tpu.dynamic_gather %mul3A_238[%parallel_loop3A_304] in [0] : vector<16xf32>, vector<16xi32> -> vector<16xf32>
          %parallel_loop3A_306 = arith.constant 0 : i32
          %parallel_loop3A_307 = vector.broadcast %parallel_loop3A_306 : i32 to vector<16xi32>
          %parallel_loop3A_308 = arith.cmpi slt, %parallel_loop3A_269, %parallel_loop3A_307 : vector<16xi32>
          %parallel_loop3A_309 = arith.constant 16 : i32
          %parallel_loop3A_310 = vector.broadcast %parallel_loop3A_309 : i32 to vector<16xi32>
          %parallel_loop3A_311 = arith.addi %parallel_loop3A_269, %parallel_loop3A_310 : vector<16xi32>
          %parallel_loop3A_312 = arith.select %parallel_loop3A_308, %parallel_loop3A_311, %parallel_loop3A_269 : vector<16xi1>, vector<16xi32>
          %parallel_loop3A_313 = vector.shape_cast %parallel_loop3A_312 : vector<16xi32> to vector<16x1xi32>
          %parallel_loop3A_314 = vector.shape_cast %parallel_loop3A_313 : vector<16x1xi32> to vector<16xi32>
          %parallel_loop3A_315 = tpu.dynamic_gather %mul3A_239[%parallel_loop3A_314] in [0] : vector<16xf32>, vector<16xi32> -> vector<16xf32>
          %parallel_loop3A_316 = arith.mulf %parallel_loop3A_274, %parallel_loop3A_305 : vector<16xf32>
          %parallel_loop3A_317 = arith.subf %parallel_loop3A_316, %parallel_loop3A_315 : vector<16xf32>
          %parallel_loop3A_318 = arith.mulf %parallel_loop3A_317, %get3A_12 : vector<16xf32>
          %parallel_loop3A_319 = arith.addf %parallel_loop3A_318, %get3A_28 : vector<16xf32>
          %parallel_loop3A_320 = arith.index_cast %parallel_loop3A_271 : i32 to index
          %parallel_loop3A_321 = arith.constant 0 : index
          %parallel_loop3A_322 = tpu.vector_load %arg16[%parallel_loop3A_320, %parallel_loop3A_321] {strides = array<i32>} : memref<208x128xf32, #tpu.memory_space<vmem>>, vector<16xf32>,
          tpu.vector_store %arg16[%parallel_loop3A_320, %parallel_loop3A_321], %parallel_loop3A_319 {strides = array<i32>} : memref<208x128xf32, #tpu.memory_space<vmem>>, vector<16xf32>,
          %parallel_loop3A_323 = arith.mulf %parallel_loop3A_277, %parallel_loop3A_305 : vector<16xf32>
          %parallel_loop3A_324 = arith.subf %parallel_loop3A_323, %parallel_loop3A_315 : vector<16xf32>
          %parallel_loop3A_325 = arith.mulf %parallel_loop3A_324, %get3A_14 : vector<16xf32>
          %parallel_loop3A_326 = arith.addf %parallel_loop3A_325, %get3A_30 : vector<16xf32>
          %parallel_loop3A_327 = arith.index_cast %parallel_loop3A_271 : i32 to index
          %parallel_loop3A_328 = arith.constant 16 : index
          %parallel_loop3A_329 = tpu.vector_load %arg16[%parallel_loop3A_327, %parallel_loop3A_328] {strides = array<i32>} : memref<208x128xf32, #tpu.memory_space<vmem>>, vector<16xf32>,
          tpu.vector_store %arg16[%parallel_loop3A_327, %parallel_loop3A_328], %parallel_loop3A_326 {strides = array<i32>} : memref<208x128xf32, #tpu.memory_space<vmem>>, vector<16xf32>,
          %parallel_loop3A_330 = arith.mulf %parallel_loop3A_280, %parallel_loop3A_305 : vector<16xf32>
          %parallel_loop3A_331 = arith.subf %parallel_loop3A_330, %parallel_loop3A_315 : vector<16xf32>
          %parallel_loop3A_332 = arith.mulf %parallel_loop3A_331, %get3A_16 : vector<16xf32>
          %parallel_loop3A_333 = arith.addf %parallel_loop3A_332, %get3A_32 : vector<16xf32>
          %parallel_loop3A_334 = arith.index_cast %parallel_loop3A_271 : i32 to index
          %parallel_loop3A_335 = arith.constant 32 : index
          %parallel_loop3A_336 = tpu.vector_load %arg16[%parallel_loop3A_334, %parallel_loop3A_335] {strides = array<i32>} : memref<208x128xf32, #tpu.memory_space<vmem>>, vector<16xf32>,
          tpu.vector_store %arg16[%parallel_loop3A_334, %parallel_loop3A_335], %parallel_loop3A_333 {strides = array<i32>} : memref<208x128xf32, #tpu.memory_space<vmem>>, vector<16xf32>,
          %parallel_loop3A_337 = arith.mulf %parallel_loop3A_283, %parallel_loop3A_305 : vector<16xf32>
          %parallel_loop3A_338 = arith.subf %parallel_loop3A_337, %parallel_loop3A_315 : vector<16xf32>
          %parallel_loop3A_339 = arith.mulf %parallel_loop3A_338, %get3A_18 : vector<16xf32>
          %parallel_loop3A_340 = arith.addf %parallel_loop3A_339, %get3A_34 : vector<16xf32>
          %parallel_loop3A_341 = arith.index_cast %parallel_loop3A_271 : i32 to index
          %parallel_loop3A_342 = arith.constant 48 : index
          %parallel_loop3A_343 = tpu.vector_load %arg16[%parallel_loop3A_341, %parallel_loop3A_342] {strides = array<i32>} : memref<208x128xf32, #tpu.memory_space<vmem>>, vector<16xf32>,
          tpu.vector_store %arg16[%parallel_loop3A_341, %parallel_loop3A_342], %parallel_loop3A_340 {strides = array<i32>} : memref<208x128xf32, #tpu.memory_space<vmem>>, vector<16xf32>,
          %parallel_loop3A_344 = arith.mulf %parallel_loop3A_286, %parallel_loop3A_305 : vector<16xf32>
          %parallel_loop3A_345 = arith.subf %parallel_loop3A_344, %parallel_loop3A_315 : vector<16xf32>
          %parallel_loop3A_346 = arith.mulf %parallel_loop3A_345, %get3A_20 : vector<16xf32>
          %parallel_loop3A_347 = arith.addf %parallel_loop3A_346, %get3A_36 : vector<16xf32>
          %parallel_loop3A_348 = arith.index_cast %parallel_loop3A_271 : i32 to index
          %parallel_loop3A_349 = arith.constant 64 : index
          %parallel_loop3A_350 = tpu.vector_load %arg16[%parallel_loop3A_348, %parallel_loop3A_349] {strides = array<i32>} : memref<208x128xf32, #tpu.memory_space<vmem>>, vector<16xf32>,
          tpu.vector_store %arg16[%parallel_loop3A_348, %parallel_loop3A_349], %parallel_loop3A_347 {strides = array<i32>} : memref<208x128xf32, #tpu.memory_space<vmem>>, vector<16xf32>,
          %parallel_loop3A_351 = arith.mulf %parallel_loop3A_289, %parallel_loop3A_305 : vector<16xf32>
          %parallel_loop3A_352 = arith.subf %parallel_loop3A_351, %parallel_loop3A_315 : vector<16xf32>
          %parallel_loop3A_353 = arith.mulf %parallel_loop3A_352, %get3A_22 : vector<16xf32>
          %parallel_loop3A_354 = arith.addf %parallel_loop3A_353, %get3A_38 : vector<16xf32>
          %parallel_loop3A_355 = arith.index_cast %parallel_loop3A_271 : i32 to index
          %parallel_loop3A_356 = arith.constant 80 : index
          %parallel_loop3A_357 = tpu.vector_load %arg16[%parallel_loop3A_355, %parallel_loop3A_356] {strides = array<i32>} : memref<208x128xf32, #tpu.memory_space<vmem>>, vector<16xf32>,
          tpu.vector_store %arg16[%parallel_loop3A_355, %parallel_loop3A_356], %parallel_loop3A_354 {strides = array<i32>} : memref<208x128xf32, #tpu.memory_space<vmem>>, vector<16xf32>,
          %parallel_loop3A_358 = arith.mulf %parallel_loop3A_292, %parallel_loop3A_305 : vector<16xf32>
          %parallel_loop3A_359 = arith.subf %parallel_loop3A_358, %parallel_loop3A_315 : vector<16xf32>
          %parallel_loop3A_360 = arith.mulf %parallel_loop3A_359, %get3A_24 : vector<16xf32>
          %parallel_loop3A_361 = arith.addf %parallel_loop3A_360, %get3A_40 : vector<16xf32>
          %parallel_loop3A_362 = arith.index_cast %parallel_loop3A_271 : i32 to index
          %parallel_loop3A_363 = arith.constant 96 : index
          %parallel_loop3A_364 = tpu.vector_load %arg16[%parallel_loop3A_362, %parallel_loop3A_363] {strides = array<i32>} : memref<208x128xf32, #tpu.memory_space<vmem>>, vector<16xf32>,
          tpu.vector_store %arg16[%parallel_loop3A_362, %parallel_loop3A_363], %parallel_loop3A_361 {strides = array<i32>} : memref<208x128xf32, #tpu.memory_space<vmem>>, vector<16xf32>,
          %parallel_loop3A_365 = arith.mulf %parallel_loop3A_295, %parallel_loop3A_305 : vector<16xf32>
          %parallel_loop3A_366 = arith.subf %parallel_loop3A_365, %parallel_loop3A_315 : vector<16xf32>
          %parallel_loop3A_367 = arith.mulf %parallel_loop3A_366, %get3A_26 : vector<16xf32>
          %parallel_loop3A_368 = arith.addf %parallel_loop3A_367, %get3A_42 : vector<16xf32>
          %parallel_loop3A_369 = arith.index_cast %parallel_loop3A_271 : i32 to index
          %parallel_loop3A_370 = arith.constant 112 : index
          %parallel_loop3A_371 = tpu.vector_load %arg16[%parallel_loop3A_369, %parallel_loop3A_370] {strides = array<i32>} : memref<208x128xf32, #tpu.memory_space<vmem>>, vector<16xf32>,
          tpu.vector_store %arg16[%parallel_loop3A_369, %parallel_loop3A_370], %parallel_loop3A_368 {strides = array<i32>} : memref<208x128xf32, #tpu.memory_space<vmem>>, vector<16xf32>,
          %parallel_loop3A_372 = arith.constant 1 : i32
          %parallel_loop3A_373 = vector.broadcast %parallel_loop3A_372 : i32 to vector<16xi32>
          %parallel_loop3A_374 = arith.addi %parallel_loop3A_269, %parallel_loop3A_373 : vector<16xi32>
          scf.yield %parallel_loop3A_374 : vector<16xi32>
        } {sc.loop_unroll_factor = 4 : i64, sc.parallel_access}
        %add3A_245 = arith.addi %multiple_of3A, %add3A_170 : i32
        %dma_start3A_246 = arith.constant 0 : i32
        %dma_start3A_247 = arith.constant 0 : i32
        %dma_start3A_248 = tpu.memref_slice %arg16[%dma_start3A_246, %dma_start3A_247] : memref<208x128xf32, #tpu.memory_space<vmem>> -> memref<200x128xf32, #tpu.memory_space<vmem>>
        %dma_start3A_249 = arith.constant 0 : i32
        %dma_start3A_250 = arith.constant 0 : i32
        %dma_start3A_251 = tpu.memref_slice %arg8[%add3A_245, %dma_start3A_249, %dma_start3A_250] : memref<4096x200x128xf32, #tpu.memory_space<hbm>> -> memref<1x200x128xf32, #tpu.memory_space<hbm>>
        %dma_start3A_252 = tpu.memref_squeeze %dma_start3A_251 : memref<1x200x128xf32, #tpu.memory_space<hbm>> -> memref<200x128xf32, #tpu.memory_space<hbm>>
        %dma_start3A_253 = arith.constant 0 : i32
        %dma_start3A_254 = arith.constant 0 : i32
        %dma_start3A_255 = tpu.memref_slice %arg8[%add3A_245, %dma_start3A_253, %dma_start3A_254] : memref<4096x200x128xf32, #tpu.memory_space<hbm>> -> memref<1x200x128xf32, #tpu.memory_space<hbm>>
        %dma_start3A_256 = tpu.memref_squeeze %dma_start3A_255 : memref<1x200x128xf32, #tpu.memory_space<hbm>> -> memref<200x128xf32, #tpu.memory_space<hbm>>
        %dma_start3A_257 = arith.constant 0 : i32
        %dma_start3A_258 = arith.constant 0 : i32
        %dma_start3A_259 = tpu.memref_slice %arg16[%dma_start3A_257, %dma_start3A_258] : memref<208x128xf32, #tpu.memory_space<vmem>> -> memref<200x128xf32, #tpu.memory_space<vmem>>
        tpu.enqueue_dma source(%dma_start3A_259 : memref<200x128xf32, #tpu.memory_space<vmem>>) target(%dma_start3A_256 : memref<200x128xf32, #tpu.memory_space<hbm>>) target_semaphore(%arg22 : memref<!tpu.dma_semaphore, #tpu.memory_space<semaphore_mem>>)
        %ge3A = arith.constant 1 : i32
        %ge3A_260 = arith.cmpi sge, %add3A_170, %ge3A : i32
        %add3A_261 = arith.constant 2 : i32
        %add3A_262 = arith.addi %add3A_170, %add3A_261 : i32
        %lt3A_263 = arith.constant 128 : i32
        %lt3A_264 = arith.cmpi slt, %add3A_262, %lt3A_263 : i32
        %and3A = arith.andi %ge3A_260, %lt3A_264 : i1
        %convert_element_type3A_265 = arith.extui %and3A : i1 to i32
        %cond3A_266 = arith.constant 0 : i32
        %cond3A_267 = arith.cmpi ne, %convert_element_type3A_265, %cond3A_266 : i32
        scf.if %cond3A_267 {
          %dma_wait3A_268 = arith.constant 0 : i32
          %dma_wait3A_269 = arith.constant 0 : i32
          %dma_wait3A_270 = arith.constant 0 : i32
          %dma_wait3A_271 = tpu.memref_slice %arg15[%dma_wait3A_269, %dma_wait3A_270] : memref<208x128xf32, #tpu.memory_space<vmem>> -> memref<200x128xf32, #tpu.memory_space<vmem>>
          %dma_wait3A_272 = arith.constant 0 : i32
          %dma_wait3A_273 = arith.constant 0 : i32
          %dma_wait3A_274 = tpu.memref_slice %arg8[%dma_wait3A_268, %dma_wait3A_272, %dma_wait3A_273] : memref<4096x200x128xf32, #tpu.memory_space<hbm>> -> memref<1x200x128xf32, #tpu.memory_space<hbm>>
          %dma_wait3A_275 = tpu.memref_squeeze %dma_wait3A_274 : memref<1x200x128xf32, #tpu.memory_space<hbm>> -> memref<200x128xf32, #tpu.memory_space<hbm>>
          %dma_wait3A_276 = arith.constant 0 : i32
          %dma_wait3A_277 = arith.constant 0 : i32
          %dma_wait3A_278 = tpu.memref_slice %arg8[%dma_wait3A_268, %dma_wait3A_276, %dma_wait3A_277] : memref<4096x200x128xf32, #tpu.memory_space<hbm>> -> memref<1x200x128xf32, #tpu.memory_space<hbm>>
          %dma_wait3A_279 = tpu.memref_squeeze %dma_wait3A_278 : memref<1x200x128xf32, #tpu.memory_space<hbm>> -> memref<200x128xf32, #tpu.memory_space<hbm>>
          %dma_wait3A_280 = arith.constant 0 : i32
          %dma_wait3A_281 = arith.constant 0 : i32
          %dma_wait3A_282 = tpu.memref_slice %arg15[%dma_wait3A_280, %dma_wait3A_281] : memref<208x128xf32, #tpu.memory_space<vmem>> -> memref<200x128xf32, #tpu.memory_space<vmem>>
          tpu.wait_dma2 semaphore(%arg21 : memref<!tpu.dma_semaphore, #tpu.memory_space<semaphore_mem>>) src(%dma_wait3A_282 : memref<200x128xf32, #tpu.memory_space<vmem>>) dst(%dma_wait3A_279 : memref<200x128xf32, #tpu.memory_space<hbm>>)
          %add3A_283 = arith.constant 2 : i32
          %add3A_284 = arith.addi %add3A_170, %add3A_283 : i32
          %dma_start3A_285 = arith.constant 0 : i32
          %dma_start3A_286 = arith.constant 0 : i32
          %dma_start3A_287 = tpu.memref_slice %arg15[%dma_start3A_285, %dma_start3A_286] : memref<208x128xf32, #tpu.memory_space<vmem>> -> memref<128x128xf32, #tpu.memory_space<vmem>>
          %dma_start3A_288 = arith.constant 0 : i32
          %dma_start3A_289 = tpu.memref_slice %arg9[%add3A_284, %dma_start3A_288] : memref<128x200xi32, #tpu.memory_space<vmem>> -> memref<1x128xi32, #tpu.memory_space<vmem>>
          %dma_start3A_290 = tpu.memref_squeeze %dma_start3A_289 : memref<1x128xi32, #tpu.memory_space<vmem>> -> memref<128xi32, #tpu.memory_space<vmem>>
          %dma_start3A_291 = arith.constant 0 : i32
          %dma_start3A_292 = arith.constant 0 : i32
          %dma_start3A_293 = tpu.memref_slice %arg3[%dma_start3A_291, %dma_start3A_292] : memref<100000x128xf32, #tpu.memory_space<hbm>> -> memref<100000x128xf32, #tpu.memory_space<hbm>>
          tpu.enqueue_indirect_dma source(%dma_start3A_293 : memref<100000x128xf32, #tpu.memory_space<hbm>>) target(%dma_start3A_287 : memref<128x128xf32, #tpu.memory_space<vmem>>) offsets(%dma_start3A_290 : memref<128xi32, #tpu.memory_space<vmem>>) semaphore(%arg18 : memref<!tpu.dma_semaphore, #tpu.memory_space<semaphore_mem>>)
          %dma_start3A_294 = arith.constant 128 : i32
          %dma_start3A_295 = arith.constant 0 : i32
          %dma_start3A_296 = tpu.memref_slice %arg15[%dma_start3A_294, %dma_start3A_295] : memref<208x128xf32, #tpu.memory_space<vmem>> -> memref<72x128xf32, #tpu.memory_space<vmem>>
          %dma_start3A_297 = arith.constant 128 : i32
          %dma_start3A_298 = tpu.memref_slice %arg9[%add3A_284, %dma_start3A_297] : memref<128x200xi32, #tpu.memory_space<vmem>> -> memref<1x72xi32, #tpu.memory_space<vmem>>
          %dma_start3A_299 = tpu.memref_squeeze %dma_start3A_298 : memref<1x72xi32, #tpu.memory_space<vmem>> -> memref<72xi32, #tpu.memory_space<vmem>>
          %dma_start3A_300 = arith.constant 0 : i32
          %dma_start3A_301 = arith.constant 0 : i32
          %dma_start3A_302 = tpu.memref_slice %arg3[%dma_start3A_300, %dma_start3A_301] : memref<100000x128xf32, #tpu.memory_space<hbm>> -> memref<100000x128xf32, #tpu.memory_space<hbm>>
          tpu.enqueue_indirect_dma source(%dma_start3A_302 : memref<100000x128xf32, #tpu.memory_space<hbm>>) target(%dma_start3A_296 : memref<72x128xf32, #tpu.memory_space<vmem>>) offsets(%dma_start3A_299 : memref<72xi32, #tpu.memory_space<vmem>>) semaphore(%arg18 : memref<!tpu.dma_semaphore, #tpu.memory_space<semaphore_mem>>)
        } else {
        }
      } else {
      }
    }
    %scan3A_106 = arith.constant 43 : i32
    %dma_wait3A = arith.constant 0 : i32
    %dma_wait3A_107 = arith.constant 0 : i32
    %dma_wait3A_108 = arith.constant 0 : i32
    %dma_wait3A_109 = tpu.memref_slice %arg14[%dma_wait3A_107, %dma_wait3A_108] : memref<208x128xf32, #tpu.memory_space<vmem>> -> memref<200x128xf32, #tpu.memory_space<vmem>>
    %dma_wait3A_110 = arith.constant 0 : i32
    %dma_wait3A_111 = arith.constant 0 : i32
    %dma_wait3A_112 = tpu.memref_slice %arg8[%dma_wait3A, %dma_wait3A_110, %dma_wait3A_111] : memref<4096x200x128xf32, #tpu.memory_space<hbm>> -> memref<1x200x128xf32, #tpu.memory_space<hbm>>
    %dma_wait3A_113 = tpu.memref_squeeze %dma_wait3A_112 : memref<1x200x128xf32, #tpu.memory_space<hbm>> -> memref<200x128xf32, #tpu.memory_space<hbm>>
    %dma_wait3A_114 = arith.constant 0 : i32
    %dma_wait3A_115 = arith.constant 0 : i32
    %dma_wait3A_116 = tpu.memref_slice %arg8[%dma_wait3A, %dma_wait3A_114, %dma_wait3A_115] : memref<4096x200x128xf32, #tpu.memory_space<hbm>> -> memref<1x200x128xf32, #tpu.memory_space<hbm>>
    %dma_wait3A_117 = tpu.memref_squeeze %dma_wait3A_116 : memref<1x200x128xf32, #tpu.memory_space<hbm>> -> memref<200x128xf32, #tpu.memory_space<hbm>>
    %dma_wait3A_118 = arith.constant 0 : i32
    %dma_wait3A_119 = arith.constant 0 : i32
    %dma_wait3A_120 = tpu.memref_slice %arg14[%dma_wait3A_118, %dma_wait3A_119] : memref<208x128xf32, #tpu.memory_space<vmem>> -> memref<200x128xf32, #tpu.memory_space<vmem>>
    tpu.wait_dma2 semaphore(%arg20 : memref<!tpu.dma_semaphore, #tpu.memory_space<semaphore_mem>>) src(%dma_wait3A_120 : memref<200x128xf32, #tpu.memory_space<vmem>>) dst(%dma_wait3A_117 : memref<200x128xf32, #tpu.memory_space<hbm>>)
    %dma_wait3A_121 = arith.constant 0 : i32
    %dma_wait3A_122 = arith.constant 0 : i32
    %dma_wait3A_123 = arith.constant 0 : i32
    %dma_wait3A_124 = tpu.memref_slice %arg15[%dma_wait3A_122, %dma_wait3A_123] : memref<208x128xf32, #tpu.memory_space<vmem>> -> memref<200x128xf32, #tpu.memory_space<vmem>>
    %dma_wait3A_125 = arith.constant 0 : i32
    %dma_wait3A_126 = arith.constant 0 : i32
    %dma_wait3A_127 = tpu.memref_slice %arg8[%dma_wait3A_121, %dma_wait3A_125, %dma_wait3A_126] : memref<4096x200x128xf32, #tpu.memory_space<hbm>> -> memref<1x200x128xf32, #tpu.memory_space<hbm>>
    %dma_wait3A_128 = tpu.memref_squeeze %dma_wait3A_127 : memref<1x200x128xf32, #tpu.memory_space<hbm>> -> memref<200x128xf32, #tpu.memory_space<hbm>>
    %dma_wait3A_129 = arith.constant 0 : i32
    %dma_wait3A_130 = arith.constant 0 : i32
    %dma_wait3A_131 = tpu.memref_slice %arg8[%dma_wait3A_121, %dma_wait3A_129, %dma_wait3A_130] : memref<4096x200x128xf32, #tpu.memory_space<hbm>> -> memref<1x200x128xf32, #tpu.memory_space<hbm>>
    %dma_wait3A_132 = tpu.memref_squeeze %dma_wait3A_131 : memref<1x200x128xf32, #tpu.memory_space<hbm>> -> memref<200x128xf32, #tpu.memory_space<hbm>>
    %dma_wait3A_133 = arith.constant 0 : i32
    %dma_wait3A_134 = arith.constant 0 : i32
    %dma_wait3A_135 = tpu.memref_slice %arg15[%dma_wait3A_133, %dma_wait3A_134] : memref<208x128xf32, #tpu.memory_space<vmem>> -> memref<200x128xf32, #tpu.memory_space<vmem>>
    tpu.wait_dma2 semaphore(%arg21 : memref<!tpu.dma_semaphore, #tpu.memory_space<semaphore_mem>>) src(%dma_wait3A_135 : memref<200x128xf32, #tpu.memory_space<vmem>>) dst(%dma_wait3A_132 : memref<200x128xf32, #tpu.memory_space<hbm>>)
    %dma_wait3A_136 = arith.constant 0 : i32
    %dma_wait3A_137 = arith.constant 0 : i32
    %dma_wait3A_138 = arith.constant 0 : i32
    %dma_wait3A_139 = tpu.memref_slice %arg16[%dma_wait3A_137, %dma_wait3A_138] : memref<208x128xf32, #tpu.memory_space<vmem>> -> memref<200x128xf32, #tpu.memory_space<vmem>>
    %dma_wait3A_140 = arith.constant 0 : i32
    %dma_wait3A_141 = arith.constant 0 : i32
    %dma_wait3A_142 = tpu.memref_slice %arg8[%dma_wait3A_136, %dma_wait3A_140, %dma_wait3A_141] : memref<4096x200x128xf32, #tpu.memory_space<hbm>> -> memref<1x200x128xf32, #tpu.memory_space<hbm>>
    %dma_wait3A_143 = tpu.memref_squeeze %dma_wait3A_142 : memref<1x200x128xf32, #tpu.memory_space<hbm>> -> memref<200x128xf32, #tpu.memory_space<hbm>>
    %dma_wait3A_144 = arith.constant 0 : i32
    %dma_wait3A_145 = arith.constant 0 : i32
    %dma_wait3A_146 = tpu.memref_slice %arg8[%dma_wait3A_136, %dma_wait3A_144, %dma_wait3A_145] : memref<4096x200x128xf32, #tpu.memory_space<hbm>> -> memref<1x200x128xf32, #tpu.memory_space<hbm>>
    %dma_wait3A_147 = tpu.memref_squeeze %dma_wait3A_146 : memref<1x200x128xf32, #tpu.memory_space<hbm>> -> memref<200x128xf32, #tpu.memory_space<hbm>>
    %dma_wait3A_148 = arith.constant 0 : i32
    %dma_wait3A_149 = arith.constant 0 : i32
    %dma_wait3A_150 = tpu.memref_slice %arg16[%dma_wait3A_148, %dma_wait3A_149] : memref<208x128xf32, #tpu.memory_space<vmem>> -> memref<200x128xf32, #tpu.memory_space<vmem>>
    tpu.wait_dma2 semaphore(%arg22 : memref<!tpu.dma_semaphore, #tpu.memory_space<semaphore_mem>>) src(%dma_wait3A_150 : memref<200x128xf32, #tpu.memory_space<vmem>>) dst(%dma_wait3A_147 : memref<200x128xf32, #tpu.memory_space<hbm>>)
    return
  }
}

module attributes {stable_mosaic.version = 14 : i64} {
  func.func @_prep_body(%arg0: i32, %arg1: memref<10000x64xf32, #tpu.memory_space<vmem>>, %arg2: memref<64x512xf32, #tpu.memory_space<vmem>>, %arg3: memref<10000x128xf32, #tpu.memory_space<vmem>>, %arg4: memref<200x64xf32, #tpu.memory_space<vmem>>, %arg5: memref<200x16xf32, #tpu.memory_space<vmem>>) attributes {dimension_semantics = [#tpu.dimension_semantics<arbitrary>], iteration_bounds = array<i64: 10>, scalar_prefetch = 0 : i64, scratch_operands = 0 : i64, tpu.core_type = #tpu.core_type<tc>, window_params = [{transform_indices = @transform_0, window_bounds = array<i64: 10000, 64>}, {pipeline_mode = #tpu.pipeline_mode<synchronous>, transform_indices = @transform_1, window_bounds = array<i64: 64, 512>}, {transform_indices = @transform_2, window_bounds = array<i64: 10000, 128>}, {pipeline_mode = #tpu.pipeline_mode<synchronous>, transform_indices = @transform_3, window_bounds = array<i64: 200, 64>}, {pipeline_mode = #tpu.pipeline_mode<synchronous>, transform_indices = @transform_4, window_bounds = array<i64: 200, 16>}]} {
    %get3A = arith.constant 0 : index
    %get3A_0 = arith.constant 0 : index
    %get3A_1 = vector.load %arg1[%get3A, %get3A_0] : memref<10000x64xf32, #tpu.memory_space<vmem>>, vector<10000x64xf32>
    %reduce_sum3A = arith.constant dense<0.000000e+00> : vector<10000xf32>
    %reduce_sum3A_2 = vector.multi_reduction <add>, %get3A_1, %reduce_sum3A [1] : vector<10000x64xf32> to vector<10000xf32>
    %broadcast_in_dim3A = vector.shape_cast %reduce_sum3A_2 : vector<10000xf32> to vector<10000x1xf32>
    %mul3A = arith.mulf %get3A_1, %get3A_1 : vector<10000x64xf32>
    %reduce_sum3A_3 = arith.constant dense<0.000000e+00> : vector<10000xf32>
    %reduce_sum3A_4 = vector.multi_reduction <add>, %mul3A, %reduce_sum3A_3 [1] : vector<10000x64xf32> to vector<10000xf32>
    %broadcast_in_dim3A_5 = vector.shape_cast %reduce_sum3A_4 : vector<10000xf32> to vector<10000x1xf32>
    %broadcast_in_dim3A_6 = arith.constant 0.000000e+00 : f32
    %broadcast_in_dim3A_7 = vector.broadcast %broadcast_in_dim3A_6 : f32 to vector<10000x62xf32>
    %concatenate3A = tpu.concatenate %get3A_1, %broadcast_in_dim3A, %broadcast_in_dim3A_5, %broadcast_in_dim3A_7 in 1 : vector<10000x64xf32>, vector<10000x1xf32>, vector<10000x1xf32>, vector<10000x62xf32> -> vector<10000x128xf32>
    %swap3A = arith.constant 0 : index
    %swap3A_8 = arith.constant 0 : index
    %swap3A_9 = vector.load %arg3[%swap3A, %swap3A_8] : memref<10000x128xf32, #tpu.memory_space<vmem>>, vector<10000x128xf32>
    tpu.vector_store %arg3[%swap3A, %swap3A_8], %concatenate3A {strides = array<i32>} : memref<10000x128xf32, #tpu.memory_space<vmem>>, vector<10000x128xf32>,
    %eq3A = arith.constant 0 : i32
    %eq3A_10 = arith.cmpi eq, %arg0, %eq3A : i32
    %convert_element_type3A = arith.extui %eq3A_10 : i1 to i32
    %cond3A = arith.constant 0 : i32
    %cond3A_11 = arith.cmpi ne, %convert_element_type3A, %cond3A : i32
    scf.if %cond3A_11 {
      %get3A_12 = arith.constant 0 : index
      %get3A_13 = arith.constant 0 : index
      %get3A_14 = vector.load %arg2[%get3A_12, %get3A_13] : memref<64x512xf32, #tpu.memory_space<vmem>>, vector<64x512xf32>
      %transpose3A = tpu.transpose %get3A_14, [1, 0] : vector<64x512xf32> -> vector<512x64xf32>
      %slice3A = vector.extract_strided_slice %transpose3A {offsets = [0, 0], sizes = [200, 64], strides = [1, 1]} : vector<512x64xf32> to vector<200x64xf32>
      %swap3A_15 = arith.constant 0 : index
      %swap3A_16 = arith.constant 0 : index
      %swap3A_17 = vector.load %arg4[%swap3A_15, %swap3A_16] : memref<200x64xf32, #tpu.memory_space<vmem>>, vector<200x64xf32>
      tpu.vector_store %arg4[%swap3A_15, %swap3A_16], %slice3A {strides = array<i32>} : memref<200x64xf32, #tpu.memory_space<vmem>>, vector<200x64xf32>,
      %reduce_sum3A_18 = arith.constant dense<0.000000e+00> : vector<200xf32>
      %reduce_sum3A_19 = vector.multi_reduction <add>, %slice3A, %reduce_sum3A_18 [1] : vector<200x64xf32> to vector<200xf32>
      %broadcast_in_dim3A_20 = vector.shape_cast %reduce_sum3A_19 : vector<200xf32> to vector<200x1xf32>
      %mul3A_21 = arith.mulf %slice3A, %slice3A : vector<200x64xf32>
      %reduce_sum3A_22 = arith.constant dense<0.000000e+00> : vector<200xf32>
      %reduce_sum3A_23 = vector.multi_reduction <add>, %mul3A_21, %reduce_sum3A_22 [1] : vector<200x64xf32> to vector<200xf32>
      %broadcast_in_dim3A_24 = vector.shape_cast %reduce_sum3A_23 : vector<200xf32> to vector<200x1xf32>
      %broadcast_in_dim3A_25 = arith.constant 0.000000e+00 : f32
      %broadcast_in_dim3A_26 = vector.broadcast %broadcast_in_dim3A_25 : f32 to vector<200x14xf32>
      %concatenate3A_27 = tpu.concatenate %broadcast_in_dim3A_20, %broadcast_in_dim3A_24, %broadcast_in_dim3A_26 in 1 : vector<200x1xf32>, vector<200x1xf32>, vector<200x14xf32> -> vector<200x16xf32>
      %swap3A_28 = arith.constant 0 : index
      %swap3A_29 = arith.constant 0 : index
      %swap3A_30 = vector.load %arg5[%swap3A_28, %swap3A_29] : memref<200x16xf32, #tpu.memory_space<vmem>>, vector<200x16xf32>
      tpu.vector_store %arg5[%swap3A_28, %swap3A_29], %concatenate3A_27 {strides = array<i32>} : memref<200x16xf32, #tpu.memory_space<vmem>>, vector<200x16xf32>,
    } else {
    }
    return
  }
  func.func @transform_0(%arg0: i32) -> (i32, i32) {
    %c0_i32 = arith.constant 0 : i32
    %c0_i32_0 = arith.constant 0 : i32
    return %arg0, %c0_i32 : i32, i32
  }
  func.func @transform_1(%arg0: i32) -> (i32, i32) {
    %c0_i32 = arith.constant 0 : i32
    %c0_i32_0 = arith.constant 0 : i32
    %c0_i32_1 = arith.constant 0 : i32
    return %c0_i32, %c0_i32_0 : i32, i32
  }
  func.func @transform_2(%arg0: i32) -> (i32, i32) {
    %c0_i32 = arith.constant 0 : i32
    %c0_i32_0 = arith.constant 0 : i32
    return %arg0, %c0_i32 : i32, i32
  }
  func.func @transform_3(%arg0: i32) -> (i32, i32) {
    %c0_i32 = arith.constant 0 : i32
    %c0_i32_0 = arith.constant 0 : i32
    %c0_i32_1 = arith.constant 0 : i32
    return %c0_i32, %c0_i32_0 : i32, i32
  }
  func.func @transform_4(%arg0: i32) -> (i32, i32) {
    %c0_i32 = arith.constant 0 : i32
    %c0_i32_0 = arith.constant 0 : i32
    %c0_i32_1 = arith.constant 0 : i32
    return %c0_i32, %c0_i32_0 : i32, i32
  }
}

</mosaic_0001>

<sc_bundles>
// kernel: kernel.4.cloned.1.call-start
scs
__scs_entry_jumppad:
0x0: {  	(pc) =	sbr.rel $0x88, $3  }
0x1: {  	(tag) =	ssettag $0x0;
	lr =	simm.s32 $0x1  }
0x2: {  	[smem:$0x3F9C] =	sst lr;
	_ =	strace $0xD0000000  }
0x3: {  	_ = 	snop  }
0x4: {  	_ = 	snop  }
0x5: {  	_ = 	snop  }
0x6: {  	_ = 	snop  }
0x7: {  	_ = 	snop  }
__scs_overlays_trampoline_lowered:
0x8: {  	[smem:$0x3FAB] =	sst s0  }
0x9: {  	[smem:$0x3FAC] =	sst s1  }
0xa: {  	[smem:$0x3FAD] =	sst s2  }
0xb: {  	[smem:$0x3FAE] =	sst s3  }
0xc: {  	[smem:$0x3FAF] =	sst s4  }
0xd: {  	[smem:$0x3FB0] =	sst s5  }
0xe: {  	[smem:$0x3FB1] =	sst s6  }
0xf: {  	[smem:$0x3FB2] =	sst s7  }
0x10: {  	[smem:$0x3FB3] =	sst s8  }
0x11: {  	[smem:$0x3FB4] =	sst s9;
	s0 =	simm.s32 @!p0 $0x0  }
0x12: {  	s1 =	sld [smem:$0x3F9A];
	s0 =	simm.s32 @p0 $0x1  }
0x13: {  	[smem:$0x3FB5] =	sst s0;
	s0 =	simm.s32 @!p1 $0x0  }
0x14: {  	s2 =	sld [smem:$0x3F99];
	s0 =	simm.s32 @p1 $0x1  }
0x15: {  	[smem:$0x3FB6] =	sst s0;
	s0 =	simm.s32 @!p2 $0x0  }
0x16: {  	s3 =	sld [smem:$0x3FDB];
	s0 =	simm.s32 @p2 $0x1  }
0x17: {  	s4 =	simm.s32 $0x1BF5;
	[smem:$0x3FB8] =	sst s0  }
0x18: {  	s0 =	sld [smem:$0x3F9B];
	_ =	swait.ge [sflag:s4], $0x0  }
0x19: {  	s7 =	sld [smem:$0x3F9C]  }
0x1a: {  	s8 =	sadd.s32 $0xFFFFE003, lr  }
0x1b: {  	s9 =	sadd.s32 $0xFFFFFEF7, lr;
	s5 =	simm.s32 $0xFFFFFFFF;
	p2 =	slt.u32 s8, $0xFFFFF086  }
0x1c: {  	p1 =	slt.u32 s9, $0xF7A;
	s5 =	simm.s32 @!p2 $0x0  }
0x1d: {  	s5 =	simm.s32 @p1 $0x1;
	p0 =	seq.s32 s7, s2  }
0x1e: {  	s7 =	smul.u32 @!p0 $0xF7A, s2;
	p2 =	seq.s32 @!p0 s5, $0x0  }
0x1f: {  	s9 =	smul.u32 $0xF7A, s1;
	s8 =	simm.s32 @!p0 $0x1BF5;
	p2 =	por !p2, p0  }
0x20: {  	[sflag:s8] =	ssyncset.s32 @!p0 $0xFFFFF086;
	s6 =	sadd.s32 @!p0 s3, s7;
	s7 =	simm.s32 @!p0 $0x108  }
0x21: {  	s3 =	sadd.s32 s3, s9;
	s6 =	sadd.s32 @!p0 $0x88, s6;
	s7 =	simm.s32 @p2 $0x1082  }
0x22: {  	[simem:s7], [sflag:s8] =	dma.local @!p0 [hbm:s6], $0xF7A  }
0x23: {  	s9 =	sor.u32 $0xD0000000, s2;
	s6 =	simm.s32 $0x108;
	_ =	swait.ge @!p0 [sflag:s8], $0x0  }
0x24: {  	s3 =	sadd.s32 $0x88, s3;
	s6 =	simm.s32 @!p1 $0x1082;
	[sflag:s4] =	ssyncset.s32 $0xFFFFF086  }
0x25: {  	[simem:s6], [sflag:s4] =	dma.local [hbm:s3], $0xF7A  }
0x26: {  	[smem:$0x3F9C] =	sst s1;
	(tag) =	ssettag s2;
	_ =	strace s9  }
0x27: {  	s1 =	sld [smem:$0x3FAC]  }
0x28: {  	s2 =	sld [smem:$0x3FAD]  }
0x29: {  	s4 =	sld [smem:$0x3FAF]  }
0x2a: {  	p0 =	seq.s32 s5, $0x0;
	s5 =	sld [smem:$0x3FB0]  }
0x2b: {  	s6 =	sld [smem:$0x3FB1]  }
0x2c: {  	s7 =	sld [smem:$0x3FB2]  }
0x2d: {  	s3 =	simm.s32 $0x108;
	s8 =	sld [smem:$0x3FB3]  }
0x2e: {  	s3 =	simm.s32 @!p0 $0x1082;
	s9 =	sld [smem:$0x3FB4]  }
0x2f: {  	lr =	sadd.s32 s0, s3;
	s0 =	sld [smem:$0x3FAB]  }
0x30: {  	s3 =	sld [smem:$0x3FAE]  }
0x31: {  	[smem:$0x3FB7] =	sst s10  }
0x32: {  	s10 =	sld [smem:$0x3FB5];
	_ =	sdelay $0x3  }
0x33: {  	p0 =	seq.s32 s10, $0x1;
	s10 =	sld [smem:$0x3FB7];
	_ =	sdelay $0x3  }
0x34: {  	[smem:$0x3FB7] =	sst s10  }
0x35: {  	s10 =	sld [smem:$0x3FB6];
	_ =	sdelay $0x3  }
0x36: {  	p1 =	seq.s32 s10, $0x1;
	s10 =	sld [smem:$0x3FB7];
	_ =	sdelay $0x3  }
0x37: {  	[smem:$0x3FB7] =	sst s10  }
0x38: {  	s10 =	sld [smem:$0x3FB8]  }
0x39: {  	_ = 	snop;
	(pc) =	sbr.ind lr, $3  }
0x3a: {  	_ = 	snop  }
0x3b: {  	_ = 	snop  }
0x3c: {  	p2 =	seq.s32 s10, $0x1;
	s10 =	sld [smem:$0x3FB7]  }
0x3d: {  	_ =	shalt  }
0x3e: {  	_ =	shalt  }
0x3f: {  	_ =	shalt  }
0x40: {  	_ =	shalt  }
0x41: {  	_ =	shalt  }
0x42: {  	_ =	shalt  }
0x43: {  	_ =	shalt  }
0x44: {  	_ =	shalt  }
0x45: {  	_ =	shalt  }
0x46: {  	_ =	shalt  }
0x47: {  	_ =	shalt  }
0x48: {  	_ =	shalt  }
0x49: {  	_ =	shalt  }
0x4a: {  	_ =	shalt  }
0x4b: {  	_ =	shalt  }
0x4c: {  	_ =	shalt  }
0x4d: {  	_ =	shalt  }
0x4e: {  	_ =	shalt  }
0x4f: {  	_ =	shalt  }
0x50: {  	_ =	shalt  }
0x51: {  	_ =	shalt  }
0x52: {  	_ =	shalt  }
0x53: {  	_ =	shalt  }
0x54: {  	_ =	shalt  }
0x55: {  	_ =	shalt  }
0x56: {  	_ =	shalt  }
0x57: {  	_ =	shalt  }
0x58: {  	_ =	shalt  }
0x59: {  	_ =	shalt  }
0x5a: {  	_ =	shalt  }
0x5b: {  	_ =	shalt  }
0x5c: {  	_ =	shalt  }
0x5d: {  	_ =	shalt  }
0x5e: {  	_ =	shalt  }
0x5f: {  	_ =	shalt  }
0x60: {  	_ =	shalt  }
0x61: {  	_ =	shalt  }
0x62: {  	_ =	shalt  }
0x63: {  	_ =	shalt  }
0x64: {  	_ =	shalt  }
0x65: {  	_ =	shalt  }
0x66: {  	_ =	shalt  }
0x67: {  	_ =	shalt  }
0x68: {  	_ =	shalt  }
0x69: {  	_ =	shalt  }
0x6a: {  	_ =	shalt  }
0x6b: {  	_ =	shalt  }
0x6c: {  	_ =	shalt  }
0x6d: {  	_ =	shalt  }
0x6e: {  	_ =	shalt  }
0x6f: {  	_ =	shalt  }
0x70: {  	_ =	shalt  }
0x71: {  	_ =	shalt  }
0x72: {  	_ =	shalt  }
0x73: {  	_ =	shalt  }
0x74: {  	_ =	shalt  }
0x75: {  	_ =	shalt  }
0x76: {  	_ =	shalt  }
0x77: {  	_ =	shalt  }
0x78: {  	_ =	shalt  }
0x79: {  	_ =	shalt  }
0x7a: {  	_ =	shalt  }
0x7b: {  	_ =	shalt  }
0x7c: {  	_ =	shalt  }
0x7d: {  	_ =	shalt  }
0x7e: {  	_ =	shalt  }
0x7f: {  	_ =	shalt  }
0x80: {  	_ =	shalt  }
0x81: {  	_ =	shalt  }
0x82: {  	_ =	shalt  }
0x83: {  	_ =	shalt  }
0x84: {  	_ =	shalt  }
0x85: {  	_ =	shalt  }
0x86: {  	_ =	shalt  }
0x87: {  	_ =	shalt  }
.Lfunc_end0:
.L_simem_size_0:
called_computation_lowered:
.L_overlay_start_0:
0x88: {  	s2 =	sld [smem:$0x3FD9]  }
0x89: {  	s3 =	sld [smem:$0x3FFE];
	_ =	sdelay $0x1  }
0x8a: {  	s1 =	srdreg.scid  }
0x8b: {  	s0 =	sand.u32 $0x1, s1  }
0x8c: {  	s17 =	sshll.u32 s0, $0xA;
	s2 =	sadd.s32 s3, s2  }
0x8d: {  	s2 =	sadd.s32 s2, s17  }
0x8e: {  	[smem:$0x3FC3] =	sst s2  }
0x8f: {  	_ = 	snop  }
0x90: {  	s2 =	sld [smem:$0x3FC6]  }
0x91: {  	s18 =	sld [smem:$0x3FC5]  }
0x92: {  	s4 =	sld [smem:$0x3FD0];
	(tm) =	ssettm $0x1  }
0x93: {  	s5 =	sld [smem:$0x3FFB];
	_ =	sdelay $0x3  }
0x94: {  	_ =	strace s5  }
0x95: {  	s5 =	sld [smem:$0x3FFC];
	_ =	sdelay $0x3  }
0x96: {  	_ =	strace s5  }
0x97: {  	s5 =	sld [smem:$0x3FFD];
	_ =	sdelay $0x3  }
0x98: {  	_ =	strace s5  }
0x99: {  	_ =	strace $0x8FFFFFFF  }
0x9a: {  	s19 =	sld [smem:$0x3FDB];
	_ =	sdelay $0x1  }
0x9b: {  	s6 =	simm.s32 $_scs_section_size  }
0x9c: {  	s7 =	simm.s32 $_size__tile_overlayer_lowered;
	s8 =	simm.s32 $_tile_overlayer_lowered  }
0x9d: {  	s22 =	simm.s32 $0x1BFF;
	s21 =	sshll.u32 s8, $0x1;
	s5 =	sadd.s32 s6, s19  }
0x9e: {  	s9 =	simm.s32 $0x0;
	s20 =	sshll.u32 s7, $0x1;
	s7 =	sadd.s32 s21, s5  }
0x9f: {  	[timem:s9], [sflag:s22] =	dma.local [hbm:s7], s20  }
0xa0: {  	_ =	swait.ge [sflag:s22], s20  }
0xa1: {  	s6 =	ssub.s32 $0x0, s20;
	[sflag:s22] =	ssyncset.done $0x0  }
0xa2: {  	[sflag:s22] =	ssyncadd.s32 s6;
	_ =	sdelay $0x1  }
0xa3: {  	s23 =	simm.s32 $0x1B8B  }
0xa4: {  	_ =	swait.ge [sflag:s23], $0x1  }
0xa5: {  	[sflag:s23] =	ssyncset.done $0x0  }
0xa6: {  	s25 =	simm.s32 $0x1B8E;
	s24 =	sld [smem:$0x3FFE];
	[sflag:s23] =	ssyncadd.s32 $0xFFFFFFFF  }
0xa7: {  	s26 =	simm.s32 $execute0_lowered;
	[smem:$0x3FD2] =	sst s25  }
0xa8: {  	s7 =	sshll.u32 s26, $0x1;
	_ =	strace $0x80000046;
	[dreg:$0x1] =	wrdreg $0xFFFFFFFF  }
0xa9: {  	s28 =	simm.s32 $_size_execute0_lowered;
	s5 =	sadd.s32 s5, s7;
	[dreg:$0x0] =	wrdreg $0x0  }
0xaa: {  	s7 =	sshll.u32 s28, $0x1;
	[dreg:$0x2] =	wrdreg s5  }
0xab: {  	[dreg:$0x3] =	wrdreg s7  }
0xac: {  	[dreg:$0x4] =	wrdreg $0xC0  }
0xad: {  	_ =	task [dreg:s9], $0x5FFFF  }
0xae: {  	[dreg:$0x1] =	wrdreg $0xFFFFFFFF  }
0xaf: {  	[dreg:$0x0] =	wrdreg $0x60  }
0xb0: {  	[dreg:$0x2] =	wrdreg s24  }
0xb1: {  	[dreg:$0x3] =	wrdreg s2  }
0xb2: {  	[dreg:$0x4] =	wrdreg s18  }
0xb3: {  	[dreg:$0x5] =	wrdreg s4  }
0xb4: {  	[dreg:$0x6] =	wrdreg $0x9  }
0xb5: {  	_ =	task.clear_ibuf [dreg:s9], $0x7FFFF;
	_ =	strace $0x90000046  }
0xb6: {  	s29 =	simm.s32 $0x9;
	_ =	strace $0x80000048  }
0xb7: {  	_ =	swait.ge [sflag:s29], $0x1  }
0xb8: {  	[sflag:s29] =	ssyncadd.s32 $0xFFFFFFFF  }
0xb9: {  	_ =	strace $0x90000048  }
0xba: {  	_ =	sfence  }
0xbb: {  	s30 =	sld [smem:$0x0];
	_ =	sdelay $0x2  }
0xbc: {  	s31 =	sshll.u32 s1, $0xD;
	s1 =	sshrl.u32 s1, $0x2  }
0xbd: {  	s3 =	sand.u32 $0x4000, s31;
	s1 =	sadd.s32 s1, s30  }
0xbe: {  	s0 =	sor.u32 s3, s0;
	s1 =	sshll.u32 s1, $0x11  }
0xbf: {  	s0 =	sor.u32 s1, s0  }
0xc0: {  	s0 =	sadd.s32 $0x8F2B, s0  }
0xc1: {  	[sflag:s0] =	ssyncadd.remote.s32 $0x1  }
0xc2: {  	_ =	sfence.sel $0xFFFF  }
0xc3: {  	[dreg:$0x0] =	wrdreg $0xFFFFFFFF;
	(pc) =	sbr.abs _section_cstart, $3  }
0xc4: {  	[dreg:$0x1] =	wrdreg $0xFFFFFFFF  }
0xc5: {  	_ =	task.clear_ibuf [dreg:s9], $0x2FFFF;
	_ =	strace $0x9FFFFFFF  }
0xc6: {  	(tm) =	ssettm $0x7FFFFFFF  }
0xc7: {  	_ =	shalt  }
tec
execute0_lowered:
.L_overlay_start_1:
0x0: {  	(tag) =	ssettag $0x1  }
0x1: {  	s0 =	rddreg [dreg:$0x0];
	s1 =	srdreg.scid  }
0x2: {  	s2 =	stileid.u32;
	s4 =	rddreg [dreg:$0x3]  }
0x3: {  	s6 =	simm.s32 $0x0;
	s14 =	simm.s32 $0x7;
	s16 =	simm.s32 $0x9700  }
0x4: {  	s19 =	simm.s32 $0x80;
	s20 =	simm.s32 $0xA400;
	s21 =	simm.s32 $0x48  }
0x5: {  	s22 =	simm.s32 $0xE400;
	s24 =	simm.s32 $0x10C00;
	s29 =	simm.s32 $0x17400  }
0x6: {  	s17 =	simm.s32 $0x3;
	s18 =	simm.s32 $0x0;
	s1 =	sand.u32 $0x1, s1  }
0x7: {  	s2 =	sshll.u32 s2, $0x8;
	[smem:$0x7FF] =	sst s6;
	s7 =	sadd.s32 $0x19800, s0  }
0x8: {  	s26 =	sadd.s32 $0x1A0400, s0;
	s3 =	sshll.u32 s1, $0x7;
	_ =	strace $0x80000047  }
0x9: {  	s1 =	ssub.s32 $0x2, s1;
	[dreg:$0x5] =	wrdreg s26;
	s5 =	sor.u32 s3, s2  }
0xa: {  	s26 =	simm.s32 $0x14C00;
	s28 =	sshrl.u32 s1, $0x1;
	s2 =	smul.u32 $0x19, s5  }
.Ltmp0:
0xb: {  	v0 =	vlaneseq.u32;
	s3 =	simm.s32 $0x5;
	s30 =	ssub.s32 s1, s28;
	(pc) =	sbr.rel .LBB2_1-.Ltmp0, $4  }
0xc: {  	v2 =	vmul.u32 $0x80, v0;
	s11 =	sor.u32 $0x1, s5;
	s2 =	sadd.s32 s2, s0;
	s0 =	sadd.s32 $0x1A0200, s0  }
0xd: {  	v4 =	vmul.u32 $0x10, v0;
	s12 =	sor.u32 $0x2, s5;
	[dreg:$0x6] =	wrdreg s0;
	s31 =	sadd.s32 $0x800, s2  }
0xe: {  	v1 =	vor.u32 $0x6040, v2;
	s1 =	simm.s32 $0x4;
	s0 =	smax.u32 s30, $0x1;
	[dreg:$0x7] =	wrdreg s31  }
0xf: {  	v2 =	vor.u32 $0x6041, v2;
	v3 =	vor.u32 $0xC00, v4;
	v4 =	vor.u32 $0xC01, v4;
	s2 =	simm.s32 $0x1;
	[dreg:$0x8] =	wrdreg s0;
	s0 =	simm.s32 $0x2  }
.LBB2_22:
0x10: {  	_ =	swait.ge [sflag:s1], $0x6400  }
0x11: {  	[sflag:s1] =	ssyncset.done $0x0  }
0x12: {  	[sflag:s1] =	ssyncadd.s32 $0xFFFF9C00  }
0x13: {  	_ =	swait.ge [sflag:s3], $0x6400  }
0x14: {  	[sflag:s3] =	ssyncset.done $0x0  }
0x15: {  	s9 =	simm.s32 $0x6;
	[sflag:s3] =	ssyncadd.s32 $0xFFFF9C00  }
0x16: {  	_ =	swait.ge [sflag:s9], $0x6400  }
0x17: {  	s18 =	sadd.s32 $0x1, s18;
	s8 =	rddreg [dreg:$0x8]  }
0x18: {  	p0 =	sne.s32 s18, s8  }
.Ltmp1:
0x19: {  	_ = 	snop;
	(pc) =	sbr.rel @!p0 .LBB2_23-.Ltmp1, $3  }
0x1a: {  	_ =	sdelay $0x1  }
0x1b: {  	[sflag:s9] =	ssyncset.done $0x0  }
0x1c: {  	[sflag:s9] =	ssyncadd.s32 $0xFFFF9C00  }
.LBB2_1:
0x1d: {  	s8 =	rddreg [dreg:$0x7]  }
0x1e: {  	[tilespmem:s6], [sflag:$0x7] =	stream.linear.gather [hbm4b:s8+s6], $0x6400, $0x38;
	[tilespmem:$0x1DC00] =	vst v63  }
0x1f: {  	_ =	swait.ge [sflag:s14], $0x6400  }
0x20: {  	[sflag:s14] =	ssyncset.done $0x0  }
0x21: {  	s9 =	simm.s32 $0x6400;
	s30 =	rddreg [dreg:$0x5];
	[sflag:s14] =	ssyncadd.s32 $0xFFFF9C00  }
0x22: {  	[tilespmem:s9], [sflag:$0x7] =	stream.linear.gather [hbm4b:s30+s6], $0x3200, $0x38;
	[tilespmem:$0x1DC00] =	vst v63  }
0x23: {  	_ =	swait.ge [sflag:s14], $0x3200  }
0x24: {  	[sflag:s14] =	ssyncset.done $0x0  }
0x25: {  	s31 =	rddreg [dreg:$0x6];
	[sflag:s14] =	ssyncadd.s32 $0xFFFFCE00  }
0x26: {  	[tilespmem:s16], [sflag:$0x7] =	stream.linear.gather [hbm4b:s31+s6], $0xC80, $0x38;
	[tilespmem:$0x1DC00] =	vst v63  }
0x27: {  	_ =	swait.ge [sflag:s14], $0xC80  }
0x28: {  	[sflag:s14] =	ssyncset.done $0x0  }
0x29: {  	[sflag:s14] =	ssyncadd.s32 $0xFFFFF380  }
0x2a: {  	s10 =	simm.s32 $0x9600;
	s9 =	rddreg [dreg:$0x1]  }
0x2b: {  	[tilespmem:s10], [sflag:$0x7] =	stream.linear.gather [hbm4b:s9+s6], $0x80, $0x38;
	[tilespmem:$0x1DC00] =	vst v63  }
0x2c: {  	_ =	swait.ge [sflag:s14], $0x80  }
0x2d: {  	[sflag:s14] =	ssyncset.done $0x0  }
0x2e: {  	[sflag:s14] =	ssyncadd.s32 $0xFFFFFF80  }
0x2f: {  	s15 =	simm.s32 $0x9680;
	s13 =	rddreg [dreg:$0x2]  }
0x30: {  	[tilespmem:s15], [sflag:$0x7] =	stream.linear.gather [hbm4b:s13+s6], $0x80, $0x38;
	[tilespmem:$0x1DC00] =	vst v63  }
0x31: {  	_ =	swait.ge [sflag:s14], $0x80  }
0x32: {  	[sflag:s14] =	ssyncset.done $0x0  }
0x33: {  	[sflag:s14] =	ssyncadd.s32 $0xFFFFFF80  }
0x34: {  	v5 =	vld [tilespmem:$0x9600]  }
0x35: {  	v6 =	vld [tilespmem:$0x9610]  }
0x36: {  	v7 =	vld [tilespmem:$0x9620]  }
0x37: {  	v8 =	vld [tilespmem:$0x9630]  }
0x38: {  	v9 =	vld [tilespmem:$0x9640]  }
0x39: {  	v10 =	vld [tilespmem:$0x9650]  }
0x3a: {  	v11 =	vld [tilespmem:$0x9660]  }
0x3b: {  	v12 =	vld [tilespmem:$0x9670]  }
0x3c: {  	v13 =	vld [tilespmem:$0x9680]  }
0x3d: {  	v14 =	vld [tilespmem:$0x9690]  }
0x3e: {  	v15 =	vld [tilespmem:$0x96A0]  }
0x3f: {  	v16 =	vld [tilespmem:$0x96B0]  }
0x40: {  	v17 =	vld [tilespmem:$0x96C0]  }
0x41: {  	v18 =	vld [tilespmem:$0x96D0]  }
0x42: {  	v19 =	vld [tilespmem:$0x96E0]  }
0x43: {  	v20 =	vld [tilespmem:$0x96F0];
	[tilespmem:s20], [sflag:$0x1] =	stream.indirect.gather [hbm4b:s7+s19], $0x80, s6, s19, $0xb8  }
0x44: {  	_ = 	snop  }
0x45: {  	[tilespmem:s22], [sflag:$0x1] =	stream.indirect.gather [hbm4b:s7+s21], $0x80, s19, s21, $0xb8;
	[tilespmem:$0x1DC00] =	vst v63  }
0x46: {  	s23 =	simm.s32 $0xC8  }
0x47: {  	[tilespmem:s24], [sflag:$0x2] =	stream.indirect.gather [hbm4b:s7+s19], $0x80, s23, s19, $0xb8;
	[tilespmem:$0x1DC00] =	vst v63  }
0x48: {  	s25 =	simm.s32 $0x148  }
0x49: {  	[tilespmem:s26], [sflag:$0x2] =	stream.indirect.gather [hbm4b:s7+s21], $0x80, s25, s21, $0xb8;
	[tilespmem:$0x1DC00] =	vst v63  }
0x4a: {  	s28 =	simm.s32 $0x190  }
0x4b: {  	[tilespmem:s29], [sflag:$0x3] =	stream.indirect.gather [hbm4b:s7+s19], $0x80, s28, s19, $0xb8;
	[tilespmem:$0x1DC00] =	vst v63  }
0x4c: {  	s30 =	simm.s32 $0x210;
	s31 =	simm.s32 $0x1B400;
	s23 =	simm.s32 $0x0  }
0x4d: {  	[tilespmem:s31], [sflag:$0x3] =	stream.indirect.gather [hbm4b:s7+s21], $0x80, s30, s21, $0xb8;
	[tilespmem:$0x1DC00] =	vst v63  }
.LBB2_2:
0x4e: {  	_ =	swait.ge [sflag:s2], $0x4000  }
0x4f: {  	[sflag:s2] =	ssyncset.done $0x0  }
0x50: {  	[sflag:s2] =	ssyncadd.s32 $0xFFFFC000  }
0x51: {  	_ =	swait.ge [sflag:s2], $0x2400  }
0x52: {  	s25 =	simm.s32 $0x0;
	[sflag:s2] =	ssyncset.done $0x0  }
0x53: {  	s28 =	simm.s32 $0x6480;
	s30 =	simm.s32 $0xA500;
	[sflag:s2] =	ssyncadd.s32 $0xFFFFDC00  }
.LBB2_3:
0x54: {  	s8 =	sshll.u32 s25, $0x4  }
0x55: {  	v21 =	vor.u32 s8, v0  }
0x56: {  	v22 =	vshll.u32 v21, $0x7;
	v21 =	vshll.u32 v21, $0x4  }
0x57: {  	v23 =	vor.u32 $0x40, v22  }
0x58: {  	v22 =	vor.u32 $0x41, v22  }
0x59: {  	v24 =	vor.u32 $0x1, v21;
	_ =	sdelay $0x1  }
0x5a: {  	v21 =	vld.idx.msk [tilespmem:v21+s16+$0x0], $0xffff  }
0x5b: {  	v23 =	vld.idx.msk [tilespmem:v23+s20+$0x0], $0xffff  }
0x5c: {  	v22 =	vld.idx.msk [tilespmem:v22+s20+$0x0], $0xffff  }
0x5d: {  	v24 =	vld.idx.msk [tilespmem:v24+s16+$0x0], $0xffff;
	_ =	sdelay $0x2  }
0x5e: {  	v21 =	vadd.f32 v21, v23;
	_ =	sdelay $0x1  }
0x5f: {  	v23 =	vmul.f32 $7.812500000e-03, v21;
	v21 =	vadd.f32 v24, v22;
	_ =	sdelay $0x1  }
0x60: {  	v21 =	vmul.f32 $7.812500000e-03, v21;
	v22 =	vmul.f32 v23, v23;
	_ =	sdelay $0x1  }
0x61: {  	v21 =	vsub.f32 v21, v22;
	_ =	sdelay $0x1  }
0x62: {  	v21 =	vadd.f32 $9.999999740e-06, v21;
	_ =	sdelay $0x1  }
0x63: {  	v22 =	vshrl.u32 v21, $0x1;
	v21 =	vmul.f32 $5.000000000e-01, v21  }
0x64: {  	v22 =	vsub.s32 $0x5F3759DF, v22  }
0x65: {  	v24 =	vmul.f32 v22, v21;
	_ =	sdelay $0x1  }
0x66: {  	v24 =	vmul.f32 v22, v24;
	_ =	sdelay $0x1  }
0x67: {  	v24 =	vsub.f32 $1.500000000e+00, v24;
	_ =	sdelay $0x1  }
0x68: {  	v25 =	vld [tilespmem:s28+$0x50];
	v22 =	vmul.f32 v22, v24  }
0x69: {  	v29 =	vld [tilespmem:s28+$0xFFFFFFD0]  }
0x6a: {  	v33 =	vld [tilespmem:s28+$0x10];
	v21 =	vmul.f32 v22, v21  }
0x6b: {  	v59 =	vld [tilespmem:s28+$0x30]  }
0x6c: {  	v37 =	vld [tilespmem:s30+$0xA0];
	v21 =	vmul.f32 v21, v22  }
0x6d: {  	v38 =	vld [tilespmem:s30+$0x20]  }
0x6e: {  	v26 =	vimm.s32 $0x0;
	v40 =	vld [tilespmem:s28+$0x40];
	v21 =	vsub.f32 $1.500000000e+00, v21  }
0x6f: {  	v41 =	vld [tilespmem:s28+$0x20];
	v27 =	vor.u32 $0x1, v26  }
0x70: {  	v43 =	vld [tilespmem:s30+$0xFFFFFF80];
	vm0 =	vlt.s32 v26, $0x0;
	v28 =	vadd.s32 $0x11, v26;
	v21 =	vmul.f32 v21, v22  }
0x71: {  	v44 =	vld [tilespmem:s28+$0x70];
	v30 =	vadd.s32 $0x13, v26;
	v31 =	vor.u32 $0x3, v26;
	v32 =	vor.u32 $0x2, v26  }
0x72: {  	v45 =	vld [tilespmem:s28+$0x60];
	v30 =	vsel vm0, v30, v31;
	v31 =	vadd.s32 $0x12, v26;
	v22 =	vmul.f32 v21, v23  }
0x73: {  	v46 =	vld [tilespmem:s28+$0xFFFFFFF0];
	v27 =	vsel vm0, v28, v27;
	v31 =	vsel vm0, v31, v32;
	v35 =	vperm.xlane v21, v30  }
0x74: {  	v47 =	vld [tilespmem:s30+$0xFFFFFFA0];
	v36 =	vperm.xlane v21, v31;
	v34 =	vperm.xlane v22, v27  }
0x75: {  	v49 =	vld [tilespmem:s30+$0x30];
	v30 =	vperm.xlane v22, v30;
	v27 =	vperm.xlane v21, v27  }
0x76: {  	v55 =	vld [tilespmem:s30+$0x80];
	v31 =	vperm.xlane v22, v31;
	v25 =	vmul.f32 v35, v25  }
0x77: {  	v24 =	vld [tilespmem:s30+$0xFFFFFF90];
	v33 =	vmul.f32 v36, v33;
	v32 =	vmul.f32 v36, v59  }
0x78: {  	v48 =	vld [tilespmem:s30+$0xFFFFFFB0];
	v37 =	vmul.f32 v35, v37;
	v38 =	vmul.f32 v36, v38  }
0x79: {  	v61 =	vld [tilespmem:s28+$0xFFFFFFE0];
	v40 =	vmul.f32 v35, v40;
	v41 =	vmul.f32 v36, v41  }
0x7a: {  	v28 =	vld [tilespmem:s30+$0x90];
	v44 =	vmul.f32 v35, v44;
	v60 =	vmul.f32 v35, v45  }
0x7b: {  	v23 =	vld [tilespmem:s30+$0x10];
	v52 =	vmul.f32 v36, v49;
	v58 =	vmul.f32 v35, v55  }
0x7c: {  	v62 =	vld [tilespmem:s28+$0xFFFFFFC0];
	v24 =	vmul.f32 v27, v24;
	v29 =	vmul.f32 v27, v29  }
0x7d: {  	v53 =	vld [tilespmem:s30+$0xB0];
	v33 =	vsub.f32 v33, v31;
	v38 =	vsub.f32 v38, v31;
	v43 =	vmul.f32 v27, v43  }
0x7e: {  	v40 =	vsub.f32 v40, v30;
	v25 =	vsub.f32 v25, v30;
	v46 =	vmul.f32 v27, v46  }
0x7f: {  	v41 =	vsub.f32 v41, v31;
	v63 =	vmul.f32 v27, v48;
	v50 =	vmul.f32 v27, v47  }
0x80: {  	v44 =	vsub.f32 v44, v30;
	v39 =	vmul.f32 v36, v23;
	v23 =	vmul.f32 v35, v28;
	v28 =	vld [tilespmem:s28+$0x0]  }
0x81: {  	v45 =	vmul.f32 v27, v61;
	v27 =	vmul.f32 v27, v62;
	v37 =	vsub.f32 v37, v30  }
0x82: {  	v61 =	vshrl.u32 v26, $0x1B;
	v35 =	vmul.f32 v35, v53;
	v33 =	vmul.f32 v33, v10  }
0x83: {  	v24 =	vsub.f32 v24, v34;
	v40 =	vmul.f32 v40, v9;
	v25 =	vmul.f32 v25, v10  }
0x84: {  	v41 =	vmul.f32 v41, v11;
	v48 =	vsub.f32 v46, v34;
	v29 =	vsub.f32 v29, v34  }
0x85: {  	v27 =	vsub.f32 v27, v34;
	v46 =	vand.u32 $0x10, v61;
	v28 =	vmul.f32 v36, v28  }
0x86: {  	v42 =	vsub.f32 v23, v30;
	v23 =	vadd.s32 $0x4, v26;
	v39 =	vsub.f32 v39, v31  }
0x87: {  	v24 =	vmul.f32 v24, v6;
	v41 =	vadd.f32 v41, v19;
	v28 =	vsub.f32 v28, v31  }
0x88: {  	v33 =	vadd.f32 v33, v18;
	v40 =	vadd.f32 v40, v17;
	v39 =	vmul.f32 v39, v6  }
0x89: {  	v25 =	vadd.f32 v25, v18;
	[tilespmem:s30+$0x60] =	vst v41;
	v41 =	vadd.f32 v24, v14;
	v28 =	vmul.f32 v28, v9  }
0x8a: {  	v59 =	vld [tilespmem:s30+$0xFFFFFF00];
	v26 =	vadd.s32 v26, v46;
	[tilespmem:s30+$0x50] =	vst v33;
	v24 =	vsub.f32 v45, v34;
	v39 =	vadd.f32 v39, v14  }
0x8b: {  	v29 =	vmul.f32 v29, v10;
	v27 =	vmul.f32 v27, v9;
	[tilespmem:s30+$0xC0] =	vst v40;
	v28 =	vadd.f32 v28, v17  }
0x8c: {  	v46 =	vperm.xlane v21, v26;
	v33 =	vld [tilespmem:s28+$0xFFFFFF90];
	v24 =	vmul.f32 v24, v11;
	[tilespmem:s30+$0x10] =	vst v39;
	v39 =	vsub.f32 v60, v30  }
0x8d: {  	v26 =	vperm.xlane v22, v26;
	v40 =	vsub.f32 v63, v34;
	[tilespmem:s30+$0x40] =	vst v28;
	v28 =	vmul.f32 v44, v12  }
0x8e: {  	v51 =	vld [tilespmem:s30+$0x0];
	v29 =	vadd.f32 v29, v18;
	v56 =	vadd.f32 v24, v19;
	v39 =	vmul.f32 v39, v11  }
0x8f: {  	[tilespmem:s30+$0xD0] =	vst v25;
	v54 =	vmul.f32 v40, v8;
	v40 =	vmul.f32 v46, v59;
	v60 =	vld [tilespmem:s28+$0xFFFFFFB0];
	v25 =	vadd.f32 v28, v20  }
0x90: {  	v45 =	vsub.f32 v52, v31;
	v52 =	vld [tilespmem:s30+$0xFFFFFF30];
	v24 =	vmul.f32 v37, v7;
	[tilespmem:s30+$0xFFFFFFE0] =	vst v56;
	v28 =	vadd.f32 v39, v19  }
0x91: {  	v59 =	vsub.f32 v40, v26;
	v33 =	vmul.f32 v46, v33;
	v39 =	vadd.f32 v54, v16;
	v54 =	vld [tilespmem:s28+$0xFFFFFF80];
	[tilespmem:s30+$0xF0] =	vst v25  }
0x92: {  	v56 =	vmul.f32 v45, v8;
	v25 =	vsub.f32 v50, v34;
	[tilespmem:s30+$0xE0] =	vst v28;
	v28 =	vmul.f32 v48, v12  }
0x93: {  	v55 =	vld [tilespmem:s30+$0xFFFFFF10];
	v34 =	vsub.f32 v43, v34;
	v43 =	vadd.f32 v27, v17;
	v27 =	vmul.f32 v42, v6  }
0x94: {  	v63 =	vld [tilespmem:s30+$0xFFFFFF20];
	v45 =	vadd.f32 v56, v16;
	v42 =	vmul.f32 v46, v60;
	v25 =	vmul.f32 v25, v7  }
0x95: {  	v57 =	vadd.f32 v28, v20;
	v28 =	vmul.f32 v36, v51;
	v51 =	vsub.f32 v35, v30  }
0x96: {  	[tilespmem:s30+$0xFFFFFFD0] =	vst v29;
	v35 =	vmul.f32 v46, v52;
	v61 =	vsub.f32 v42, v26;
	v29 =	vmul.f32 v46, v54  }
0x97: {  	[tilespmem:s30+$0xFFFFFF90] =	vst v41;
	v37 =	vadd.f32 v25, v15;
	v25 =	vmul.f32 v38, v7;
	v28 =	vsub.f32 v28, v31  }
0x98: {  	[tilespmem:s30+$0x30] =	vst v45;
	v36 =	vld [tilespmem:s28+$0xFFFFFFA0];
	v38 =	vsub.f32 v58, v30;
	v30 =	vsub.f32 v32, v31;
	v31 =	vmul.f32 v51, v8  }
0x99: {  	[tilespmem:s30+$0xFFFFFFF0] =	vst v57;
	v57 =	vmul.f32 v46, v63;
	v32 =	vmul.f32 v46, v55;
	v35 =	vsub.f32 v35, v26  }
0x9a: {  	[tilespmem:s30+$0xFFFFFFB0] =	vst v39;
	v63 =	vsub.f32 v33, v26;
	v33 =	vmul.f32 v61, v12;
	v62 =	vmul.f32 v28, v5  }
0x9b: {  	[tilespmem:s30+$0xFFFFFFC0] =	vst v43;
	v38 =	vmul.f32 v38, v5;
	v31 =	vadd.f32 v31, v16;
	v60 =	vsub.f32 v57, v26  }
0x9c: {  	v28 =	vmul.f32 v34, v5;
	[tilespmem:s30+$0xFFFFFFA0] =	vst v37;
	v34 =	vmul.f32 v59, v5;
	v53 =	vadd.f32 v62, v13  }
0x9d: {  	v58 =	vmul.f32 v46, v36;
	v38 =	vadd.f32 v38, v13;
	v62 =	vmul.f32 v60, v7;
	[tilespmem:s30+$0xB0] =	vst v31  }
0x9e: {  	s9 =	simm.s32 $0x0;
	v37 =	vsub.f32 v32, v26;
	v36 =	vmul.f32 v35, v8;
	v34 =	vadd.f32 v34, v13;
	[tilespmem:s30+$0x0] =	vst v53  }
0x9f: {  	s10 =	sadd.s32 $0x200, s30;
	s13 =	smov.u32 s28;
	s8 =	smov.u32 s30;
	v31 =	vmul.f32 v63, v10;
	v35 =	vsub.f32 v58, v26;
	[tilespmem:s30+$0x80] =	vst v38;
	v32 =	vadd.f32 v62, v15  }
.LBB2_4:
0xa0: {  	v38 =	vld [tilespmem:s10+$0xFFFFFF90];
	s9 =	sadd.s32 $0x4, s9;
	[tilespmem:s8+$0xFFFFFF00] =	vst v34;
	v34 =	vmul.f32 v37, v6;
	v36 =	vadd.f32 v36, v16;
	v37 =	vsub.f32 v29, v26;
	s13 =	sadd.s32 $0x100, s13  }
0xa1: {  	v29 =	vor.u32 $0x1, v23;
	vm0 =	vlt.s32 v23, $0x0;
	v40 =	vadd.s32 $0x13, v23;
	v26 =	vmovc v23;
	v39 =	vld [tilespmem:s13+$0x20];
	p0 =	slt.u32 s9, $0xC;
	[tilespmem:s8+$0xFFFFFF20] =	vst v32  }
0xa2: {  	v41 =	vor.u32 $0x3, v23;
	v32 =	vadd.s32 $0x11, v23;
	v42 =	vld [tilespmem:s13+$0x50];
	v34 =	vadd.f32 v34, v14;
	[tilespmem:s8+$0xFFFFFF30] =	vst v36  }
0xa3: {  	v36 =	vsel vm0, v32, v29;
	v29 =	vsel vm0, v40, v41;
	v40 =	vadd.f32 v31, v18;
	v43 =	vld [tilespmem:s10+$0x10]  }
0xa4: {  	v44 =	vadd.s32 $0x12, v23;
	v32 =	vperm.xlane v22, v36;
	v31 =	vperm.xlane v21, v29;
	v41 =	vld [tilespmem:s13+$0xFFFFFFD0]  }
0xa5: {  	v45 =	vor.u32 $0x2, v23;
	v33 =	vadd.f32 v33, v20;
	v29 =	vperm.xlane v22, v29;
	v46 =	vld [tilespmem:s10+$0x90];
	[tilespmem:s8+$0xFFFFFF10] =	vst v34  }
0xa6: {  	v44 =	vsel vm0, v44, v45;
	v36 =	vperm.xlane v21, v36;
	v47 =	vld [tilespmem:s13+$0x10];
	[tilespmem:s8+$0xFFFFFF50] =	vst v40;
	v40 =	vmul.f32 v30, v12  }
0xa7: {  	v27 =	vadd.f32 v27, v14;
	v35 =	vmul.f32 v35, v11;
	v34 =	vperm.xlane v21, v44;
	v45 =	vld [tilespmem:s13+$0x30];
	[tilespmem:s8+$0xFFFFFF70] =	vst v33  }
0xa8: {  	v28 =	vadd.f32 v28, v13;
	v30 =	vperm.xlane v22, v44;
	v44 =	vld [tilespmem:s10+$0xA0];
	v33 =	vadd.f32 v40, v20  }
0xa9: {  	v37 =	vmul.f32 v37, v9;
	v35 =	vadd.f32 v35, v19;
	v43 =	vmul.f32 v34, v43;
	v40 =	vld [tilespmem:s10+$0x20];
	[tilespmem:s8+$0x90] =	vst v27  }
0xaa: {  	v25 =	vadd.f32 v25, v15;
	v38 =	vmul.f32 v36, v38;
	v48 =	vld [tilespmem:s10+$0xFFFFFF80];
	v27 =	vmul.f32 v31, v46;
	[tilespmem:s8+$0x70] =	vst v33  }
0xab: {  	v24 =	vadd.f32 v24, v15;
	v37 =	vadd.f32 v37, v17;
	v42 =	vmul.f32 v31, v42;
	v46 =	vld [tilespmem:s13+$0x0];
	[tilespmem:s8+$0xFFFFFF60] =	vst v35  }
0xac: {  	v23 =	vadd.s32 $0x4, v23;
	v35 =	vmul.f32 v34, v47;
	v47 =	vld [tilespmem:s13+$0x40];
	v27 =	vsub.f32 v27, v29;
	[tilespmem:s8+$0x20] =	vst v25  }
0xad: {  	v43 =	vsub.f32 v43, v30;
	v33 =	vmul.f32 v34, v45;
	v25 =	vld [tilespmem:s13+$0xFFFFFFF0];
	v44 =	vmul.f32 v31, v44;
	[tilespmem:s8+$0xA0] =	vst v24  }
0xae: {  	v24 =	vmul.f32 v36, v41;
	v35 =	vsub.f32 v35, v30;
	v40 =	vmul.f32 v34, v40;
	v41 =	vld [tilespmem:s13+$0x60];
	[tilespmem:s8+$0xFFFFFF40] =	vst v37  }
0xaf: {  	v39 =	vmul.f32 v34, v39;
	v37 =	vsub.f32 v38, v32;
	v38 =	vmul.f32 v43, v6;
	v43 =	vld [tilespmem:s13+$0x70];
	[tilespmem:s8+$0xFFFFFF80] =	vst v28;
	s8 =	smov.u32 s10  }
0xb0: {  	v35 =	vmul.f32 v35, v10;
	v28 =	vsub.f32 v40, v30;
	v40 =	vmul.f32 v34, v46  }
0xb1: {  	v45 =	vmul.f32 v36, v48;
	v38 =	vadd.f32 v38, v14;
	v46 =	vmul.f32 v31, v47  }
0xb2: {  	v35 =	vadd.f32 v35, v18;
	v25 =	vmul.f32 v36, v25;
	v40 =	vsub.f32 v40, v30  }
0xb3: {  	v42 =	vsub.f32 v42, v29;
	v47 =	vld [tilespmem:s10+$0xFFFFFFA0];
	[tilespmem:s10+$0x10] =	vst v38;
	v38 =	vsub.f32 v46, v29;
	v41 =	vmul.f32 v31, v41  }
0xb4: {  	v46 =	vld [tilespmem:s10+$0xFFFFFFB0];
	v40 =	vmul.f32 v40, v9;
	[tilespmem:s10+$0x50] =	vst v35;
	v35 =	vsub.f32 v39, v30;
	v39 =	vmul.f32 v31, v43  }
0xb5: {  	v42 =	vmul.f32 v42, v10;
	v43 =	vld [tilespmem:s13+$0xFFFFFFE0];
	v38 =	vmul.f32 v38, v9;
	v41 =	vsub.f32 v41, v29  }
0xb6: {  	v48 =	vld [tilespmem:s13+$0xFFFFFFC0];
	v40 =	vadd.f32 v40, v17;
	v35 =	vmul.f32 v35, v11;
	v39 =	vsub.f32 v39, v29  }
0xb7: {  	v42 =	vadd.f32 v42, v18;
	v49 =	vld [tilespmem:s10+$0x30];
	v38 =	vadd.f32 v38, v17;
	v41 =	vmul.f32 v41, v11  }
0xb8: {  	v37 =	vmul.f32 v37, v6;
	[tilespmem:s10+$0x40] =	vst v40;
	v35 =	vadd.f32 v35, v19;
	v39 =	vmul.f32 v39, v12  }
0xb9: {  	v25 =	vsub.f32 v25, v32;
	v40 =	vmul.f32 v36, v46;
	[tilespmem:s10+$0xC0] =	vst v38;
	v38 =	vadd.f32 v41, v19  }
0xba: {  	v41 =	vmul.f32 v36, v47;
	v43 =	vmul.f32 v36, v43;
	[tilespmem:s10+$0xD0] =	vst v42;
	v39 =	vadd.f32 v39, v20  }
0xbb: {  	v24 =	vsub.f32 v24, v32;
	v40 =	vsub.f32 v40, v32;
	v36 =	vmul.f32 v36, v48;
	[tilespmem:s10+$0x60] =	vst v35  }
0xbc: {  	v35 =	vadd.f32 v37, v14;
	v37 =	vsub.f32 v43, v32;
	v42 =	vld [tilespmem:s10+$0x0];
	v43 =	vmul.f32 v34, v49;
	[tilespmem:s10+$0xF0] =	vst v39  }
0xbd: {  	v24 =	vmul.f32 v24, v10;
	v39 =	vsub.f32 v41, v32;
	v40 =	vmul.f32 v40, v8;
	v41 =	vld [tilespmem:s10+$0xB0];
	[tilespmem:s10+$0xE0] =	vst v38  }
0xbe: {  	v25 =	vmul.f32 v25, v12;
	v38 =	vsub.f32 v44, v29;
	[tilespmem:s10+$0xFFFFFF90] =	vst v35;
	v35 =	vmul.f32 v37, v11;
	v37 =	vld [tilespmem:s10+$0x80]  }
0xbf: {  	v44 =	vadd.f32 v24, v18;
	v39 =	vmul.f32 v39, v7;
	v40 =	vadd.f32 v40, v16  }
0xc0: {  	v36 =	vsub.f32 v36, v32;
	v24 =	vmul.f32 v38, v7;
	v35 =	vadd.f32 v35, v19  }
0xc1: {  	v38 =	vadd.f32 v39, v15;
	v39 =	vadd.f32 v25, v20;
	[tilespmem:s10+$0xFFFFFFB0] =	vst v40;
	v34 =	vmul.f32 v34, v42  }
0xc2: {  	v32 =	vsub.f32 v45, v32;
	v36 =	vmul.f32 v36, v9;
	v25 =	vmul.f32 v28, v7;
	v40 =	vld [tilespmem:s13+$0xFFFFFF90];
	[tilespmem:s10+$0xFFFFFFE0] =	vst v35  }
0xc3: {  	v35 =	vld [tilespmem:s13+$0xFFFFFFA0];
	[tilespmem:s10+$0xFFFFFFF0] =	vst v39;
	v28 =	vsub.f32 v34, v30;
	v34 =	vmul.f32 v31, v37;
	v31 =	vmul.f32 v31, v41  }
0xc4: {  	v27 =	vmul.f32 v27, v6;
	v36 =	vadd.f32 v36, v17;
	v37 =	vld [tilespmem:s10+$0xFFFFFF00];
	[tilespmem:s10+$0xFFFFFFA0] =	vst v38;
	v38 =	vsub.f32 v43, v30  }
0xc5: {  	v41 =	vshrl.u32 v26, $0x1B;
	v39 =	vld [tilespmem:s13+$0xFFFFFFB0];
	[tilespmem:s10+$0xFFFFFFD0] =	vst v44;
	v42 =	vmul.f32 v28, v5;
	v34 =	vsub.f32 v34, v29  }
0xc6: {  	v41 =	vand.u32 $0x10, v41;
	v28 =	vmul.f32 v32, v5;
	v29 =	vsub.f32 v31, v29;
	v43 =	vld [tilespmem:s10+$0xFFFFFF20];
	[tilespmem:s10+$0xFFFFFFC0] =	vst v36  }
0xc7: {  	v26 =	vadd.s32 v26, v41;
	v31 =	vld [tilespmem:s10+$0xFFFFFF30];
	v32 =	vadd.f32 v42, v13;
	v34 =	vmul.f32 v34, v5  }
0xc8: {  	v30 =	vsub.f32 v33, v30;
	v41 =	vperm.xlane v21, v26;
	v29 =	vmul.f32 v29, v8;
	v36 =	vld [tilespmem:s13+$0xFFFFFF80]  }
0xc9: {  	v26 =	vperm.xlane v22, v26;
	v33 =	vld [tilespmem:s10+$0xFFFFFF10];
	[tilespmem:s10+$0x0] =	vst v32;
	v32 =	vmul.f32 v38, v8;
	v34 =	vadd.f32 v34, v13  }
0xca: {  	v37 =	vmul.f32 v41, v37;
	v29 =	vadd.f32 v29, v16;
	v38 =	vmul.f32 v41, v39  }
0xcb: {  	v35 =	vmul.f32 v41, v35;
	v39 =	vmul.f32 v41, v43;
	v32 =	vadd.f32 v32, v16;
	[tilespmem:s10+$0x80] =	vst v34  }
0xcc: {  	v34 =	vsub.f32 v37, v26;
	v37 =	vmul.f32 v41, v40;
	v31 =	vmul.f32 v41, v31;
	[tilespmem:s10+$0xB0] =	vst v29  }
.Ltmp2:
0xcd: {  	v39 =	vsub.f32 v39, v26;
	v29 =	vmul.f32 v41, v36;
	v36 =	vsub.f32 v38, v26;
	[tilespmem:s10+$0x30] =	vst v32;
	(pc) =	sbr.rel @p0 .LBB2_4-.Ltmp2, $4  }
0xce: {  	v32 =	vmul.f32 v34, v5;
	v38 =	vmul.f32 v41, v33;
	v31 =	vsub.f32 v31, v26  }
0xcf: {  	v40 =	vsub.f32 v37, v26;
	v39 =	vmul.f32 v39, v7;
	v33 =	vmul.f32 v36, v12  }
0xd0: {  	v34 =	vadd.f32 v32, v13;
	v37 =	vsub.f32 v38, v26;
	v36 =	vmul.f32 v31, v8  }
0xd1: {  	v35 =	vsub.f32 v35, v26;
	s10 =	sadd.s32 $0x200, s10;
	v31 =	vmul.f32 v40, v10;
	v32 =	vadd.f32 v39, v15  }
0xd2: {  	v21 =	vmul.f32 v37, v6;
	[tilespmem:s8+$0xFFFFFF00] =	vst v34;
	v22 =	vadd.f32 v36, v16  }
0xd3: {  	v27 =	vadd.f32 v27, v14;
	[tilespmem:s8+$0xFFFFFF20] =	vst v32  }
0xd4: {  	v21 =	vadd.f32 v21, v14;
	[tilespmem:s8+$0xFFFFFF30] =	vst v22  }
0xd5: {  	v22 =	vadd.f32 v31, v18;
	[tilespmem:s8+$0x90] =	vst v27  }
0xd6: {  	v23 =	vmul.f32 v30, v12;
	[tilespmem:s8+$0xFFFFFF10] =	vst v21;
	v21 =	vadd.f32 v33, v20  }
0xd7: {  	v26 =	vsub.f32 v29, v26;
	v25 =	vadd.f32 v25, v15;
	[tilespmem:s8+$0xFFFFFF50] =	vst v22;
	v22 =	vmul.f32 v35, v11  }
0xd8: {  	s25 =	sadd.s32 $0x1, s25;
	[tilespmem:s8+$0xFFFFFF70] =	vst v21;
	v21 =	vadd.f32 v23, v20  }
0xd9: {  	p0 =	sne.s32 s25, $0xC;
	[tilespmem:s8+$0x20] =	vst v25;
	v22 =	vadd.f32 v22, v19;
	v23 =	vmul.f32 v26, v9  }
.Ltmp3:
0xda: {  	[tilespmem:s8+$0x70] =	vst v21;
	v21 =	vadd.f32 v24, v15;
	(pc) =	sbr.rel @p0 .LBB2_3-.Ltmp3, $4  }
0xdb: {  	[tilespmem:s8+$0xFFFFFF60] =	vst v22;
	v22 =	vadd.f32 v23, v17  }
0xdc: {  	v23 =	vadd.f32 v28, v13;
	[tilespmem:s8+$0xA0] =	vst v21  }
0xdd: {  	[tilespmem:s8+$0xFFFFFF40] =	vst v22  }
0xde: {  	s28 =	sadd.s32 $0x400, s28;
	s30 =	sadd.s32 $0x800, s30;
	[tilespmem:s8+$0xFFFFFF80] =	vst v23  }
0xdf: {  	_ =	sdelay $0x3  }
0xe0: {  	v21 =	vld.idx.msk [tilespmem:v1+s20+$0x0], $0xffff  }
0xe1: {  	v22 =	vld.idx.msk [tilespmem:v3+s16+$0x0], $0xffff  }
0xe2: {  	v23 =	vld.idx.msk [tilespmem:v2+s20+$0x0], $0xffff  }
0xe3: {  	v24 =	vld.idx.msk [tilespmem:v4+s16+$0x0], $0xffff;
	_ =	sdelay $0x2  }
0xe4: {  	v21 =	vadd.f32 v22, v21;
	_ =	sdelay $0x1  }
0xe5: {  	v22 =	vmul.f32 $7.812500000e-03, v21;
	v21 =	vadd.f32 v24, v23;
	_ =	sdelay $0x1  }
0xe6: {  	v21 =	vmul.f32 $7.812500000e-03, v21;
	v23 =	vmul.f32 v22, v22;
	_ =	sdelay $0x1  }
0xe7: {  	v21 =	vsub.f32 v21, v23;
	_ =	sdelay $0x1  }
0xe8: {  	v21 =	vadd.f32 $9.999999740e-06, v21;
	_ =	sdelay $0x1  }
0xe9: {  	v23 =	vshrl.u32 v21, $0x1;
	v21 =	vmul.f32 $5.000000000e-01, v21  }
0xea: {  	v23 =	vsub.s32 $0x5F3759DF, v23  }
0xeb: {  	v63 =	vmul.f32 v23, v21;
	_ =	sdelay $0x1  }
0xec: {  	v24 =	vmul.f32 v23, v63;
	_ =	sdelay $0x1  }
0xed: {  	v24 =	vsub.f32 $1.500000000e+00, v24;
	_ =	sdelay $0x1  }
0xee: {  	v23 =	vmul.f32 v23, v24;
	_ =	sdelay $0x1  }
0xef: {  	v21 =	vmul.f32 v23, v21;
	_ =	sdelay $0x1  }
0xf0: {  	v21 =	vmul.f32 v21, v23;
	_ =	sdelay $0x1  }
0xf1: {  	v21 =	vsub.f32 $1.500000000e+00, v21;
	_ =	sdelay $0x1  }
0xf2: {  	v21 =	vmul.f32 v21, v23;
	_ =	sdelay $0x1  }
0xf3: {  	s9 =	simm.s32 $0x0;
	p0 =	por $0x1, $0x1;
	v23 =	vimm.s32 $0x0;
	v22 =	vmul.f32 v21, v22  }
.LBB2_7:
0xf4: {  	s8 =	sor.u32 $0xC0, s9  }
0xf5: {  	s10 =	sshll.u32 s8, $0x7  }
0xf6: {  	s10 =	sand.u32 $0x3FFFFF80, s10  }
0xf7: {  	v24 =	vld [tilespmem:s10+$0xA400]  }
0xf8: {  	v25 =	vld [tilespmem:s10+$0xA410]  }
0xf9: {  	s8 =	sshll.u32 s8, $0x6;
	v27 =	vld [tilespmem:s10+$0xA420]  }
0xfa: {  	s8 =	sand.u32 $0x3FFFFFC0, s8;
	v28 =	vld [tilespmem:s10+$0xA430]  }
0xfb: {  	v30 =	vld [tilespmem:s8+$0x6400]  }
0xfc: {  	s13 =	sor.u32 $0xC1, s9;
	v31 =	vld [tilespmem:s8+$0x6410]  }
0xfd: {  	s15 =	sshll.u32 s13, $0x7;
	s13 =	sshll.u32 s13, $0x6;
	v32 =	vld [tilespmem:s8+$0x6420]  }
0xfe: {  	v26 =	vshrl.u32 v23, $0x1B;
	v35 =	vor.u32 $0x1, v23;
	s13 =	sand.u32 $0x3FFFFFC0, s13;
	v33 =	vld [tilespmem:s8+$0x6430]  }
0xff: {  	vm0 =	vlt.s32 v23, $0x0;
	v37 =	vadd.s32 $0x11, v23;
	v26 =	vand.u32 $0x10, v26;
	v61 =	vld [tilespmem:s13+$0x6400]  }
0x100: {  	s31 =	sor.u32 $0xC2, s9;
	v35 =	vsel vm0, v37, v35;
	v26 =	vadd.s32 v23, v26;
	v39 =	vld [tilespmem:s13+$0x6410]  }
0x101: {  	s25 =	sshll.u32 s31, $0x7;
	v37 =	vperm.xlane v21, v35;
	v29 =	vperm.xlane v21, v26;
	v40 =	vld [tilespmem:s13+$0x6420]  }
0x102: {  	v35 =	vperm.xlane v22, v35;
	s28 =	sand.u32 $0x3FFFFF80, s25;
	v26 =	vperm.xlane v22, v26;
	v41 =	vld [tilespmem:s13+$0x6430]  }
0x103: {  	s8 =	sand.u32 $0x3FFFFF80, s15;
	v42 =	vld [tilespmem:s28+$0xA400];
	v24 =	vmul.f32 v29, v24;
	v25 =	vmul.f32 v29, v25  }
0x104: {  	v34 =	vld [tilespmem:s8+$0xA400];
	v27 =	vmul.f32 v29, v27;
	v28 =	vmul.f32 v29, v28  }
0x105: {  	v44 =	vor.u32 $0x2, v23;
	v36 =	vld [tilespmem:s8+$0xA410];
	v30 =	vmul.f32 v29, v30;
	v31 =	vmul.f32 v29, v31  }
0x106: {  	v45 =	vadd.s32 $0x12, v23;
	v38 =	vld [tilespmem:s8+$0xA420];
	v32 =	vmul.f32 v29, v32;
	v29 =	vmul.f32 v29, v33  }
0x107: {  	v48 =	vsel vm0, v45, v44;
	v60 =	vld [tilespmem:s8+$0xA430];
	v39 =	vmul.f32 v37, v39;
	v40 =	vmul.f32 v37, v40  }
0x108: {  	v43 =	vld [tilespmem:s28+$0xA410];
	v50 =	vmul.f32 v37, v41;
	v41 =	vperm.xlane v21, v48  }
0x109: {  	v49 =	vld [tilespmem:s28+$0xA420];
	v34 =	vmul.f32 v37, v34;
	v24 =	vsub.f32 v24, v26;
	v25 =	vsub.f32 v25, v26  }
0x10a: {  	v51 =	vld [tilespmem:s28+$0xA430];
	v36 =	vmul.f32 v37, v36;
	v27 =	vsub.f32 v27, v26;
	v28 =	vsub.f32 v28, v26  }
0x10b: {  	v38 =	vmul.f32 v37, v38;
	v30 =	vsub.f32 v30, v26;
	v31 =	vsub.f32 v31, v26  }
0x10c: {  	v33 =	vmul.f32 v37, v60;
	v32 =	vsub.f32 v32, v26;
	v26 =	vsub.f32 v29, v26  }
0x10d: {  	v29 =	vmul.f32 v37, v61;
	v39 =	vsub.f32 v39, v35;
	v63 =	vsub.f32 v40, v35  }
0x10e: {  	v54 =	vmul.f32 v41, v42;
	v55 =	vmul.f32 v41, v43;
	v56 =	vsub.f32 v50, v35  }
0x10f: {  	v59 =	vmul.f32 v41, v49;
	v37 =	vmul.f32 v41, v51;
	v61 =	vor.u32 $0x3, v23  }
0x110: {  	v34 =	vsub.f32 v34, v35;
	v24 =	vmul.f32 v24, v5;
	v25 =	vmul.f32 v25, v6  }
0x111: {  	v36 =	vsub.f32 v36, v35;
	v27 =	vmul.f32 v27, v7;
	v28 =	vmul.f32 v28, v8  }
0x112: {  	v38 =	vsub.f32 v38, v35;
	v30 =	vmul.f32 v30, v9;
	v31 =	vmul.f32 v31, v10  }
0x113: {  	v33 =	vsub.f32 v33, v35;
	v32 =	vmul.f32 v32, v11;
	v26 =	vmul.f32 v26, v12  }
0x114: {  	v29 =	vsub.f32 v29, v35;
	v62 =	vmul.f32 v39, v10;
	v24 =	vadd.f32 v24, v13  }
0x115: {  	v39 =	vperm.xlane v22, v48;
	v25 =	vadd.f32 v25, v14;
	v27 =	vadd.f32 v27, v15  }
0x116: {  	s15 =	sshll.u32 s31, $0x6;
	v34 =	vmul.f32 v34, v5;
	v28 =	vadd.f32 v28, v16;
	v30 =	vadd.f32 v30, v17;
	[tilespmem:s10+$0xA400] =	vst v24  }
0x117: {  	s15 =	sand.u32 $0x3FFFFFC0, s15;
	v36 =	vmul.f32 v36, v6;
	v31 =	vadd.f32 v31, v18;
	v32 =	vadd.f32 v32, v19;
	[tilespmem:s10+$0xA410] =	vst v25  }
0x118: {  	v47 =	vld [tilespmem:s15+$0x6430];
	v38 =	vmul.f32 v38, v7;
	v26 =	vadd.f32 v26, v20;
	v58 =	vsub.f32 v55, v39;
	[tilespmem:s10+$0xA420] =	vst v27  }
0x119: {  	v57 =	vld [tilespmem:s15+$0x6400];
	v33 =	vmul.f32 v33, v8;
	v35 =	vsub.f32 v59, v39;
	v48 =	vsub.f32 v37, v39;
	[tilespmem:s10+$0xA430] =	vst v28  }
0x11a: {  	v60 =	vld [tilespmem:s15+$0x6410];
	v29 =	vmul.f32 v29, v9;
	v34 =	vadd.f32 v34, v13;
	v36 =	vadd.f32 v36, v14;
	[tilespmem:s10+$0xA440] =	vst v30  }
0x11b: {  	v46 =	vld [tilespmem:s15+$0x6420];
	v53 =	vmul.f32 v63, v11;
	v38 =	vadd.f32 v38, v15;
	v25 =	vadd.f32 v33, v16;
	[tilespmem:s10+$0xA450] =	vst v31  }
0x11c: {  	s30 =	sor.u32 $0xC3, s9;
	v63 =	vmul.f32 v56, v12;
	v52 =	vadd.f32 v29, v17;
	v24 =	vadd.f32 v62, v18;
	[tilespmem:s10+$0xA460] =	vst v32  }
0x11d: {  	s9 =	sshll.u32 s30, $0x7;
	v56 =	vmul.f32 v41, v47;
	v29 =	vadd.f32 v53, v19;
	v28 =	vsub.f32 v54, v39;
	[tilespmem:s10+$0xA470] =	vst v26  }
0x11e: {  	s9 =	sand.u32 $0x3FFFFF80, s9;
	v62 =	vadd.s32 $0x13, v23;
	v31 =	vmul.f32 v58, v6;
	v35 =	vmul.f32 v35, v7;
	[tilespmem:s8+$0xA400] =	vst v34  }
0x11f: {  	v49 =	vld [tilespmem:s9+$0xA400];
	v26 =	vadd.f32 v63, v20;
	v33 =	vmul.f32 v41, v57;
	v32 =	vmul.f32 v41, v60;
	[tilespmem:s8+$0xA410] =	vst v36  }
0x120: {  	v50 =	vld [tilespmem:s9+$0xA410];
	v53 =	vmul.f32 v41, v46;
	v45 =	vsel vm0, v62, v61;
	[tilespmem:s8+$0xA420] =	vst v38;
	v34 =	vmul.f32 v48, v8  }
0x121: {  	s31 =	sshll.u32 s30, $0x6;
	v59 =	vld [tilespmem:s9+$0xA430];
	v61 =	vsub.f32 v56, v39;
	v28 =	vmul.f32 v28, v5;
	v31 =	vadd.f32 v31, v14;
	[tilespmem:s8+$0xA430] =	vst v25  }
0x122: {  	v57 =	vld [tilespmem:s9+$0xA420];
	s10 =	sand.u32 $0x3FFFFFC0, s31;
	v51 =	vadd.f32 v35, v15;
	v33 =	vsub.f32 v33, v39;
	[tilespmem:s8+$0xA440] =	vst v52;
	v54 =	vperm.xlane v21, v45  }
0x123: {  	v62 =	vld [tilespmem:s10+$0x6400];
	[tilespmem:s8+$0xA450] =	vst v24;
	v32 =	vsub.f32 v32, v39;
	v58 =	vsub.f32 v53, v39;
	v30 =	vperm.xlane v22, v45  }
0x124: {  	v40 =	vld [tilespmem:s10+$0x6410];
	[tilespmem:s8+$0xA460] =	vst v29;
	v52 =	vadd.f32 v34, v16;
	v41 =	vmul.f32 v61, v12;
	v55 =	vmul.f32 v33, v9  }
0x125: {  	v42 =	vld [tilespmem:s10+$0x6420];
	[tilespmem:s8+$0xA470] =	vst v26;
	v28 =	vadd.f32 v28, v13;
	v36 =	vmul.f32 v54, v49;
	v60 =	vmul.f32 v32, v10  }
0x126: {  	v44 =	vld [tilespmem:s10+$0x6430];
	v37 =	vmul.f32 v54, v50;
	v63 =	vmul.f32 v58, v11;
	[tilespmem:s28+$0xA410] =	vst v31;
	v45 =	vadd.f32 v41, v20  }
0x127: {  	[tilespmem:s28+$0xA420] =	vst v51;
	v34 =	vmul.f32 v54, v59;
	v24 =	vadd.f32 v55, v17;
	v36 =	vsub.f32 v36, v30  }
0x128: {  	v38 =	vmul.f32 v54, v57;
	[tilespmem:s28+$0xA430] =	vst v52;
	v26 =	vadd.f32 v60, v18;
	v37 =	vsub.f32 v37, v30  }
0x129: {  	[tilespmem:s28+$0xA400] =	vst v28;
	v43 =	vadd.f32 v63, v19;
	v33 =	vmul.f32 v54, v62;
	v29 =	vmul.f32 v54, v40  }
0x12a: {  	v50 =	vsub.f32 v34, v30;
	v32 =	vmul.f32 v54, v42;
	[tilespmem:s28+$0xA470] =	vst v45;
	v36 =	vmul.f32 v36, v5  }
0x12b: {  	v28 =	vmul.f32 v54, v44;
	v48 =	vsub.f32 v38, v30;
	v46 =	vmul.f32 v37, v6;
	[tilespmem:s28+$0xA440] =	vst v24  }
0x12c: {  	[tilespmem:s28+$0xA450] =	vst v26;
	v33 =	vsub.f32 v33, v30;
	v52 =	vmul.f32 v50, v8;
	v47 =	vadd.f32 v36, v13  }
0x12d: {  	[tilespmem:s28+$0xA460] =	vst v43;
	v29 =	vsub.f32 v29, v30;
	v51 =	vmul.f32 v48, v7;
	v49 =	vadd.f32 v46, v14  }
0x12e: {  	v55 =	vsub.f32 v32, v30;
	v54 =	vmul.f32 v33, v9;
	v56 =	vadd.f32 v52, v16;
	[tilespmem:s9+$0xA400] =	vst v47  }
0x12f: {  	v28 =	vsub.f32 v28, v30;
	v57 =	vmul.f32 v29, v10;
	v53 =	vadd.f32 v51, v15;
	[tilespmem:s9+$0xA410] =	vst v49  }
0x130: {  	p1 =	por p0, p0;
	v59 =	vmul.f32 v55, v11;
	v58 =	vadd.f32 v54, v17;
	[tilespmem:s9+$0xA430] =	vst v56  }
.Ltmp4:
0x131: {  	v61 =	vmul.f32 v28, v12;
	v60 =	vadd.f32 v57, v18;
	[tilespmem:s9+$0xA420] =	vst v53;
	(pc) =	sbr.rel @p1 .LBB2_7-.Ltmp4, $4  }
0x132: {  	v62 =	vadd.f32 v59, v19;
	[tilespmem:s9+$0xA440] =	vst v58  }
0x133: {  	v63 =	vadd.f32 v61, v20;
	[tilespmem:s9+$0xA450] =	vst v60  }
0x134: {  	[tilespmem:s9+$0xA460] =	vst v62  }
0x135: {  	p0 =	por $0x0, $0x0;
	v23 =	vadd.s32 $0x4, v23;
	[tilespmem:s9+$0xA470] =	vst v63;
	s9 =	simm.s32 $0x4  }
0x136: {  	s25 =	smul.u32 $0x3, s23;
	_ =	sdelay $0x1  }
0x137: {  	s8 =	sadd.s32 s5, s25  }
0x138: {  	p0 =	seq.s32 s23, $0x0;
	s8 =	smul.u32 $0xC80, s8  }
0x139: {  	p1 =	seq.s32 @!p0 s23, $0x2A  }
0x13a: {  	p0 =	por p1, p0;
	s8 =	sadd.s32 s4, s8  }
0x13b: {  	[hbm4b:s8+s6] =	stream.linear.scatter [tilespmem:s20], [sflag:$0x4], $0x6400, $0x38;
	[tilespmem:$0x1DC00] =	vst v63  }
0x13c: {  	s8 =	simm.s32 @!p0 $0x6  }
0x13d: {  	s9 =	smul.u32 @!p0 $0x960, s23;
	_ =	swait.ge @!p0 [sflag:s8], $0x6400  }
0x13e: {  	[sflag:s8] =	ssyncset.done @!p0 $0x0  }
0x13f: {  	[sflag:s8] =	ssyncadd.s32 @!p0 $0xFFFF9C00;
	s8 =	sshra.s32 @!p0 s9, $0x2  }
0x140: {  	s10 =	simm.s32 @!p0 $0x80;
	s13 =	simm.s32 @!p0 $0x17400;
	s9 =	sadd.s32 @!p0 $0x190, s8  }
0x141: {  	[tilespmem:s13], [sflag:$0x3] =	stream.indirect.gather @!p0 [hbm4b:s7+s10], $0x80, s9, s10, $0xb8;
	[tilespmem:$0x1DC00] =	vst v63  }
0x142: {  	s8 =	sadd.s32 @!p0 $0x210, s8;
	s9 =	simm.s32 @!p0 $0x48;
	s10 =	simm.s32 @!p0 $0x1B400  }
0x143: {  	[tilespmem:s10], [sflag:$0x3] =	stream.indirect.gather @!p0 [hbm4b:s7+s9], $0x80, s8, s9, $0xb8;
	[tilespmem:$0x1DC00] =	vst v63  }
0x144: {  	_ =	swait.ge [sflag:s0], $0x4000  }
0x145: {  	[sflag:s0] =	ssyncset.done $0x0  }
0x146: {  	[sflag:s0] =	ssyncadd.s32 $0xFFFFC000  }
0x147: {  	_ =	swait.ge [sflag:s0], $0x2400  }
0x148: {  	s28 =	simm.s32 $0x0;
	[sflag:s0] =	ssyncset.done $0x0  }
0x149: {  	s30 =	simm.s32 $0x6480;
	s31 =	simm.s32 $0x10D00;
	[sflag:s0] =	ssyncadd.s32 $0xFFFFDC00  }
.LBB2_9:
0x14a: {  	s8 =	sshll.u32 s28, $0x4  }
0x14b: {  	v21 =	vor.u32 s8, v0  }
0x14c: {  	v22 =	vshll.u32 v21, $0x7;
	v21 =	vshll.u32 v21, $0x4  }
0x14d: {  	v23 =	vor.u32 $0x40, v22  }
0x14e: {  	v22 =	vor.u32 $0x41, v22  }
0x14f: {  	v24 =	vor.u32 $0x1, v21;
	_ =	sdelay $0x1  }
0x150: {  	v21 =	vld.idx.msk [tilespmem:v21+s16+$0x0], $0xffff  }
0x151: {  	v23 =	vld.idx.msk [tilespmem:v23+s24+$0x0], $0xffff  }
0x152: {  	v22 =	vld.idx.msk [tilespmem:v22+s24+$0x0], $0xffff  }
0x153: {  	v24 =	vld.idx.msk [tilespmem:v24+s16+$0x0], $0xffff;
	_ =	sdelay $0x2  }
0x154: {  	v21 =	vadd.f32 v21, v23;
	_ =	sdelay $0x1  }
0x155: {  	v23 =	vmul.f32 $7.812500000e-03, v21;
	v21 =	vadd.f32 v24, v22;
	_ =	sdelay $0x1  }
0x156: {  	v21 =	vmul.f32 $7.812500000e-03, v21;
	v22 =	vmul.f32 v23, v23;
	_ =	sdelay $0x1  }
0x157: {  	v21 =	vsub.f32 v21, v22;
	_ =	sdelay $0x1  }
0x158: {  	v21 =	vadd.f32 $9.999999740e-06, v21;
	_ =	sdelay $0x1  }
0x159: {  	v22 =	vshrl.u32 v21, $0x1;
	v21 =	vmul.f32 $5.000000000e-01, v21  }
0x15a: {  	v22 =	vsub.s32 $0x5F3759DF, v22  }
0x15b: {  	v24 =	vmul.f32 v22, v21;
	_ =	sdelay $0x1  }
0x15c: {  	v24 =	vmul.f32 v22, v24;
	_ =	sdelay $0x1  }
0x15d: {  	v24 =	vsub.f32 $1.500000000e+00, v24;
	_ =	sdelay $0x1  }
0x15e: {  	v25 =	vld [tilespmem:s30+$0x50];
	v22 =	vmul.f32 v22, v24  }
0x15f: {  	v29 =	vld [tilespmem:s30+$0xFFFFFFD0]  }
0x160: {  	v33 =	vld [tilespmem:s30+$0x10];
	v21 =	vmul.f32 v22, v21  }
0x161: {  	v59 =	vld [tilespmem:s30+$0x30]  }
0x162: {  	v37 =	vld [tilespmem:s31+$0xA0];
	v21 =	vmul.f32 v21, v22  }
0x163: {  	v38 =	vld [tilespmem:s31+$0x20]  }
0x164: {  	v26 =	vimm.s32 $0x0;
	v40 =	vld [tilespmem:s30+$0x40];
	v21 =	vsub.f32 $1.500000000e+00, v21  }
0x165: {  	v41 =	vld [tilespmem:s30+$0x20];
	v27 =	vor.u32 $0x1, v26  }
0x166: {  	v43 =	vld [tilespmem:s31+$0xFFFFFF80];
	vm0 =	vlt.s32 v26, $0x0;
	v28 =	vadd.s32 $0x11, v26;
	v21 =	vmul.f32 v21, v22  }
0x167: {  	v44 =	vld [tilespmem:s30+$0x70];
	v30 =	vadd.s32 $0x13, v26;
	v31 =	vor.u32 $0x3, v26;
	v32 =	vor.u32 $0x2, v26  }
0x168: {  	v45 =	vld [tilespmem:s30+$0x60];
	v30 =	vsel vm0, v30, v31;
	v31 =	vadd.s32 $0x12, v26;
	v22 =	vmul.f32 v21, v23  }
0x169: {  	v46 =	vld [tilespmem:s30+$0xFFFFFFF0];
	v27 =	vsel vm0, v28, v27;
	v31 =	vsel vm0, v31, v32;
	v35 =	vperm.xlane v21, v30  }
0x16a: {  	v47 =	vld [tilespmem:s31+$0xFFFFFFA0];
	v36 =	vperm.xlane v21, v31;
	v34 =	vperm.xlane v22, v27  }
0x16b: {  	v49 =	vld [tilespmem:s31+$0x30];
	v30 =	vperm.xlane v22, v30;
	v27 =	vperm.xlane v21, v27  }
0x16c: {  	v55 =	vld [tilespmem:s31+$0x80];
	v31 =	vperm.xlane v22, v31;
	v25 =	vmul.f32 v35, v25  }
0x16d: {  	v24 =	vld [tilespmem:s31+$0xFFFFFF90];
	v33 =	vmul.f32 v36, v33;
	v32 =	vmul.f32 v36, v59  }
0x16e: {  	v48 =	vld [tilespmem:s31+$0xFFFFFFB0];
	v37 =	vmul.f32 v35, v37;
	v38 =	vmul.f32 v36, v38  }
0x16f: {  	v61 =	vld [tilespmem:s30+$0xFFFFFFE0];
	v40 =	vmul.f32 v35, v40;
	v41 =	vmul.f32 v36, v41  }
0x170: {  	v28 =	vld [tilespmem:s31+$0x90];
	v44 =	vmul.f32 v35, v44;
	v60 =	vmul.f32 v35, v45  }
0x171: {  	v23 =	vld [tilespmem:s31+$0x10];
	v52 =	vmul.f32 v36, v49;
	v58 =	vmul.f32 v35, v55  }
0x172: {  	v62 =	vld [tilespmem:s30+$0xFFFFFFC0];
	v24 =	vmul.f32 v27, v24;
	v29 =	vmul.f32 v27, v29  }
0x173: {  	v53 =	vld [tilespmem:s31+$0xB0];
	v33 =	vsub.f32 v33, v31;
	v38 =	vsub.f32 v38, v31;
	v43 =	vmul.f32 v27, v43  }
0x174: {  	v40 =	vsub.f32 v40, v30;
	v25 =	vsub.f32 v25, v30;
	v46 =	vmul.f32 v27, v46  }
0x175: {  	v41 =	vsub.f32 v41, v31;
	v63 =	vmul.f32 v27, v48;
	v50 =	vmul.f32 v27, v47  }
0x176: {  	v44 =	vsub.f32 v44, v30;
	v39 =	vmul.f32 v36, v23;
	v23 =	vmul.f32 v35, v28;
	v28 =	vld [tilespmem:s30+$0x0]  }
0x177: {  	v45 =	vmul.f32 v27, v61;
	v27 =	vmul.f32 v27, v62;
	v37 =	vsub.f32 v37, v30  }
0x178: {  	v61 =	vshrl.u32 v26, $0x1B;
	v35 =	vmul.f32 v35, v53;
	v33 =	vmul.f32 v33, v10  }
0x179: {  	v24 =	vsub.f32 v24, v34;
	v40 =	vmul.f32 v40, v9;
	v25 =	vmul.f32 v25, v10  }
0x17a: {  	v41 =	vmul.f32 v41, v11;
	v48 =	vsub.f32 v46, v34;
	v29 =	vsub.f32 v29, v34  }
0x17b: {  	v27 =	vsub.f32 v27, v34;
	v46 =	vand.u32 $0x10, v61;
	v28 =	vmul.f32 v36, v28  }
0x17c: {  	v42 =	vsub.f32 v23, v30;
	v23 =	vadd.s32 $0x4, v26;
	v39 =	vsub.f32 v39, v31  }
0x17d: {  	v24 =	vmul.f32 v24, v6;
	v41 =	vadd.f32 v41, v19;
	v28 =	vsub.f32 v28, v31  }
0x17e: {  	v33 =	vadd.f32 v33, v18;
	v40 =	vadd.f32 v40, v17;
	v39 =	vmul.f32 v39, v6  }
0x17f: {  	v25 =	vadd.f32 v25, v18;
	[tilespmem:s31+$0x60] =	vst v41;
	v41 =	vadd.f32 v24, v14;
	v28 =	vmul.f32 v28, v9  }
0x180: {  	v59 =	vld [tilespmem:s31+$0xFFFFFF00];
	v26 =	vadd.s32 v26, v46;
	[tilespmem:s31+$0x50] =	vst v33;
	v24 =	vsub.f32 v45, v34;
	v39 =	vadd.f32 v39, v14  }
0x181: {  	v29 =	vmul.f32 v29, v10;
	v27 =	vmul.f32 v27, v9;
	[tilespmem:s31+$0xC0] =	vst v40;
	v28 =	vadd.f32 v28, v17  }
0x182: {  	v46 =	vperm.xlane v21, v26;
	v33 =	vld [tilespmem:s30+$0xFFFFFF90];
	v24 =	vmul.f32 v24, v11;
	[tilespmem:s31+$0x10] =	vst v39;
	v39 =	vsub.f32 v60, v30  }
0x183: {  	v26 =	vperm.xlane v22, v26;
	v40 =	vsub.f32 v63, v34;
	[tilespmem:s31+$0x40] =	vst v28;
	v28 =	vmul.f32 v44, v12  }
0x184: {  	v51 =	vld [tilespmem:s31+$0x0];
	v29 =	vadd.f32 v29, v18;
	v56 =	vadd.f32 v24, v19;
	v39 =	vmul.f32 v39, v11  }
0x185: {  	[tilespmem:s31+$0xD0] =	vst v25;
	v54 =	vmul.f32 v40, v8;
	v40 =	vmul.f32 v46, v59;
	v60 =	vld [tilespmem:s30+$0xFFFFFFB0];
	v25 =	vadd.f32 v28, v20  }
0x186: {  	v45 =	vsub.f32 v52, v31;
	v52 =	vld [tilespmem:s31+$0xFFFFFF30];
	v24 =	vmul.f32 v37, v7;
	[tilespmem:s31+$0xFFFFFFE0] =	vst v56;
	v28 =	vadd.f32 v39, v19  }
0x187: {  	v59 =	vsub.f32 v40, v26;
	v33 =	vmul.f32 v46, v33;
	v39 =	vadd.f32 v54, v16;
	v54 =	vld [tilespmem:s30+$0xFFFFFF80];
	[tilespmem:s31+$0xF0] =	vst v25  }
0x188: {  	v56 =	vmul.f32 v45, v8;
	v25 =	vsub.f32 v50, v34;
	[tilespmem:s31+$0xE0] =	vst v28;
	v28 =	vmul.f32 v48, v12  }
0x189: {  	v55 =	vld [tilespmem:s31+$0xFFFFFF10];
	v34 =	vsub.f32 v43, v34;
	v43 =	vadd.f32 v27, v17;
	v27 =	vmul.f32 v42, v6  }
0x18a: {  	v63 =	vld [tilespmem:s31+$0xFFFFFF20];
	v45 =	vadd.f32 v56, v16;
	v42 =	vmul.f32 v46, v60;
	v25 =	vmul.f32 v25, v7  }
0x18b: {  	v57 =	vadd.f32 v28, v20;
	v28 =	vmul.f32 v36, v51;
	v51 =	vsub.f32 v35, v30  }
0x18c: {  	[tilespmem:s31+$0xFFFFFFD0] =	vst v29;
	v35 =	vmul.f32 v46, v52;
	v61 =	vsub.f32 v42, v26;
	v29 =	vmul.f32 v46, v54  }
0x18d: {  	[tilespmem:s31+$0xFFFFFF90] =	vst v41;
	v37 =	vadd.f32 v25, v15;
	v25 =	vmul.f32 v38, v7;
	v28 =	vsub.f32 v28, v31  }
0x18e: {  	[tilespmem:s31+$0x30] =	vst v45;
	v36 =	vld [tilespmem:s30+$0xFFFFFFA0];
	v38 =	vsub.f32 v58, v30;
	v30 =	vsub.f32 v32, v31;
	v31 =	vmul.f32 v51, v8  }
0x18f: {  	[tilespmem:s31+$0xFFFFFFF0] =	vst v57;
	v57 =	vmul.f32 v46, v63;
	v32 =	vmul.f32 v46, v55;
	v35 =	vsub.f32 v35, v26  }
0x190: {  	[tilespmem:s31+$0xFFFFFFB0] =	vst v39;
	v63 =	vsub.f32 v33, v26;
	v33 =	vmul.f32 v61, v12;
	v62 =	vmul.f32 v28, v5  }
0x191: {  	[tilespmem:s31+$0xFFFFFFC0] =	vst v43;
	v38 =	vmul.f32 v38, v5;
	v31 =	vadd.f32 v31, v16;
	v60 =	vsub.f32 v57, v26  }
0x192: {  	v28 =	vmul.f32 v34, v5;
	[tilespmem:s31+$0xFFFFFFA0] =	vst v37;
	v34 =	vmul.f32 v59, v5;
	v53 =	vadd.f32 v62, v13  }
0x193: {  	v58 =	vmul.f32 v46, v36;
	v38 =	vadd.f32 v38, v13;
	v62 =	vmul.f32 v60, v7;
	[tilespmem:s31+$0xB0] =	vst v31  }
0x194: {  	s9 =	simm.s32 $0x0;
	v37 =	vsub.f32 v32, v26;
	v36 =	vmul.f32 v35, v8;
	v34 =	vadd.f32 v34, v13;
	[tilespmem:s31+$0x0] =	vst v53  }
0x195: {  	s10 =	sadd.s32 $0x200, s31;
	s13 =	smov.u32 s30;
	s8 =	smov.u32 s31;
	v31 =	vmul.f32 v63, v10;
	v35 =	vsub.f32 v58, v26;
	[tilespmem:s31+$0x80] =	vst v38;
	v32 =	vadd.f32 v62, v15  }
.LBB2_10:
0x196: {  	v38 =	vld [tilespmem:s10+$0xFFFFFF90];
	s9 =	sadd.s32 $0x4, s9;
	[tilespmem:s8+$0xFFFFFF00] =	vst v34;
	v34 =	vmul.f32 v37, v6;
	v36 =	vadd.f32 v36, v16;
	v37 =	vsub.f32 v29, v26;
	s13 =	sadd.s32 $0x100, s13  }
0x197: {  	v29 =	vor.u32 $0x1, v23;
	vm0 =	vlt.s32 v23, $0x0;
	v40 =	vadd.s32 $0x13, v23;
	v26 =	vmovc v23;
	v39 =	vld [tilespmem:s13+$0x20];
	p0 =	slt.u32 s9, $0xC;
	[tilespmem:s8+$0xFFFFFF20] =	vst v32  }
0x198: {  	v41 =	vor.u32 $0x3, v23;
	v32 =	vadd.s32 $0x11, v23;
	v42 =	vld [tilespmem:s13+$0x50];
	v34 =	vadd.f32 v34, v14;
	[tilespmem:s8+$0xFFFFFF30] =	vst v36  }
0x199: {  	v36 =	vsel vm0, v32, v29;
	v29 =	vsel vm0, v40, v41;
	v40 =	vadd.f32 v31, v18;
	v43 =	vld [tilespmem:s10+$0x10]  }
0x19a: {  	v44 =	vadd.s32 $0x12, v23;
	v32 =	vperm.xlane v22, v36;
	v31 =	vperm.xlane v21, v29;
	v41 =	vld [tilespmem:s13+$0xFFFFFFD0]  }
0x19b: {  	v45 =	vor.u32 $0x2, v23;
	v33 =	vadd.f32 v33, v20;
	v29 =	vperm.xlane v22, v29;
	v46 =	vld [tilespmem:s10+$0x90];
	[tilespmem:s8+$0xFFFFFF10] =	vst v34  }
0x19c: {  	v44 =	vsel vm0, v44, v45;
	v36 =	vperm.xlane v21, v36;
	v47 =	vld [tilespmem:s13+$0x10];
	[tilespmem:s8+$0xFFFFFF50] =	vst v40;
	v40 =	vmul.f32 v30, v12  }
0x19d: {  	v27 =	vadd.f32 v27, v14;
	v35 =	vmul.f32 v35, v11;
	v34 =	vperm.xlane v21, v44;
	v45 =	vld [tilespmem:s13+$0x30];
	[tilespmem:s8+$0xFFFFFF70] =	vst v33  }
0x19e: {  	v28 =	vadd.f32 v28, v13;
	v30 =	vperm.xlane v22, v44;
	v44 =	vld [tilespmem:s10+$0xA0];
	v33 =	vadd.f32 v40, v20  }
0x19f: {  	v37 =	vmul.f32 v37, v9;
	v35 =	vadd.f32 v35, v19;
	v43 =	vmul.f32 v34, v43;
	v40 =	vld [tilespmem:s10+$0x20];
	[tilespmem:s8+$0x90] =	vst v27  }
0x1a0: {  	v25 =	vadd.f32 v25, v15;
	v38 =	vmul.f32 v36, v38;
	v48 =	vld [tilespmem:s10+$0xFFFFFF80];
	v27 =	vmul.f32 v31, v46;
	[tilespmem:s8+$0x70] =	vst v33  }
0x1a1: {  	v24 =	vadd.f32 v24, v15;
	v37 =	vadd.f32 v37, v17;
	v42 =	vmul.f32 v31, v42;
	v46 =	vld [tilespmem:s13+$0x0];
	[tilespmem:s8+$0xFFFFFF60] =	vst v35  }
0x1a2: {  	v23 =	vadd.s32 $0x4, v23;
	v35 =	vmul.f32 v34, v47;
	v47 =	vld [tilespmem:s13+$0x40];
	v27 =	vsub.f32 v27, v29;
	[tilespmem:s8+$0x20] =	vst v25  }
0x1a3: {  	v43 =	vsub.f32 v43, v30;
	v33 =	vmul.f32 v34, v45;
	v25 =	vld [tilespmem:s13+$0xFFFFFFF0];
	v44 =	vmul.f32 v31, v44;
	[tilespmem:s8+$0xA0] =	vst v24  }
0x1a4: {  	v24 =	vmul.f32 v36, v41;
	v35 =	vsub.f32 v35, v30;
	v40 =	vmul.f32 v34, v40;
	v41 =	vld [tilespmem:s13+$0x60];
	[tilespmem:s8+$0xFFFFFF40] =	vst v37  }
0x1a5: {  	v39 =	vmul.f32 v34, v39;
	v37 =	vsub.f32 v38, v32;
	v38 =	vmul.f32 v43, v6;
	v43 =	vld [tilespmem:s13+$0x70];
	[tilespmem:s8+$0xFFFFFF80] =	vst v28;
	s8 =	smov.u32 s10  }
0x1a6: {  	v35 =	vmul.f32 v35, v10;
	v28 =	vsub.f32 v40, v30;
	v40 =	vmul.f32 v34, v46  }
0x1a7: {  	v45 =	vmul.f32 v36, v48;
	v38 =	vadd.f32 v38, v14;
	v46 =	vmul.f32 v31, v47  }
0x1a8: {  	v35 =	vadd.f32 v35, v18;
	v25 =	vmul.f32 v36, v25;
	v40 =	vsub.f32 v40, v30  }
0x1a9: {  	v42 =	vsub.f32 v42, v29;
	v47 =	vld [tilespmem:s10+$0xFFFFFFA0];
	[tilespmem:s10+$0x10] =	vst v38;
	v38 =	vsub.f32 v46, v29;
	v41 =	vmul.f32 v31, v41  }
0x1aa: {  	v46 =	vld [tilespmem:s10+$0xFFFFFFB0];
	v40 =	vmul.f32 v40, v9;
	[tilespmem:s10+$0x50] =	vst v35;
	v35 =	vsub.f32 v39, v30;
	v39 =	vmul.f32 v31, v43  }
0x1ab: {  	v42 =	vmul.f32 v42, v10;
	v43 =	vld [tilespmem:s13+$0xFFFFFFE0];
	v38 =	vmul.f32 v38, v9;
	v41 =	vsub.f32 v41, v29  }
0x1ac: {  	v48 =	vld [tilespmem:s13+$0xFFFFFFC0];
	v40 =	vadd.f32 v40, v17;
	v35 =	vmul.f32 v35, v11;
	v39 =	vsub.f32 v39, v29  }
0x1ad: {  	v42 =	vadd.f32 v42, v18;
	v49 =	vld [tilespmem:s10+$0x30];
	v38 =	vadd.f32 v38, v17;
	v41 =	vmul.f32 v41, v11  }
0x1ae: {  	v37 =	vmul.f32 v37, v6;
	[tilespmem:s10+$0x40] =	vst v40;
	v35 =	vadd.f32 v35, v19;
	v39 =	vmul.f32 v39, v12  }
0x1af: {  	v25 =	vsub.f32 v25, v32;
	v40 =	vmul.f32 v36, v46;
	[tilespmem:s10+$0xC0] =	vst v38;
	v38 =	vadd.f32 v41, v19  }
0x1b0: {  	v41 =	vmul.f32 v36, v47;
	v43 =	vmul.f32 v36, v43;
	[tilespmem:s10+$0xD0] =	vst v42;
	v39 =	vadd.f32 v39, v20  }
0x1b1: {  	v24 =	vsub.f32 v24, v32;
	v40 =	vsub.f32 v40, v32;
	v36 =	vmul.f32 v36, v48;
	[tilespmem:s10+$0x60] =	vst v35  }
0x1b2: {  	v35 =	vadd.f32 v37, v14;
	v37 =	vsub.f32 v43, v32;
	v42 =	vld [tilespmem:s10+$0x0];
	v43 =	vmul.f32 v34, v49;
	[tilespmem:s10+$0xF0] =	vst v39  }
0x1b3: {  	v24 =	vmul.f32 v24, v10;
	v39 =	vsub.f32 v41, v32;
	v40 =	vmul.f32 v40, v8;
	v41 =	vld [tilespmem:s10+$0xB0];
	[tilespmem:s10+$0xE0] =	vst v38  }
0x1b4: {  	v25 =	vmul.f32 v25, v12;
	v38 =	vsub.f32 v44, v29;
	[tilespmem:s10+$0xFFFFFF90] =	vst v35;
	v35 =	vmul.f32 v37, v11;
	v37 =	vld [tilespmem:s10+$0x80]  }
0x1b5: {  	v44 =	vadd.f32 v24, v18;
	v39 =	vmul.f32 v39, v7;
	v40 =	vadd.f32 v40, v16  }
0x1b6: {  	v36 =	vsub.f32 v36, v32;
	v24 =	vmul.f32 v38, v7;
	v35 =	vadd.f32 v35, v19  }
0x1b7: {  	v38 =	vadd.f32 v39, v15;
	v39 =	vadd.f32 v25, v20;
	[tilespmem:s10+$0xFFFFFFB0] =	vst v40;
	v34 =	vmul.f32 v34, v42  }
0x1b8: {  	v32 =	vsub.f32 v45, v32;
	v36 =	vmul.f32 v36, v9;
	v25 =	vmul.f32 v28, v7;
	v40 =	vld [tilespmem:s13+$0xFFFFFF90];
	[tilespmem:s10+$0xFFFFFFE0] =	vst v35  }
0x1b9: {  	v35 =	vld [tilespmem:s13+$0xFFFFFFA0];
	[tilespmem:s10+$0xFFFFFFF0] =	vst v39;
	v28 =	vsub.f32 v34, v30;
	v34 =	vmul.f32 v31, v37;
	v31 =	vmul.f32 v31, v41  }
0x1ba: {  	v27 =	vmul.f32 v27, v6;
	v36 =	vadd.f32 v36, v17;
	v37 =	vld [tilespmem:s10+$0xFFFFFF00];
	[tilespmem:s10+$0xFFFFFFA0] =	vst v38;
	v38 =	vsub.f32 v43, v30  }
0x1bb: {  	v41 =	vshrl.u32 v26, $0x1B;
	v39 =	vld [tilespmem:s13+$0xFFFFFFB0];
	[tilespmem:s10+$0xFFFFFFD0] =	vst v44;
	v42 =	vmul.f32 v28, v5;
	v34 =	vsub.f32 v34, v29  }
0x1bc: {  	v41 =	vand.u32 $0x10, v41;
	v28 =	vmul.f32 v32, v5;
	v29 =	vsub.f32 v31, v29;
	v43 =	vld [tilespmem:s10+$0xFFFFFF20];
	[tilespmem:s10+$0xFFFFFFC0] =	vst v36  }
0x1bd: {  	v26 =	vadd.s32 v26, v41;
	v31 =	vld [tilespmem:s10+$0xFFFFFF30];
	v32 =	vadd.f32 v42, v13;
	v34 =	vmul.f32 v34, v5  }
0x1be: {  	v30 =	vsub.f32 v33, v30;
	v41 =	vperm.xlane v21, v26;
	v29 =	vmul.f32 v29, v8;
	v36 =	vld [tilespmem:s13+$0xFFFFFF80]  }
0x1bf: {  	v26 =	vperm.xlane v22, v26;
	v33 =	vld [tilespmem:s10+$0xFFFFFF10];
	[tilespmem:s10+$0x0] =	vst v32;
	v32 =	vmul.f32 v38, v8;
	v34 =	vadd.f32 v34, v13  }
0x1c0: {  	v37 =	vmul.f32 v41, v37;
	v29 =	vadd.f32 v29, v16;
	v38 =	vmul.f32 v41, v39  }
0x1c1: {  	v35 =	vmul.f32 v41, v35;
	v39 =	vmul.f32 v41, v43;
	v32 =	vadd.f32 v32, v16;
	[tilespmem:s10+$0x80] =	vst v34  }
0x1c2: {  	v34 =	vsub.f32 v37, v26;
	v37 =	vmul.f32 v41, v40;
	v31 =	vmul.f32 v41, v31;
	[tilespmem:s10+$0xB0] =	vst v29  }
.Ltmp5:
0x1c3: {  	v39 =	vsub.f32 v39, v26;
	v29 =	vmul.f32 v41, v36;
	v36 =	vsub.f32 v38, v26;
	[tilespmem:s10+$0x30] =	vst v32;
	(pc) =	sbr.rel @p0 .LBB2_10-.Ltmp5, $4  }
0x1c4: {  	v32 =	vmul.f32 v34, v5;
	v38 =	vmul.f32 v41, v33;
	v31 =	vsub.f32 v31, v26  }
0x1c5: {  	v40 =	vsub.f32 v37, v26;
	v39 =	vmul.f32 v39, v7;
	v33 =	vmul.f32 v36, v12  }
0x1c6: {  	v34 =	vadd.f32 v32, v13;
	v37 =	vsub.f32 v38, v26;
	v36 =	vmul.f32 v31, v8  }
0x1c7: {  	v35 =	vsub.f32 v35, v26;
	s10 =	sadd.s32 $0x200, s10;
	v31 =	vmul.f32 v40, v10;
	v32 =	vadd.f32 v39, v15  }
0x1c8: {  	v21 =	vmul.f32 v37, v6;
	[tilespmem:s8+$0xFFFFFF00] =	vst v34;
	v22 =	vadd.f32 v36, v16  }
0x1c9: {  	v27 =	vadd.f32 v27, v14;
	[tilespmem:s8+$0xFFFFFF20] =	vst v32  }
0x1ca: {  	v21 =	vadd.f32 v21, v14;
	[tilespmem:s8+$0xFFFFFF30] =	vst v22  }
0x1cb: {  	v22 =	vadd.f32 v31, v18;
	[tilespmem:s8+$0x90] =	vst v27  }
0x1cc: {  	v23 =	vmul.f32 v30, v12;
	[tilespmem:s8+$0xFFFFFF10] =	vst v21;
	v21 =	vadd.f32 v33, v20  }
0x1cd: {  	v26 =	vsub.f32 v29, v26;
	v25 =	vadd.f32 v25, v15;
	[tilespmem:s8+$0xFFFFFF50] =	vst v22;
	v22 =	vmul.f32 v35, v11  }
0x1ce: {  	s28 =	sadd.s32 $0x1, s28;
	[tilespmem:s8+$0xFFFFFF70] =	vst v21;
	v21 =	vadd.f32 v23, v20  }
0x1cf: {  	p0 =	sne.s32 s28, $0xC;
	[tilespmem:s8+$0x20] =	vst v25;
	v22 =	vadd.f32 v22, v19;
	v23 =	vmul.f32 v26, v9  }
.Ltmp6:
0x1d0: {  	[tilespmem:s8+$0x70] =	vst v21;
	v21 =	vadd.f32 v24, v15;
	(pc) =	sbr.rel @p0 .LBB2_9-.Ltmp6, $4  }
0x1d1: {  	[tilespmem:s8+$0xFFFFFF60] =	vst v22;
	v22 =	vadd.f32 v23, v17  }
0x1d2: {  	v23 =	vadd.f32 v28, v13;
	[tilespmem:s8+$0xA0] =	vst v21  }
0x1d3: {  	[tilespmem:s8+$0xFFFFFF40] =	vst v22  }
0x1d4: {  	s30 =	sadd.s32 $0x400, s30;
	s31 =	sadd.s32 $0x800, s31;
	[tilespmem:s8+$0xFFFFFF80] =	vst v23  }
0x1d5: {  	_ =	sdelay $0x3  }
0x1d6: {  	v21 =	vld.idx.msk [tilespmem:v1+s24+$0x0], $0xffff  }
0x1d7: {  	v22 =	vld.idx.msk [tilespmem:v3+s16+$0x0], $0xffff  }
0x1d8: {  	v23 =	vld.idx.msk [tilespmem:v2+s24+$0x0], $0xffff  }
0x1d9: {  	v24 =	vld.idx.msk [tilespmem:v4+s16+$0x0], $0xffff;
	_ =	sdelay $0x2  }
0x1da: {  	v21 =	vadd.f32 v22, v21;
	_ =	sdelay $0x1  }
0x1db: {  	v22 =	vmul.f32 $7.812500000e-03, v21;
	v21 =	vadd.f32 v24, v23;
	_ =	sdelay $0x1  }
0x1dc: {  	v21 =	vmul.f32 $7.812500000e-03, v21;
	v23 =	vmul.f32 v22, v22;
	_ =	sdelay $0x1  }
0x1dd: {  	v21 =	vsub.f32 v21, v23;
	_ =	sdelay $0x1  }
0x1de: {  	v21 =	vadd.f32 $9.999999740e-06, v21;
	_ =	sdelay $0x1  }
0x1df: {  	v23 =	vshrl.u32 v21, $0x1;
	v21 =	vmul.f32 $5.000000000e-01, v21  }
0x1e0: {  	v23 =	vsub.s32 $0x5F3759DF, v23  }
0x1e1: {  	v63 =	vmul.f32 v23, v21;
	_ =	sdelay $0x1  }
0x1e2: {  	v24 =	vmul.f32 v23, v63;
	_ =	sdelay $0x1  }
0x1e3: {  	v24 =	vsub.f32 $1.500000000e+00, v24;
	_ =	sdelay $0x1  }
0x1e4: {  	v23 =	vmul.f32 v23, v24;
	_ =	sdelay $0x1  }
0x1e5: {  	v21 =	vmul.f32 v23, v21;
	_ =	sdelay $0x1  }
0x1e6: {  	v21 =	vmul.f32 v21, v23;
	_ =	sdelay $0x1  }
0x1e7: {  	v21 =	vsub.f32 $1.500000000e+00, v21;
	_ =	sdelay $0x1  }
0x1e8: {  	v21 =	vmul.f32 v21, v23;
	_ =	sdelay $0x1  }
0x1e9: {  	s9 =	simm.s32 $0x0;
	p0 =	por $0x1, $0x1;
	v23 =	vimm.s32 $0x0;
	v22 =	vmul.f32 v21, v22  }
.LBB2_13:
0x1ea: {  	s8 =	sor.u32 $0xC0, s9  }
0x1eb: {  	s10 =	sshll.u32 s8, $0x7  }
0x1ec: {  	s10 =	sand.u32 $0x3FFFFF80, s10  }
0x1ed: {  	v24 =	vld [tilespmem:s10+$0x10C00]  }
0x1ee: {  	v25 =	vld [tilespmem:s10+$0x10C10]  }
0x1ef: {  	s8 =	sshll.u32 s8, $0x6;
	v27 =	vld [tilespmem:s10+$0x10C20]  }
0x1f0: {  	s8 =	sand.u32 $0x3FFFFFC0, s8;
	v28 =	vld [tilespmem:s10+$0x10C30]  }
0x1f1: {  	v30 =	vld [tilespmem:s8+$0x6400]  }
0x1f2: {  	s13 =	sor.u32 $0xC1, s9;
	v31 =	vld [tilespmem:s8+$0x6410]  }
0x1f3: {  	s15 =	sshll.u32 s13, $0x7;
	s13 =	sshll.u32 s13, $0x6;
	v32 =	vld [tilespmem:s8+$0x6420]  }
0x1f4: {  	v26 =	vshrl.u32 v23, $0x1B;
	v35 =	vor.u32 $0x1, v23;
	s13 =	sand.u32 $0x3FFFFFC0, s13;
	v33 =	vld [tilespmem:s8+$0x6430]  }
0x1f5: {  	vm0 =	vlt.s32 v23, $0x0;
	v37 =	vadd.s32 $0x11, v23;
	v26 =	vand.u32 $0x10, v26;
	v61 =	vld [tilespmem:s13+$0x6400]  }
0x1f6: {  	v35 =	vsel vm0, v37, v35;
	v26 =	vadd.s32 v23, v26;
	v39 =	vld [tilespmem:s13+$0x6410]  }
0x1f7: {  	v37 =	vperm.xlane v21, v35;
	v29 =	vperm.xlane v21, v26;
	v40 =	vld [tilespmem:s13+$0x6420]  }
0x1f8: {  	v35 =	vperm.xlane v22, v35;
	v26 =	vperm.xlane v22, v26;
	s8 =	sand.u32 $0x3FFFFF80, s15;
	v41 =	vld [tilespmem:s13+$0x6430]  }
0x1f9: {  	v34 =	vld [tilespmem:s8+$0x10C00];
	v24 =	vmul.f32 v29, v24;
	v25 =	vmul.f32 v29, v25  }
0x1fa: {  	s31 =	sor.u32 $0xC2, s9;
	v36 =	vld [tilespmem:s8+$0x10C10];
	v27 =	vmul.f32 v29, v27;
	v28 =	vmul.f32 v29, v28  }
0x1fb: {  	v44 =	vor.u32 $0x2, v23;
	s28 =	sshll.u32 s31, $0x7;
	v38 =	vld [tilespmem:s8+$0x10C20];
	v30 =	vmul.f32 v29, v30;
	v31 =	vmul.f32 v29, v31  }
0x1fc: {  	v45 =	vadd.s32 $0x12, v23;
	s13 =	sand.u32 $0x3FFFFF80, s28;
	v60 =	vld [tilespmem:s8+$0x10C30];
	v32 =	vmul.f32 v29, v32;
	v29 =	vmul.f32 v29, v33  }
0x1fd: {  	v48 =	vsel vm0, v45, v44;
	v42 =	vld [tilespmem:s13+$0x10C00];
	v39 =	vmul.f32 v37, v39;
	v40 =	vmul.f32 v37, v40  }
0x1fe: {  	v43 =	vld [tilespmem:s13+$0x10C10];
	v50 =	vmul.f32 v37, v41;
	v41 =	vperm.xlane v21, v48  }
0x1ff: {  	v49 =	vld [tilespmem:s13+$0x10C20];
	v34 =	vmul.f32 v37, v34;
	v24 =	vsub.f32 v24, v26;
	v25 =	vsub.f32 v25, v26  }
0x200: {  	v51 =	vld [tilespmem:s13+$0x10C30];
	v36 =	vmul.f32 v37, v36;
	v27 =	vsub.f32 v27, v26;
	v28 =	vsub.f32 v28, v26  }
0x201: {  	v38 =	vmul.f32 v37, v38;
	v30 =	vsub.f32 v30, v26;
	v31 =	vsub.f32 v31, v26  }
0x202: {  	v33 =	vmul.f32 v37, v60;
	v32 =	vsub.f32 v32, v26;
	v26 =	vsub.f32 v29, v26  }
0x203: {  	v29 =	vmul.f32 v37, v61;
	v39 =	vsub.f32 v39, v35;
	v63 =	vsub.f32 v40, v35  }
0x204: {  	v54 =	vmul.f32 v41, v42;
	v55 =	vmul.f32 v41, v43;
	v56 =	vsub.f32 v50, v35  }
0x205: {  	v59 =	vmul.f32 v41, v49;
	v37 =	vmul.f32 v41, v51;
	v61 =	vor.u32 $0x3, v23  }
0x206: {  	v34 =	vsub.f32 v34, v35;
	v24 =	vmul.f32 v24, v5;
	v25 =	vmul.f32 v25, v6  }
0x207: {  	v36 =	vsub.f32 v36, v35;
	v27 =	vmul.f32 v27, v7;
	v28 =	vmul.f32 v28, v8  }
0x208: {  	v38 =	vsub.f32 v38, v35;
	v30 =	vmul.f32 v30, v9;
	v31 =	vmul.f32 v31, v10  }
0x209: {  	v33 =	vsub.f32 v33, v35;
	v32 =	vmul.f32 v32, v11;
	v26 =	vmul.f32 v26, v12  }
0x20a: {  	v29 =	vsub.f32 v29, v35;
	v62 =	vmul.f32 v39, v10;
	v24 =	vadd.f32 v24, v13  }
0x20b: {  	v39 =	vperm.xlane v22, v48;
	v25 =	vadd.f32 v25, v14;
	v27 =	vadd.f32 v27, v15  }
0x20c: {  	s15 =	sshll.u32 s31, $0x6;
	v34 =	vmul.f32 v34, v5;
	v28 =	vadd.f32 v28, v16;
	v30 =	vadd.f32 v30, v17;
	[tilespmem:s10+$0x10C00] =	vst v24  }
0x20d: {  	s15 =	sand.u32 $0x3FFFFFC0, s15;
	v36 =	vmul.f32 v36, v6;
	v31 =	vadd.f32 v31, v18;
	v32 =	vadd.f32 v32, v19;
	[tilespmem:s10+$0x10C10] =	vst v25  }
0x20e: {  	v47 =	vld [tilespmem:s15+$0x6430];
	v38 =	vmul.f32 v38, v7;
	v26 =	vadd.f32 v26, v20;
	v58 =	vsub.f32 v55, v39;
	[tilespmem:s10+$0x10C20] =	vst v27  }
0x20f: {  	v57 =	vld [tilespmem:s15+$0x6400];
	v33 =	vmul.f32 v33, v8;
	v35 =	vsub.f32 v59, v39;
	v48 =	vsub.f32 v37, v39;
	[tilespmem:s10+$0x10C30] =	vst v28  }
0x210: {  	v60 =	vld [tilespmem:s15+$0x6410];
	v29 =	vmul.f32 v29, v9;
	v34 =	vadd.f32 v34, v13;
	v36 =	vadd.f32 v36, v14;
	[tilespmem:s10+$0x10C40] =	vst v30  }
0x211: {  	v46 =	vld [tilespmem:s15+$0x6420];
	v53 =	vmul.f32 v63, v11;
	v38 =	vadd.f32 v38, v15;
	v25 =	vadd.f32 v33, v16;
	[tilespmem:s10+$0x10C50] =	vst v31  }
0x212: {  	s30 =	sor.u32 $0xC3, s9;
	v63 =	vmul.f32 v56, v12;
	v52 =	vadd.f32 v29, v17;
	v24 =	vadd.f32 v62, v18;
	[tilespmem:s10+$0x10C60] =	vst v32  }
0x213: {  	s9 =	sshll.u32 s30, $0x7;
	v56 =	vmul.f32 v41, v47;
	v29 =	vadd.f32 v53, v19;
	v28 =	vsub.f32 v54, v39;
	[tilespmem:s10+$0x10C70] =	vst v26  }
0x214: {  	s9 =	sand.u32 $0x3FFFFF80, s9;
	v62 =	vadd.s32 $0x13, v23;
	v31 =	vmul.f32 v58, v6;
	v35 =	vmul.f32 v35, v7;
	[tilespmem:s8+$0x10C00] =	vst v34  }
0x215: {  	v49 =	vld [tilespmem:s9+$0x10C00];
	v26 =	vadd.f32 v63, v20;
	v33 =	vmul.f32 v41, v57;
	v32 =	vmul.f32 v41, v60;
	[tilespmem:s8+$0x10C10] =	vst v36  }
0x216: {  	v50 =	vld [tilespmem:s9+$0x10C10];
	v53 =	vmul.f32 v41, v46;
	v45 =	vsel vm0, v62, v61;
	[tilespmem:s8+$0x10C20] =	vst v38;
	v34 =	vmul.f32 v48, v8  }
0x217: {  	s31 =	sshll.u32 s30, $0x6;
	v59 =	vld [tilespmem:s9+$0x10C30];
	v61 =	vsub.f32 v56, v39;
	v28 =	vmul.f32 v28, v5;
	v31 =	vadd.f32 v31, v14;
	[tilespmem:s8+$0x10C30] =	vst v25  }
0x218: {  	v57 =	vld [tilespmem:s9+$0x10C20];
	s10 =	sand.u32 $0x3FFFFFC0, s31;
	v51 =	vadd.f32 v35, v15;
	v33 =	vsub.f32 v33, v39;
	[tilespmem:s8+$0x10C40] =	vst v52;
	v54 =	vperm.xlane v21, v45  }
0x219: {  	v62 =	vld [tilespmem:s10+$0x6400];
	[tilespmem:s8+$0x10C50] =	vst v24;
	v32 =	vsub.f32 v32, v39;
	v58 =	vsub.f32 v53, v39;
	v30 =	vperm.xlane v22, v45  }
0x21a: {  	v40 =	vld [tilespmem:s10+$0x6410];
	[tilespmem:s8+$0x10C60] =	vst v29;
	v52 =	vadd.f32 v34, v16;
	v41 =	vmul.f32 v61, v12;
	v55 =	vmul.f32 v33, v9  }
0x21b: {  	v42 =	vld [tilespmem:s10+$0x6420];
	[tilespmem:s8+$0x10C70] =	vst v26;
	v28 =	vadd.f32 v28, v13;
	v36 =	vmul.f32 v54, v49;
	v60 =	vmul.f32 v32, v10  }
0x21c: {  	v44 =	vld [tilespmem:s10+$0x6430];
	v37 =	vmul.f32 v54, v50;
	v63 =	vmul.f32 v58, v11;
	[tilespmem:s13+$0x10C10] =	vst v31;
	v45 =	vadd.f32 v41, v20  }
0x21d: {  	[tilespmem:s13+$0x10C20] =	vst v51;
	v34 =	vmul.f32 v54, v59;
	v24 =	vadd.f32 v55, v17;
	v36 =	vsub.f32 v36, v30  }
0x21e: {  	v38 =	vmul.f32 v54, v57;
	[tilespmem:s13+$0x10C30] =	vst v52;
	v26 =	vadd.f32 v60, v18;
	v37 =	vsub.f32 v37, v30  }
0x21f: {  	[tilespmem:s13+$0x10C00] =	vst v28;
	v43 =	vadd.f32 v63, v19;
	v33 =	vmul.f32 v54, v62;
	v29 =	vmul.f32 v54, v40  }
0x220: {  	v50 =	vsub.f32 v34, v30;
	v32 =	vmul.f32 v54, v42;
	[tilespmem:s13+$0x10C70] =	vst v45;
	v36 =	vmul.f32 v36, v5  }
0x221: {  	v28 =	vmul.f32 v54, v44;
	v48 =	vsub.f32 v38, v30;
	v46 =	vmul.f32 v37, v6;
	[tilespmem:s13+$0x10C40] =	vst v24  }
0x222: {  	[tilespmem:s13+$0x10C50] =	vst v26;
	v33 =	vsub.f32 v33, v30;
	v52 =	vmul.f32 v50, v8;
	v47 =	vadd.f32 v36, v13  }
0x223: {  	[tilespmem:s13+$0x10C60] =	vst v43;
	v29 =	vsub.f32 v29, v30;
	v51 =	vmul.f32 v48, v7;
	v49 =	vadd.f32 v46, v14  }
0x224: {  	v55 =	vsub.f32 v32, v30;
	v54 =	vmul.f32 v33, v9;
	v56 =	vadd.f32 v52, v16;
	[tilespmem:s9+$0x10C00] =	vst v47  }
0x225: {  	v28 =	vsub.f32 v28, v30;
	v57 =	vmul.f32 v29, v10;
	v53 =	vadd.f32 v51, v15;
	[tilespmem:s9+$0x10C10] =	vst v49  }
0x226: {  	p1 =	por p0, p0;
	v59 =	vmul.f32 v55, v11;
	v58 =	vadd.f32 v54, v17;
	[tilespmem:s9+$0x10C30] =	vst v56  }
.Ltmp7:
0x227: {  	v61 =	vmul.f32 v28, v12;
	v60 =	vadd.f32 v57, v18;
	[tilespmem:s9+$0x10C20] =	vst v53;
	(pc) =	sbr.rel @p1 .LBB2_13-.Ltmp7, $4  }
0x228: {  	v62 =	vadd.f32 v59, v19;
	[tilespmem:s9+$0x10C40] =	vst v58  }
0x229: {  	v63 =	vadd.f32 v61, v20;
	[tilespmem:s9+$0x10C50] =	vst v60  }
0x22a: {  	[tilespmem:s9+$0x10C60] =	vst v62  }
0x22b: {  	p0 =	por $0x0, $0x0;
	v23 =	vadd.s32 $0x4, v23;
	[tilespmem:s9+$0x10C70] =	vst v63;
	s9 =	simm.s32 $0x4  }
0x22c: {  	p0 =	seq.s32 s23, $0x2A  }
.Ltmp8:
0x22d: {  	s8 =	sadd.s32 s25, s11;
	(pc) =	sbr.rel @p0 .LBB2_22-.Ltmp8, $3  }
0x22e: {  	s8 =	smul.u32 $0xC80, s8;
	_ =	sdelay $0x1  }
0x22f: {  	s8 =	sadd.s32 s4, s8  }
0x230: {  	[hbm4b:s8+s6] =	stream.linear.scatter [tilespmem:s24], [sflag:$0x5], $0x6400, $0x38;
	[tilespmem:$0x1DC00] =	vst v63  }
0x231: {  	s8 =	smul.u32 $0x960, s23  }
0x232: {  	_ =	swait.ge [sflag:s1], $0x6400  }
0x233: {  	[sflag:s1] =	ssyncset.done $0x0;
	s28 =	sshra.s32 s8, $0x2  }
0x234: {  	[sflag:s1] =	ssyncadd.s32 $0xFFFF9C00;
	s8 =	sadd.s32 $0x258, s28  }
0x235: {  	[tilespmem:s20], [sflag:$0x1] =	stream.indirect.gather [hbm4b:s7+s19], $0x80, s8, s19, $0xb8;
	[tilespmem:$0x1DC00] =	vst v63  }
0x236: {  	s31 =	sadd.s32 $0x2D8, s28  }
0x237: {  	[tilespmem:s22], [sflag:$0x1] =	stream.indirect.gather [hbm4b:s7+s21], $0x80, s31, s21, $0xb8;
	[tilespmem:$0x1DC00] =	vst v63  }
0x238: {  	_ =	swait.ge [sflag:s17], $0x4000  }
0x239: {  	[sflag:s17] =	ssyncset.done $0x0  }
0x23a: {  	[sflag:s17] =	ssyncadd.s32 $0xFFFFC000  }
0x23b: {  	_ =	swait.ge [sflag:s17], $0x2400  }
0x23c: {  	s30 =	simm.s32 $0x0;
	[sflag:s17] =	ssyncset.done $0x0  }
0x23d: {  	s15 =	simm.s32 $0x6480;
	s9 =	simm.s32 $0x17500;
	[sflag:s17] =	ssyncadd.s32 $0xFFFFDC00  }
.LBB2_16:
0x23e: {  	s8 =	sshll.u32 s30, $0x4  }
0x23f: {  	v21 =	vor.u32 s8, v0  }
0x240: {  	v22 =	vshll.u32 v21, $0x7;
	v21 =	vshll.u32 v21, $0x4  }
0x241: {  	v23 =	vor.u32 $0x40, v22  }
0x242: {  	v22 =	vor.u32 $0x41, v22  }
0x243: {  	v24 =	vor.u32 $0x1, v21;
	_ =	sdelay $0x1  }
0x244: {  	v21 =	vld.idx.msk [tilespmem:v21+s16+$0x0], $0xffff  }
0x245: {  	v23 =	vld.idx.msk [tilespmem:v23+s29+$0x0], $0xffff  }
0x246: {  	v22 =	vld.idx.msk [tilespmem:v22+s29+$0x0], $0xffff  }
0x247: {  	v24 =	vld.idx.msk [tilespmem:v24+s16+$0x0], $0xffff;
	_ =	sdelay $0x2  }
0x248: {  	v21 =	vadd.f32 v21, v23;
	_ =	sdelay $0x1  }
0x249: {  	v23 =	vmul.f32 $7.812500000e-03, v21;
	v21 =	vadd.f32 v24, v22;
	_ =	sdelay $0x1  }
0x24a: {  	v21 =	vmul.f32 $7.812500000e-03, v21;
	v22 =	vmul.f32 v23, v23;
	_ =	sdelay $0x1  }
0x24b: {  	v21 =	vsub.f32 v21, v22;
	_ =	sdelay $0x1  }
0x24c: {  	v21 =	vadd.f32 $9.999999740e-06, v21;
	_ =	sdelay $0x1  }
0x24d: {  	v22 =	vshrl.u32 v21, $0x1;
	v21 =	vmul.f32 $5.000000000e-01, v21  }
0x24e: {  	v22 =	vsub.s32 $0x5F3759DF, v22  }
0x24f: {  	v24 =	vmul.f32 v22, v21;
	_ =	sdelay $0x1  }
0x250: {  	v24 =	vmul.f32 v22, v24;
	_ =	sdelay $0x1  }
0x251: {  	v24 =	vsub.f32 $1.500000000e+00, v24;
	_ =	sdelay $0x1  }
0x252: {  	v25 =	vld [tilespmem:s15+$0x50];
	v22 =	vmul.f32 v22, v24  }
0x253: {  	v29 =	vld [tilespmem:s15+$0xFFFFFFD0]  }
0x254: {  	v33 =	vld [tilespmem:s15+$0x10];
	v21 =	vmul.f32 v22, v21  }
0x255: {  	v59 =	vld [tilespmem:s15+$0x30]  }
0x256: {  	v37 =	vld [tilespmem:s9+$0xA0];
	v21 =	vmul.f32 v21, v22  }
0x257: {  	v38 =	vld [tilespmem:s9+$0x20]  }
0x258: {  	v26 =	vimm.s32 $0x0;
	v40 =	vld [tilespmem:s15+$0x40];
	v21 =	vsub.f32 $1.500000000e+00, v21  }
0x259: {  	v41 =	vld [tilespmem:s15+$0x20];
	v27 =	vor.u32 $0x1, v26  }
0x25a: {  	v43 =	vld [tilespmem:s9+$0xFFFFFF80];
	vm0 =	vlt.s32 v26, $0x0;
	v28 =	vadd.s32 $0x11, v26;
	v21 =	vmul.f32 v21, v22  }
0x25b: {  	v44 =	vld [tilespmem:s15+$0x70];
	v30 =	vadd.s32 $0x13, v26;
	v31 =	vor.u32 $0x3, v26;
	v32 =	vor.u32 $0x2, v26  }
0x25c: {  	v45 =	vld [tilespmem:s15+$0x60];
	v30 =	vsel vm0, v30, v31;
	v31 =	vadd.s32 $0x12, v26;
	v22 =	vmul.f32 v21, v23  }
0x25d: {  	v46 =	vld [tilespmem:s15+$0xFFFFFFF0];
	v27 =	vsel vm0, v28, v27;
	v31 =	vsel vm0, v31, v32;
	v35 =	vperm.xlane v21, v30  }
0x25e: {  	v47 =	vld [tilespmem:s9+$0xFFFFFFA0];
	v36 =	vperm.xlane v21, v31;
	v34 =	vperm.xlane v22, v27  }
0x25f: {  	v49 =	vld [tilespmem:s9+$0x30];
	v30 =	vperm.xlane v22, v30;
	v27 =	vperm.xlane v21, v27  }
0x260: {  	v55 =	vld [tilespmem:s9+$0x80];
	v31 =	vperm.xlane v22, v31;
	v25 =	vmul.f32 v35, v25  }
0x261: {  	v24 =	vld [tilespmem:s9+$0xFFFFFF90];
	v33 =	vmul.f32 v36, v33;
	v32 =	vmul.f32 v36, v59  }
0x262: {  	v48 =	vld [tilespmem:s9+$0xFFFFFFB0];
	v37 =	vmul.f32 v35, v37;
	v38 =	vmul.f32 v36, v38  }
0x263: {  	v61 =	vld [tilespmem:s15+$0xFFFFFFE0];
	v40 =	vmul.f32 v35, v40;
	v41 =	vmul.f32 v36, v41  }
0x264: {  	v28 =	vld [tilespmem:s9+$0x90];
	v44 =	vmul.f32 v35, v44;
	v60 =	vmul.f32 v35, v45  }
0x265: {  	v23 =	vld [tilespmem:s9+$0x10];
	v52 =	vmul.f32 v36, v49;
	v58 =	vmul.f32 v35, v55  }
0x266: {  	v62 =	vld [tilespmem:s15+$0xFFFFFFC0];
	v24 =	vmul.f32 v27, v24;
	v29 =	vmul.f32 v27, v29  }
0x267: {  	v53 =	vld [tilespmem:s9+$0xB0];
	v33 =	vsub.f32 v33, v31;
	v38 =	vsub.f32 v38, v31;
	v43 =	vmul.f32 v27, v43  }
0x268: {  	v40 =	vsub.f32 v40, v30;
	v25 =	vsub.f32 v25, v30;
	v46 =	vmul.f32 v27, v46  }
0x269: {  	v41 =	vsub.f32 v41, v31;
	v63 =	vmul.f32 v27, v48;
	v50 =	vmul.f32 v27, v47  }
0x26a: {  	v44 =	vsub.f32 v44, v30;
	v39 =	vmul.f32 v36, v23;
	v23 =	vmul.f32 v35, v28;
	v28 =	vld [tilespmem:s15+$0x0]  }
0x26b: {  	v45 =	vmul.f32 v27, v61;
	v27 =	vmul.f32 v27, v62;
	v37 =	vsub.f32 v37, v30  }
0x26c: {  	v61 =	vshrl.u32 v26, $0x1B;
	v35 =	vmul.f32 v35, v53;
	v33 =	vmul.f32 v33, v10  }
0x26d: {  	v24 =	vsub.f32 v24, v34;
	v40 =	vmul.f32 v40, v9;
	v25 =	vmul.f32 v25, v10  }
0x26e: {  	v41 =	vmul.f32 v41, v11;
	v48 =	vsub.f32 v46, v34;
	v29 =	vsub.f32 v29, v34  }
0x26f: {  	v27 =	vsub.f32 v27, v34;
	v46 =	vand.u32 $0x10, v61;
	v28 =	vmul.f32 v36, v28  }
0x270: {  	v42 =	vsub.f32 v23, v30;
	v23 =	vadd.s32 $0x4, v26;
	v39 =	vsub.f32 v39, v31  }
0x271: {  	v24 =	vmul.f32 v24, v6;
	v41 =	vadd.f32 v41, v19;
	v28 =	vsub.f32 v28, v31  }
0x272: {  	v33 =	vadd.f32 v33, v18;
	v40 =	vadd.f32 v40, v17;
	v39 =	vmul.f32 v39, v6  }
0x273: {  	v25 =	vadd.f32 v25, v18;
	[tilespmem:s9+$0x60] =	vst v41;
	v41 =	vadd.f32 v24, v14;
	v28 =	vmul.f32 v28, v9  }
0x274: {  	v59 =	vld [tilespmem:s9+$0xFFFFFF00];
	v26 =	vadd.s32 v26, v46;
	[tilespmem:s9+$0x50] =	vst v33;
	v24 =	vsub.f32 v45, v34;
	v39 =	vadd.f32 v39, v14  }
0x275: {  	v29 =	vmul.f32 v29, v10;
	v27 =	vmul.f32 v27, v9;
	[tilespmem:s9+$0xC0] =	vst v40;
	v28 =	vadd.f32 v28, v17  }
0x276: {  	v46 =	vperm.xlane v21, v26;
	v33 =	vld [tilespmem:s15+$0xFFFFFF90];
	v24 =	vmul.f32 v24, v11;
	[tilespmem:s9+$0x10] =	vst v39;
	v39 =	vsub.f32 v60, v30  }
0x277: {  	v26 =	vperm.xlane v22, v26;
	v40 =	vsub.f32 v63, v34;
	[tilespmem:s9+$0x40] =	vst v28;
	v28 =	vmul.f32 v44, v12  }
0x278: {  	v51 =	vld [tilespmem:s9+$0x0];
	v29 =	vadd.f32 v29, v18;
	v56 =	vadd.f32 v24, v19;
	v39 =	vmul.f32 v39, v11  }
0x279: {  	[tilespmem:s9+$0xD0] =	vst v25;
	v54 =	vmul.f32 v40, v8;
	v40 =	vmul.f32 v46, v59;
	v60 =	vld [tilespmem:s15+$0xFFFFFFB0];
	v25 =	vadd.f32 v28, v20  }
0x27a: {  	v45 =	vsub.f32 v52, v31;
	v52 =	vld [tilespmem:s9+$0xFFFFFF30];
	v24 =	vmul.f32 v37, v7;
	[tilespmem:s9+$0xFFFFFFE0] =	vst v56;
	v28 =	vadd.f32 v39, v19  }
0x27b: {  	v59 =	vsub.f32 v40, v26;
	v33 =	vmul.f32 v46, v33;
	v39 =	vadd.f32 v54, v16;
	v54 =	vld [tilespmem:s15+$0xFFFFFF80];
	[tilespmem:s9+$0xF0] =	vst v25  }
0x27c: {  	v56 =	vmul.f32 v45, v8;
	v25 =	vsub.f32 v50, v34;
	[tilespmem:s9+$0xE0] =	vst v28;
	v28 =	vmul.f32 v48, v12  }
0x27d: {  	v55 =	vld [tilespmem:s9+$0xFFFFFF10];
	v34 =	vsub.f32 v43, v34;
	v43 =	vadd.f32 v27, v17;
	v27 =	vmul.f32 v42, v6  }
0x27e: {  	v63 =	vld [tilespmem:s9+$0xFFFFFF20];
	v45 =	vadd.f32 v56, v16;
	v42 =	vmul.f32 v46, v60;
	v25 =	vmul.f32 v25, v7  }
0x27f: {  	v57 =	vadd.f32 v28, v20;
	v28 =	vmul.f32 v36, v51;
	v51 =	vsub.f32 v35, v30  }
0x280: {  	[tilespmem:s9+$0xFFFFFFD0] =	vst v29;
	v35 =	vmul.f32 v46, v52;
	v61 =	vsub.f32 v42, v26;
	v29 =	vmul.f32 v46, v54  }
0x281: {  	[tilespmem:s9+$0xFFFFFF90] =	vst v41;
	v37 =	vadd.f32 v25, v15;
	v25 =	vmul.f32 v38, v7;
	v28 =	vsub.f32 v28, v31  }
0x282: {  	[tilespmem:s9+$0x30] =	vst v45;
	v36 =	vld [tilespmem:s15+$0xFFFFFFA0];
	v38 =	vsub.f32 v58, v30;
	v30 =	vsub.f32 v32, v31;
	v31 =	vmul.f32 v51, v8  }
0x283: {  	[tilespmem:s9+$0xFFFFFFF0] =	vst v57;
	v57 =	vmul.f32 v46, v63;
	v32 =	vmul.f32 v46, v55;
	v35 =	vsub.f32 v35, v26  }
0x284: {  	[tilespmem:s9+$0xFFFFFFB0] =	vst v39;
	v63 =	vsub.f32 v33, v26;
	v33 =	vmul.f32 v61, v12;
	v62 =	vmul.f32 v28, v5  }
0x285: {  	[tilespmem:s9+$0xFFFFFFC0] =	vst v43;
	v38 =	vmul.f32 v38, v5;
	v31 =	vadd.f32 v31, v16;
	v60 =	vsub.f32 v57, v26  }
0x286: {  	v28 =	vmul.f32 v34, v5;
	[tilespmem:s9+$0xFFFFFFA0] =	vst v37;
	v34 =	vmul.f32 v59, v5;
	v53 =	vadd.f32 v62, v13  }
0x287: {  	v58 =	vmul.f32 v46, v36;
	v38 =	vadd.f32 v38, v13;
	v62 =	vmul.f32 v60, v7;
	[tilespmem:s9+$0xB0] =	vst v31  }
0x288: {  	s10 =	simm.s32 $0x0;
	v37 =	vsub.f32 v32, v26;
	v36 =	vmul.f32 v35, v8;
	v34 =	vadd.f32 v34, v13;
	[tilespmem:s9+$0x0] =	vst v53  }
0x289: {  	s13 =	sadd.s32 $0x200, s9;
	s31 =	smov.u32 s15;
	s8 =	smov.u32 s9;
	v31 =	vmul.f32 v63, v10;
	v35 =	vsub.f32 v58, v26;
	[tilespmem:s9+$0x80] =	vst v38;
	v32 =	vadd.f32 v62, v15  }
.LBB2_17:
0x28a: {  	v38 =	vld [tilespmem:s13+$0xFFFFFF90];
	s10 =	sadd.s32 $0x4, s10;
	[tilespmem:s8+$0xFFFFFF00] =	vst v34;
	v34 =	vmul.f32 v37, v6;
	v36 =	vadd.f32 v36, v16;
	v37 =	vsub.f32 v29, v26;
	s31 =	sadd.s32 $0x100, s31  }
0x28b: {  	v29 =	vor.u32 $0x1, v23;
	vm0 =	vlt.s32 v23, $0x0;
	v40 =	vadd.s32 $0x13, v23;
	v26 =	vmovc v23;
	v39 =	vld [tilespmem:s31+$0x20];
	p0 =	slt.u32 s10, $0xC;
	[tilespmem:s8+$0xFFFFFF20] =	vst v32  }
0x28c: {  	v41 =	vor.u32 $0x3, v23;
	v32 =	vadd.s32 $0x11, v23;
	v42 =	vld [tilespmem:s31+$0x50];
	v34 =	vadd.f32 v34, v14;
	[tilespmem:s8+$0xFFFFFF30] =	vst v36  }
0x28d: {  	v36 =	vsel vm0, v32, v29;
	v29 =	vsel vm0, v40, v41;
	v40 =	vadd.f32 v31, v18;
	v43 =	vld [tilespmem:s13+$0x10]  }
0x28e: {  	v44 =	vadd.s32 $0x12, v23;
	v32 =	vperm.xlane v22, v36;
	v31 =	vperm.xlane v21, v29;
	v41 =	vld [tilespmem:s31+$0xFFFFFFD0]  }
0x28f: {  	v45 =	vor.u32 $0x2, v23;
	v33 =	vadd.f32 v33, v20;
	v29 =	vperm.xlane v22, v29;
	v46 =	vld [tilespmem:s13+$0x90];
	[tilespmem:s8+$0xFFFFFF10] =	vst v34  }
0x290: {  	v44 =	vsel vm0, v44, v45;
	v36 =	vperm.xlane v21, v36;
	v47 =	vld [tilespmem:s31+$0x10];
	[tilespmem:s8+$0xFFFFFF50] =	vst v40;
	v40 =	vmul.f32 v30, v12  }
0x291: {  	v27 =	vadd.f32 v27, v14;
	v35 =	vmul.f32 v35, v11;
	v34 =	vperm.xlane v21, v44;
	v45 =	vld [tilespmem:s31+$0x30];
	[tilespmem:s8+$0xFFFFFF70] =	vst v33  }
0x292: {  	v28 =	vadd.f32 v28, v13;
	v30 =	vperm.xlane v22, v44;
	v44 =	vld [tilespmem:s13+$0xA0];
	v33 =	vadd.f32 v40, v20  }
0x293: {  	v37 =	vmul.f32 v37, v9;
	v35 =	vadd.f32 v35, v19;
	v43 =	vmul.f32 v34, v43;
	v40 =	vld [tilespmem:s13+$0x20];
	[tilespmem:s8+$0x90] =	vst v27  }
0x294: {  	v25 =	vadd.f32 v25, v15;
	v38 =	vmul.f32 v36, v38;
	v48 =	vld [tilespmem:s13+$0xFFFFFF80];
	v27 =	vmul.f32 v31, v46;
	[tilespmem:s8+$0x70] =	vst v33  }
0x295: {  	v24 =	vadd.f32 v24, v15;
	v37 =	vadd.f32 v37, v17;
	v42 =	vmul.f32 v31, v42;
	v46 =	vld [tilespmem:s31+$0x0];
	[tilespmem:s8+$0xFFFFFF60] =	vst v35  }
0x296: {  	v23 =	vadd.s32 $0x4, v23;
	v35 =	vmul.f32 v34, v47;
	v47 =	vld [tilespmem:s31+$0x40];
	v27 =	vsub.f32 v27, v29;
	[tilespmem:s8+$0x20] =	vst v25  }
0x297: {  	v43 =	vsub.f32 v43, v30;
	v33 =	vmul.f32 v34, v45;
	v25 =	vld [tilespmem:s31+$0xFFFFFFF0];
	v44 =	vmul.f32 v31, v44;
	[tilespmem:s8+$0xA0] =	vst v24  }
0x298: {  	v24 =	vmul.f32 v36, v41;
	v35 =	vsub.f32 v35, v30;
	v40 =	vmul.f32 v34, v40;
	v41 =	vld [tilespmem:s31+$0x60];
	[tilespmem:s8+$0xFFFFFF40] =	vst v37  }
0x299: {  	v39 =	vmul.f32 v34, v39;
	v37 =	vsub.f32 v38, v32;
	v38 =	vmul.f32 v43, v6;
	v43 =	vld [tilespmem:s31+$0x70];
	[tilespmem:s8+$0xFFFFFF80] =	vst v28;
	s8 =	smov.u32 s13  }
0x29a: {  	v35 =	vmul.f32 v35, v10;
	v28 =	vsub.f32 v40, v30;
	v40 =	vmul.f32 v34, v46  }
0x29b: {  	v45 =	vmul.f32 v36, v48;
	v38 =	vadd.f32 v38, v14;
	v46 =	vmul.f32 v31, v47  }
0x29c: {  	v35 =	vadd.f32 v35, v18;
	v25 =	vmul.f32 v36, v25;
	v40 =	vsub.f32 v40, v30  }
0x29d: {  	v42 =	vsub.f32 v42, v29;
	v47 =	vld [tilespmem:s13+$0xFFFFFFA0];
	[tilespmem:s13+$0x10] =	vst v38;
	v38 =	vsub.f32 v46, v29;
	v41 =	vmul.f32 v31, v41  }
0x29e: {  	v46 =	vld [tilespmem:s13+$0xFFFFFFB0];
	v40 =	vmul.f32 v40, v9;
	[tilespmem:s13+$0x50] =	vst v35;
	v35 =	vsub.f32 v39, v30;
	v39 =	vmul.f32 v31, v43  }
0x29f: {  	v42 =	vmul.f32 v42, v10;
	v43 =	vld [tilespmem:s31+$0xFFFFFFE0];
	v38 =	vmul.f32 v38, v9;
	v41 =	vsub.f32 v41, v29  }
0x2a0: {  	v48 =	vld [tilespmem:s31+$0xFFFFFFC0];
	v40 =	vadd.f32 v40, v17;
	v35 =	vmul.f32 v35, v11;
	v39 =	vsub.f32 v39, v29  }
0x2a1: {  	v42 =	vadd.f32 v42, v18;
	v49 =	vld [tilespmem:s13+$0x30];
	v38 =	vadd.f32 v38, v17;
	v41 =	vmul.f32 v41, v11  }
0x2a2: {  	v37 =	vmul.f32 v37, v6;
	[tilespmem:s13+$0x40] =	vst v40;
	v35 =	vadd.f32 v35, v19;
	v39 =	vmul.f32 v39, v12  }
0x2a3: {  	v25 =	vsub.f32 v25, v32;
	v40 =	vmul.f32 v36, v46;
	[tilespmem:s13+$0xC0] =	vst v38;
	v38 =	vadd.f32 v41, v19  }
0x2a4: {  	v41 =	vmul.f32 v36, v47;
	v43 =	vmul.f32 v36, v43;
	[tilespmem:s13+$0xD0] =	vst v42;
	v39 =	vadd.f32 v39, v20  }
0x2a5: {  	v24 =	vsub.f32 v24, v32;
	v40 =	vsub.f32 v40, v32;
	v36 =	vmul.f32 v36, v48;
	[tilespmem:s13+$0x60] =	vst v35  }
0x2a6: {  	v35 =	vadd.f32 v37, v14;
	v37 =	vsub.f32 v43, v32;
	v42 =	vld [tilespmem:s13+$0x0];
	v43 =	vmul.f32 v34, v49;
	[tilespmem:s13+$0xF0] =	vst v39  }
0x2a7: {  	v24 =	vmul.f32 v24, v10;
	v39 =	vsub.f32 v41, v32;
	v40 =	vmul.f32 v40, v8;
	v41 =	vld [tilespmem:s13+$0xB0];
	[tilespmem:s13+$0xE0] =	vst v38  }
0x2a8: {  	v25 =	vmul.f32 v25, v12;
	v38 =	vsub.f32 v44, v29;
	[tilespmem:s13+$0xFFFFFF90] =	vst v35;
	v35 =	vmul.f32 v37, v11;
	v37 =	vld [tilespmem:s13+$0x80]  }
0x2a9: {  	v44 =	vadd.f32 v24, v18;
	v39 =	vmul.f32 v39, v7;
	v40 =	vadd.f32 v40, v16  }
0x2aa: {  	v36 =	vsub.f32 v36, v32;
	v24 =	vmul.f32 v38, v7;
	v35 =	vadd.f32 v35, v19  }
0x2ab: {  	v38 =	vadd.f32 v39, v15;
	v39 =	vadd.f32 v25, v20;
	[tilespmem:s13+$0xFFFFFFB0] =	vst v40;
	v34 =	vmul.f32 v34, v42  }
0x2ac: {  	v32 =	vsub.f32 v45, v32;
	v36 =	vmul.f32 v36, v9;
	v25 =	vmul.f32 v28, v7;
	v40 =	vld [tilespmem:s31+$0xFFFFFF90];
	[tilespmem:s13+$0xFFFFFFE0] =	vst v35  }
0x2ad: {  	v35 =	vld [tilespmem:s31+$0xFFFFFFA0];
	[tilespmem:s13+$0xFFFFFFF0] =	vst v39;
	v28 =	vsub.f32 v34, v30;
	v34 =	vmul.f32 v31, v37;
	v31 =	vmul.f32 v31, v41  }
0x2ae: {  	v27 =	vmul.f32 v27, v6;
	v36 =	vadd.f32 v36, v17;
	v37 =	vld [tilespmem:s13+$0xFFFFFF00];
	[tilespmem:s13+$0xFFFFFFA0] =	vst v38;
	v38 =	vsub.f32 v43, v30  }
0x2af: {  	v41 =	vshrl.u32 v26, $0x1B;
	v39 =	vld [tilespmem:s31+$0xFFFFFFB0];
	[tilespmem:s13+$0xFFFFFFD0] =	vst v44;
	v42 =	vmul.f32 v28, v5;
	v34 =	vsub.f32 v34, v29  }
0x2b0: {  	v41 =	vand.u32 $0x10, v41;
	v28 =	vmul.f32 v32, v5;
	v29 =	vsub.f32 v31, v29;
	v43 =	vld [tilespmem:s13+$0xFFFFFF20];
	[tilespmem:s13+$0xFFFFFFC0] =	vst v36  }
0x2b1: {  	v26 =	vadd.s32 v26, v41;
	v31 =	vld [tilespmem:s13+$0xFFFFFF30];
	v32 =	vadd.f32 v42, v13;
	v34 =	vmul.f32 v34, v5  }
0x2b2: {  	v30 =	vsub.f32 v33, v30;
	v41 =	vperm.xlane v21, v26;
	v29 =	vmul.f32 v29, v8;
	v36 =	vld [tilespmem:s31+$0xFFFFFF80]  }
0x2b3: {  	v26 =	vperm.xlane v22, v26;
	v33 =	vld [tilespmem:s13+$0xFFFFFF10];
	[tilespmem:s13+$0x0] =	vst v32;
	v32 =	vmul.f32 v38, v8;
	v34 =	vadd.f32 v34, v13  }
0x2b4: {  	v37 =	vmul.f32 v41, v37;
	v29 =	vadd.f32 v29, v16;
	v38 =	vmul.f32 v41, v39  }
0x2b5: {  	v35 =	vmul.f32 v41, v35;
	v39 =	vmul.f32 v41, v43;
	v32 =	vadd.f32 v32, v16;
	[tilespmem:s13+$0x80] =	vst v34  }
0x2b6: {  	v34 =	vsub.f32 v37, v26;
	v37 =	vmul.f32 v41, v40;
	v31 =	vmul.f32 v41, v31;
	[tilespmem:s13+$0xB0] =	vst v29  }
.Ltmp9:
0x2b7: {  	v39 =	vsub.f32 v39, v26;
	v29 =	vmul.f32 v41, v36;
	v36 =	vsub.f32 v38, v26;
	[tilespmem:s13+$0x30] =	vst v32;
	(pc) =	sbr.rel @p0 .LBB2_17-.Ltmp9, $4  }
0x2b8: {  	v32 =	vmul.f32 v34, v5;
	v38 =	vmul.f32 v41, v33;
	v31 =	vsub.f32 v31, v26  }
0x2b9: {  	v40 =	vsub.f32 v37, v26;
	v39 =	vmul.f32 v39, v7;
	v33 =	vmul.f32 v36, v12  }
0x2ba: {  	v34 =	vadd.f32 v32, v13;
	v37 =	vsub.f32 v38, v26;
	v36 =	vmul.f32 v31, v8  }
0x2bb: {  	v35 =	vsub.f32 v35, v26;
	s13 =	sadd.s32 $0x200, s13;
	v31 =	vmul.f32 v40, v10;
	v32 =	vadd.f32 v39, v15  }
0x2bc: {  	v21 =	vmul.f32 v37, v6;
	[tilespmem:s8+$0xFFFFFF00] =	vst v34;
	v22 =	vadd.f32 v36, v16  }
0x2bd: {  	v27 =	vadd.f32 v27, v14;
	[tilespmem:s8+$0xFFFFFF20] =	vst v32  }
0x2be: {  	v21 =	vadd.f32 v21, v14;
	[tilespmem:s8+$0xFFFFFF30] =	vst v22  }
0x2bf: {  	v22 =	vadd.f32 v31, v18;
	[tilespmem:s8+$0x90] =	vst v27  }
0x2c0: {  	v23 =	vmul.f32 v30, v12;
	[tilespmem:s8+$0xFFFFFF10] =	vst v21;
	v21 =	vadd.f32 v33, v20  }
0x2c1: {  	v26 =	vsub.f32 v29, v26;
	v25 =	vadd.f32 v25, v15;
	[tilespmem:s8+$0xFFFFFF50] =	vst v22;
	v22 =	vmul.f32 v35, v11  }
0x2c2: {  	s30 =	sadd.s32 $0x1, s30;
	[tilespmem:s8+$0xFFFFFF70] =	vst v21;
	v21 =	vadd.f32 v23, v20  }
0x2c3: {  	p0 =	sne.s32 s30, $0xC;
	[tilespmem:s8+$0x20] =	vst v25;
	v22 =	vadd.f32 v22, v19;
	v23 =	vmul.f32 v26, v9  }
.Ltmp10:
0x2c4: {  	[tilespmem:s8+$0x70] =	vst v21;
	v21 =	vadd.f32 v24, v15;
	(pc) =	sbr.rel @p0 .LBB2_16-.Ltmp10, $4  }
0x2c5: {  	[tilespmem:s8+$0xFFFFFF60] =	vst v22;
	v22 =	vadd.f32 v23, v17  }
0x2c6: {  	v23 =	vadd.f32 v28, v13;
	[tilespmem:s8+$0xA0] =	vst v21  }
0x2c7: {  	[tilespmem:s8+$0xFFFFFF40] =	vst v22  }
0x2c8: {  	s15 =	sadd.s32 $0x400, s15;
	s9 =	sadd.s32 $0x800, s9;
	[tilespmem:s8+$0xFFFFFF80] =	vst v23  }
0x2c9: {  	_ =	sdelay $0x3  }
0x2ca: {  	v21 =	vld.idx.msk [tilespmem:v1+s29+$0x0], $0xffff  }
0x2cb: {  	v22 =	vld.idx.msk [tilespmem:v3+s16+$0x0], $0xffff  }
0x2cc: {  	v23 =	vld.idx.msk [tilespmem:v2+s29+$0x0], $0xffff  }
0x2cd: {  	v24 =	vld.idx.msk [tilespmem:v4+s16+$0x0], $0xffff;
	_ =	sdelay $0x2  }
0x2ce: {  	v21 =	vadd.f32 v22, v21;
	_ =	sdelay $0x1  }
0x2cf: {  	v22 =	vmul.f32 $7.812500000e-03, v21;
	v21 =	vadd.f32 v24, v23;
	_ =	sdelay $0x1  }
0x2d0: {  	v21 =	vmul.f32 $7.812500000e-03, v21;
	v23 =	vmul.f32 v22, v22;
	_ =	sdelay $0x1  }
0x2d1: {  	v21 =	vsub.f32 v21, v23;
	_ =	sdelay $0x1  }
0x2d2: {  	v21 =	vadd.f32 $9.999999740e-06, v21;
	_ =	sdelay $0x1  }
0x2d3: {  	v23 =	vshrl.u32 v21, $0x1;
	v21 =	vmul.f32 $5.000000000e-01, v21  }
0x2d4: {  	v23 =	vsub.s32 $0x5F3759DF, v23  }
0x2d5: {  	v63 =	vmul.f32 v23, v21;
	_ =	sdelay $0x1  }
0x2d6: {  	v24 =	vmul.f32 v23, v63;
	_ =	sdelay $0x1  }
0x2d7: {  	v24 =	vsub.f32 $1.500000000e+00, v24;
	_ =	sdelay $0x1  }
0x2d8: {  	v23 =	vmul.f32 v23, v24;
	_ =	sdelay $0x1  }
0x2d9: {  	v21 =	vmul.f32 v23, v21;
	_ =	sdelay $0x1  }
0x2da: {  	v21 =	vmul.f32 v21, v23;
	_ =	sdelay $0x1  }
0x2db: {  	v21 =	vsub.f32 $1.500000000e+00, v21;
	_ =	sdelay $0x1  }
0x2dc: {  	v21 =	vmul.f32 v21, v23;
	_ =	sdelay $0x1  }
0x2dd: {  	s9 =	simm.s32 $0x0;
	p0 =	por $0x1, $0x1;
	v23 =	vimm.s32 $0x0;
	v22 =	vmul.f32 v21, v22  }
.LBB2_20:
0x2de: {  	s8 =	sor.u32 $0xC0, s9  }
0x2df: {  	s10 =	sshll.u32 s8, $0x7  }
0x2e0: {  	s10 =	sand.u32 $0x3FFFFF80, s10  }
0x2e1: {  	v24 =	vld [tilespmem:s10+$0x17400]  }
0x2e2: {  	v25 =	vld [tilespmem:s10+$0x17410]  }
0x2e3: {  	s8 =	sshll.u32 s8, $0x6;
	v27 =	vld [tilespmem:s10+$0x17420]  }
0x2e4: {  	s8 =	sand.u32 $0x3FFFFFC0, s8;
	v28 =	vld [tilespmem:s10+$0x17430]  }
0x2e5: {  	v30 =	vld [tilespmem:s8+$0x6400]  }
0x2e6: {  	s13 =	sor.u32 $0xC1, s9;
	v31 =	vld [tilespmem:s8+$0x6410]  }
0x2e7: {  	s15 =	sshll.u32 s13, $0x7;
	s13 =	sshll.u32 s13, $0x6;
	v32 =	vld [tilespmem:s8+$0x6420]  }
0x2e8: {  	v26 =	vshrl.u32 v23, $0x1B;
	v35 =	vor.u32 $0x1, v23;
	s13 =	sand.u32 $0x3FFFFFC0, s13;
	v33 =	vld [tilespmem:s8+$0x6430]  }
0x2e9: {  	vm0 =	vlt.s32 v23, $0x0;
	v37 =	vadd.s32 $0x11, v23;
	v26 =	vand.u32 $0x10, v26;
	v61 =	vld [tilespmem:s13+$0x6400]  }
0x2ea: {  	v35 =	vsel vm0, v37, v35;
	v26 =	vadd.s32 v23, v26;
	v39 =	vld [tilespmem:s13+$0x6410]  }
0x2eb: {  	v37 =	vperm.xlane v21, v35;
	v29 =	vperm.xlane v21, v26;
	v40 =	vld [tilespmem:s13+$0x6420]  }
0x2ec: {  	v35 =	vperm.xlane v22, v35;
	v26 =	vperm.xlane v22, v26;
	s8 =	sand.u32 $0x3FFFFF80, s15;
	v41 =	vld [tilespmem:s13+$0x6430]  }
0x2ed: {  	v34 =	vld [tilespmem:s8+$0x17400];
	v24 =	vmul.f32 v29, v24;
	v25 =	vmul.f32 v29, v25  }
0x2ee: {  	s31 =	sor.u32 $0xC2, s9;
	v36 =	vld [tilespmem:s8+$0x17410];
	v27 =	vmul.f32 v29, v27;
	v28 =	vmul.f32 v29, v28  }
0x2ef: {  	v44 =	vor.u32 $0x2, v23;
	s30 =	sshll.u32 s31, $0x7;
	v38 =	vld [tilespmem:s8+$0x17420];
	v30 =	vmul.f32 v29, v30;
	v31 =	vmul.f32 v29, v31  }
0x2f0: {  	v45 =	vadd.s32 $0x12, v23;
	s13 =	sand.u32 $0x3FFFFF80, s30;
	v60 =	vld [tilespmem:s8+$0x17430];
	v32 =	vmul.f32 v29, v32;
	v29 =	vmul.f32 v29, v33  }
0x2f1: {  	v48 =	vsel vm0, v45, v44;
	v42 =	vld [tilespmem:s13+$0x17400];
	v39 =	vmul.f32 v37, v39;
	v40 =	vmul.f32 v37, v40  }
0x2f2: {  	v43 =	vld [tilespmem:s13+$0x17410];
	v50 =	vmul.f32 v37, v41;
	v41 =	vperm.xlane v21, v48  }
0x2f3: {  	v49 =	vld [tilespmem:s13+$0x17420];
	v34 =	vmul.f32 v37, v34;
	v24 =	vsub.f32 v24, v26;
	v25 =	vsub.f32 v25, v26  }
0x2f4: {  	v51 =	vld [tilespmem:s13+$0x17430];
	v36 =	vmul.f32 v37, v36;
	v27 =	vsub.f32 v27, v26;
	v28 =	vsub.f32 v28, v26  }
0x2f5: {  	v38 =	vmul.f32 v37, v38;
	v30 =	vsub.f32 v30, v26;
	v31 =	vsub.f32 v31, v26  }
0x2f6: {  	v33 =	vmul.f32 v37, v60;
	v32 =	vsub.f32 v32, v26;
	v26 =	vsub.f32 v29, v26  }
0x2f7: {  	v29 =	vmul.f32 v37, v61;
	v39 =	vsub.f32 v39, v35;
	v63 =	vsub.f32 v40, v35  }
0x2f8: {  	v54 =	vmul.f32 v41, v42;
	v55 =	vmul.f32 v41, v43;
	v56 =	vsub.f32 v50, v35  }
0x2f9: {  	v59 =	vmul.f32 v41, v49;
	v37 =	vmul.f32 v41, v51;
	v61 =	vor.u32 $0x3, v23  }
0x2fa: {  	v34 =	vsub.f32 v34, v35;
	v24 =	vmul.f32 v24, v5;
	v25 =	vmul.f32 v25, v6  }
0x2fb: {  	v36 =	vsub.f32 v36, v35;
	v27 =	vmul.f32 v27, v7;
	v28 =	vmul.f32 v28, v8  }
0x2fc: {  	v38 =	vsub.f32 v38, v35;
	v30 =	vmul.f32 v30, v9;
	v31 =	vmul.f32 v31, v10  }
0x2fd: {  	v33 =	vsub.f32 v33, v35;
	v32 =	vmul.f32 v32, v11;
	v26 =	vmul.f32 v26, v12  }
0x2fe: {  	v29 =	vsub.f32 v29, v35;
	v62 =	vmul.f32 v39, v10;
	v24 =	vadd.f32 v24, v13  }
0x2ff: {  	v39 =	vperm.xlane v22, v48;
	v25 =	vadd.f32 v25, v14;
	v27 =	vadd.f32 v27, v15  }
0x300: {  	s15 =	sshll.u32 s31, $0x6;
	v34 =	vmul.f32 v34, v5;
	v28 =	vadd.f32 v28, v16;
	v30 =	vadd.f32 v30, v17;
	[tilespmem:s10+$0x17400] =	vst v24  }
0x301: {  	s15 =	sand.u32 $0x3FFFFFC0, s15;
	v36 =	vmul.f32 v36, v6;
	v31 =	vadd.f32 v31, v18;
	v32 =	vadd.f32 v32, v19;
	[tilespmem:s10+$0x17410] =	vst v25  }
0x302: {  	v47 =	vld [tilespmem:s15+$0x6430];
	v38 =	vmul.f32 v38, v7;
	v26 =	vadd.f32 v26, v20;
	v58 =	vsub.f32 v55, v39;
	[tilespmem:s10+$0x17420] =	vst v27  }
0x303: {  	v57 =	vld [tilespmem:s15+$0x6400];
	v33 =	vmul.f32 v33, v8;
	v35 =	vsub.f32 v59, v39;
	v48 =	vsub.f32 v37, v39;
	[tilespmem:s10+$0x17430] =	vst v28  }
0x304: {  	v60 =	vld [tilespmem:s15+$0x6410];
	v29 =	vmul.f32 v29, v9;
	v34 =	vadd.f32 v34, v13;
	v36 =	vadd.f32 v36, v14;
	[tilespmem:s10+$0x17440] =	vst v30  }
0x305: {  	v46 =	vld [tilespmem:s15+$0x6420];
	v53 =	vmul.f32 v63, v11;
	v38 =	vadd.f32 v38, v15;
	v25 =	vadd.f32 v33, v16;
	[tilespmem:s10+$0x17450] =	vst v31  }
0x306: {  	s31 =	sor.u32 $0xC3, s9;
	v63 =	vmul.f32 v56, v12;
	v52 =	vadd.f32 v29, v17;
	v24 =	vadd.f32 v62, v18;
	[tilespmem:s10+$0x17460] =	vst v32  }
0x307: {  	s9 =	sshll.u32 s31, $0x7;
	v56 =	vmul.f32 v41, v47;
	v29 =	vadd.f32 v53, v19;
	v28 =	vsub.f32 v54, v39;
	[tilespmem:s10+$0x17470] =	vst v26  }
0x308: {  	s9 =	sand.u32 $0x3FFFFF80, s9;
	v62 =	vadd.s32 $0x13, v23;
	v31 =	vmul.f32 v58, v6;
	v35 =	vmul.f32 v35, v7;
	[tilespmem:s8+$0x17400] =	vst v34  }
0x309: {  	v49 =	vld [tilespmem:s9+$0x17400];
	v26 =	vadd.f32 v63, v20;
	v33 =	vmul.f32 v41, v57;
	v32 =	vmul.f32 v41, v60;
	[tilespmem:s8+$0x17410] =	vst v36  }
0x30a: {  	v50 =	vld [tilespmem:s9+$0x17410];
	v53 =	vmul.f32 v41, v46;
	v45 =	vsel vm0, v62, v61;
	[tilespmem:s8+$0x17420] =	vst v38;
	v34 =	vmul.f32 v48, v8  }
0x30b: {  	s31 =	sshll.u32 s31, $0x6;
	v59 =	vld [tilespmem:s9+$0x17430];
	v61 =	vsub.f32 v56, v39;
	v28 =	vmul.f32 v28, v5;
	v31 =	vadd.f32 v31, v14;
	[tilespmem:s8+$0x17430] =	vst v25  }
0x30c: {  	v57 =	vld [tilespmem:s9+$0x17420];
	s10 =	sand.u32 $0x3FFFFFC0, s31;
	v51 =	vadd.f32 v35, v15;
	v33 =	vsub.f32 v33, v39;
	[tilespmem:s8+$0x17440] =	vst v52;
	v54 =	vperm.xlane v21, v45  }
0x30d: {  	v62 =	vld [tilespmem:s10+$0x6400];
	[tilespmem:s8+$0x17450] =	vst v24;
	v32 =	vsub.f32 v32, v39;
	v58 =	vsub.f32 v53, v39;
	v30 =	vperm.xlane v22, v45  }
0x30e: {  	v40 =	vld [tilespmem:s10+$0x6410];
	[tilespmem:s8+$0x17460] =	vst v29;
	v52 =	vadd.f32 v34, v16;
	v41 =	vmul.f32 v61, v12;
	v55 =	vmul.f32 v33, v9  }
0x30f: {  	v42 =	vld [tilespmem:s10+$0x6420];
	[tilespmem:s8+$0x17470] =	vst v26;
	v28 =	vadd.f32 v28, v13;
	v36 =	vmul.f32 v54, v49;
	v60 =	vmul.f32 v32, v10  }
0x310: {  	v44 =	vld [tilespmem:s10+$0x6430];
	v37 =	vmul.f32 v54, v50;
	v63 =	vmul.f32 v58, v11;
	[tilespmem:s13+$0x17410] =	vst v31;
	v45 =	vadd.f32 v41, v20  }
0x311: {  	[tilespmem:s13+$0x17420] =	vst v51;
	v34 =	vmul.f32 v54, v59;
	v24 =	vadd.f32 v55, v17;
	v36 =	vsub.f32 v36, v30  }
0x312: {  	v38 =	vmul.f32 v54, v57;
	[tilespmem:s13+$0x17430] =	vst v52;
	v26 =	vadd.f32 v60, v18;
	v37 =	vsub.f32 v37, v30  }
0x313: {  	[tilespmem:s13+$0x17400] =	vst v28;
	v43 =	vadd.f32 v63, v19;
	v33 =	vmul.f32 v54, v62;
	v29 =	vmul.f32 v54, v40  }
0x314: {  	v50 =	vsub.f32 v34, v30;
	v32 =	vmul.f32 v54, v42;
	[tilespmem:s13+$0x17470] =	vst v45;
	v36 =	vmul.f32 v36, v5  }
0x315: {  	v28 =	vmul.f32 v54, v44;
	v48 =	vsub.f32 v38, v30;
	v46 =	vmul.f32 v37, v6;
	[tilespmem:s13+$0x17440] =	vst v24  }
0x316: {  	[tilespmem:s13+$0x17450] =	vst v26;
	v33 =	vsub.f32 v33, v30;
	v52 =	vmul.f32 v50, v8;
	v47 =	vadd.f32 v36, v13  }
0x317: {  	[tilespmem:s13+$0x17460] =	vst v43;
	v29 =	vsub.f32 v29, v30;
	v51 =	vmul.f32 v48, v7;
	v49 =	vadd.f32 v46, v14  }
0x318: {  	v55 =	vsub.f32 v32, v30;
	v54 =	vmul.f32 v33, v9;
	v56 =	vadd.f32 v52, v16;
	[tilespmem:s9+$0x17400] =	vst v47  }
0x319: {  	v28 =	vsub.f32 v28, v30;
	v57 =	vmul.f32 v29, v10;
	v53 =	vadd.f32 v51, v15;
	[tilespmem:s9+$0x17410] =	vst v49  }
0x31a: {  	p1 =	por p0, p0;
	v59 =	vmul.f32 v55, v11;
	v58 =	vadd.f32 v54, v17;
	[tilespmem:s9+$0x17430] =	vst v56  }
.Ltmp11:
0x31b: {  	v61 =	vmul.f32 v28, v12;
	v60 =	vadd.f32 v57, v18;
	[tilespmem:s9+$0x17420] =	vst v53;
	(pc) =	sbr.rel @p1 .LBB2_20-.Ltmp11, $4  }
0x31c: {  	v62 =	vadd.f32 v59, v19;
	[tilespmem:s9+$0x17440] =	vst v58  }
0x31d: {  	v63 =	vadd.f32 v61, v20;
	[tilespmem:s9+$0x17450] =	vst v60  }
0x31e: {  	[tilespmem:s9+$0x17460] =	vst v62  }
0x31f: {  	p0 =	por $0x0, $0x0;
	v23 =	vadd.s32 $0x4, v23;
	[tilespmem:s9+$0x17470] =	vst v63;
	s9 =	simm.s32 $0x4  }
0x320: {  	s8 =	sadd.s32 s25, s12  }
0x321: {  	s8 =	smul.u32 $0xC80, s8;
	_ =	sdelay $0x1  }
0x322: {  	s23 =	sadd.s32 $0x1, s23;
	s8 =	sadd.s32 s4, s8  }
0x323: {  	[hbm4b:s8+s6] =	stream.linear.scatter [tilespmem:s29], [sflag:$0x6], $0x6400, $0x38;
	[tilespmem:$0x1DC00] =	vst v63  }
0x324: {  	p0 =	sne.s32 s23, $0x2B;
	_ =	swait.ge [sflag:s3], $0x6400  }
.Ltmp12:
0x325: {  	[sflag:s3] =	ssyncset.done $0x0;
	(pc) =	sbr.rel @p0 .LBB2_2-.Ltmp12, $4  }
.Ltmp13:
0x326: {  	s30 =	sadd.s32 $0x320, s28;
	[sflag:s3] =	ssyncadd.s32 $0xFFFF9C00;
	(pc) =	sbr.rel @!p0 .LBB2_22-.Ltmp13, $4  }
0x327: {  	[tilespmem:s24], [sflag:$0x2] =	stream.indirect.gather [hbm4b:s7+s19], $0x80, s30, s19, $0xb8;
	[tilespmem:$0x1DC00] =	vst v63  }
0x328: {  	s31 =	sadd.s32 $0x3A0, s28  }
0x329: {  	[tilespmem:s26], [sflag:$0x2] =	stream.indirect.gather [hbm4b:s7+s21], $0x80, s31, s21, $0xb8;
	[tilespmem:$0x1DC00] =	vst v63  }
0x32a: {  	_ = 	snop  }
.LBB2_23:
0x32b: {  	_ =	sfence.sel $0x180000  }
0x32c: {  	[bflag:$0x0] =	sbarrier.arrive $0xFFFF  }
0x32d: {  	_ =	strace $0x90000047  }
0x32e: {  	s0 =	stileid.u32;
	[bflag:$0x2] =	sbarrier.arrive $0xFFFF  }
0x32f: {  	p0 =	sne.s32 s0, $0x0;
	s0 =	rddreg [dreg:$0x4]  }
0x330: {  	s0 =	sadd.s32 @!p0 $0x100000, s0  }
0x331: {  	[sflag:s0] =	ssyncadd.tile.s32 @!p0 $0x1;
	_ =	shalt  }
.Lfunc_end2:
_tile_overlayer_lowered:
.L_overlay_start_2:
0x332: {  	(tag) =	ssettag $0x2  }
0x333: {  	s0 =	rddreg [dreg:$0x0];
	s2 =	stileid.u32  }
0x334: {  	s1 =	rddreg [dreg:$0x1];
	p0 =	sne.s32 s2, $0x0  }
0x335: {  	s3 =	rddreg [dreg:$0x2];
	[bflag:$0x3] =	sbarrier.arrive $0xFFFF;
	s2 =	simm.s32 @!p0 $0x1C07  }
0x336: {  	[timem:s3], [sflag:s2] =	dma.local @!p0 [hbm:s0], s1  }
0x337: {  	s0 =	simm.s32 @!p0 $0x7  }
0x338: {  	_ =	swait.ge @!p0 [sflag:s0], s1  }
0x339: {  	s1 =	ssub.s32 @!p0 $0x0, s1;
	[sflag:s0] =	ssyncset.done @!p0 $0x0  }
0x33a: {  	[sflag:s0] =	ssyncadd.s32 @!p0 s1  }
0x33b: {  	[bflag:$0x3] =	sbarrier.arrive $0xFFFF  }
0x33c: {  	_ =	shalt  }

</sc_bundles>
